<compile_context>
chip_gen: v7x
topology: tpu7x:2x2x1
jax: 0.10.2.dev20260603
libtpu: 0.0.44.dev20260713+nightly
codegen_flags: <defaults>
</compile_context>

<pallas_src>
import dataclasses
import functools

import jax
import jax.numpy as jnp
from jax import lax
from jax.experimental import pallas as pl
from jax.experimental.pallas import tpu as pltpu
from jax.experimental.pallas import tpu_sc as plsc

_NB = 6
_ROWS = 4096
_COLS = 6144
_SYM = _COLS // _NB


_BR = 4
_UNROLL = 4


def _sc_body(bits_hbm, tbl_hbm, ore_hbm, oim_hbm, tbl_v):
    pltpu.sync_copy(tbl_hbm, tbl_v)
    lanes = jnp.arange(16, dtype=jnp.int32)
    bases = [lanes * _NB + k for k in range(_NB)]
    zero = jnp.zeros((16,), jnp.int32)

    def body(bits_vmem, ore_vmem, oim_vmem):
        @pl.loop(0, _SYM // (16 * _UNROLL))
        def _(g):
            for r in range(_BR):
                row = jnp.full((16,), r, jnp.int32)
                for q in range(_UNROLL):
                    col = (g * _UNROLL + q) * (16 * _NB)
                    idx = zero
                    for k in range(_NB):
                        idx = idx * 2 + plsc.load_gather(
                            bits_vmem, [row, col + bases[k]])
                    s = pl.ds(g * (16 * _UNROLL) + q * 16, 16)
                    ore_vmem[r, s] = plsc.load_gather(tbl_v, [idx])
                    oim_vmem[r, s] = plsc.load_gather(tbl_v, [idx + 64])

    pltpu.emit_pipeline(
        body,
        grid=(_ROWS // _BR,),
        in_specs=[pl.BlockSpec((_BR, _COLS), lambda i: (i, 0))],
        out_specs=[
            pl.BlockSpec((_BR, _SYM), lambda i: (i, 0)),
            pl.BlockSpec((_BR, _SYM), lambda i: (i, 0)),
        ],
        core_axis_name=("c", "s"),
        dimension_semantics=(pltpu.PARALLEL,),
    )(bits_hbm, ore_hbm, oim_hbm)


@jax.jit
def kernel(inputs, points):
    tbl = jnp.concatenate(
        [jnp.real(points), jnp.imag(points)]).astype(jnp.float32)
    mesh = plsc.VectorSubcoreMesh(core_axis_name="c", subcore_axis_name="s")
    cp = pltpu.CompilerParams()
    if "needs_layout_passes" in pltpu.CompilerParams.__dataclass_fields__:
        cp = dataclasses.replace(cp, needs_layout_passes=False)
    kfn = pl.kernel(
        _sc_body,
        out_type=[
            jax.ShapeDtypeStruct((_ROWS, _SYM), jnp.float32),
            jax.ShapeDtypeStruct((_ROWS, _SYM), jnp.float32),
        ],
        mesh=mesh,
        scratch_types=[pltpu.VMEM((128,), jnp.float32)],
        compiler_params=cp,
    )
    ore, oim = kfn(inputs, tbl)
    return jax.lax.complex(ore, oim)

# --- scband reference (transcript-rebuilt; emitter-appended) ---
"""Pipeline reference for scband-mapper-24077586662029 (READ-ONLY COPY).

The authoritative reference and input builder live on the scoring server;
editing this copy changes nothing except your own understanding.
"""

import jax, jax.numpy as jnp
import numpy as np

N_BITS_PER_SYM = 6
NUM_POINTS = 2 ** N_BITS_PER_SYM


def setup_inputs(seed: int = 0) -> dict:
    key = jax.random.key(seed)
    k1, k2 = jax.random.split(key)
    inputs = jax.random.randint(k1, (4096, 6144), 0, 2, dtype=jnp.int32)
    # learned/fixed constellation points (e.g. 64-QAM), complex64, unit average energy
    pts = jax.random.normal(k2, (NUM_POINTS,), dtype=jnp.complex64)
    pts = pts / jnp.sqrt(jnp.mean(jnp.abs(pts) ** 2))
    return {"inputs": inputs, "points": pts}


def reference(inputs, points):
    n_bits = N_BITS_PER_SYM
    new_shape = tuple(inputs.shape[:-1]) + (inputs.shape[-1] // n_bits, n_bits)
    bits = inputs.reshape(new_shape).astype(jnp.int32)
    binary_base = (2 ** jnp.arange(n_bits - 1, -1, -1)).astype(jnp.int32)
    int_rep = jnp.sum(bits * binary_base, axis=-1)
    x = jnp.take(points, int_rep, axis=0)
    return x

if __name__ == "__main__":
    import jax
    _d = setup_inputs()
    print(jax.jit(kernel)(*tuple(_d.values())))

</pallas_src>

<mosaic_0001>
#map = affine_map<(d0, d1) -> (0, 0)>
#map1 = affine_map<(d0, d1) -> (0)>
module attributes {stable_mosaic.version = 14 : i64} {
  func.func @_sc_body(%arg0: i32, %arg1: i32, %arg2: memref<4096x6144xi32, #tpu.memory_space<hbm>>, %arg3: memref<128xf32, #tpu.memory_space<hbm>>, %arg4: memref<4096x1024xf32, #tpu.memory_space<hbm>>, %arg5: memref<4096x1024xf32, #tpu.memory_space<hbm>>, %arg6: memref<128xf32, #tpu.memory_space<vmem>>) attributes {dimension_semantics = [#tpu.dimension_semantics<core_parallel>, #tpu.dimension_semantics<subcore_parallel>], iteration_bounds = array<i64: 2, 16>, scalar_prefetch = 0 : i64, scratch_operands = 1 : i64, tpu.core_type = #tpu.core_type<sc_vector_subcore>, window_params = [{transform_indices = #map}, {transform_indices = #map1}, {transform_indices = #map}, {transform_indices = #map}]} {
    "tpu.region"() ({
      %run_scoped3A = tpu.sem_alloc : memref<!tpu.dma_semaphore, #tpu.memory_space<semaphore_mem>>
      tpu.enqueue_dma source(%arg3 : memref<128xf32, #tpu.memory_space<hbm>>) target(%arg6 : memref<128xf32, #tpu.memory_space<vmem>>) target_semaphore(%run_scoped3A : memref<!tpu.dma_semaphore, #tpu.memory_space<semaphore_mem>>)
      tpu.wait_dma2 semaphore(%run_scoped3A : memref<!tpu.dma_semaphore, #tpu.memory_space<semaphore_mem>>) src(%arg3 : memref<128xf32, #tpu.memory_space<hbm>>) dst(%arg6 : memref<128xf32, #tpu.memory_space<vmem>>)
      tpu.yield
    }) : () -> ()
    %iota3A = tpu.iota {dimensions = array<i32: 0>} : vector<16xi32>
    %mul3A = arith.constant 6 : i32
    %mul3A_0 = vector.broadcast %mul3A : i32 to vector<16xi32>
    %mul3A_1 = arith.muli %iota3A, %mul3A_0 : vector<16xi32>
    %add3A = arith.constant 0 : i32
    %add3A_2 = vector.broadcast %add3A : i32 to vector<16xi32>
    %add3A_3 = arith.addi %mul3A_1, %add3A_2 : vector<16xi32>
    %mul3A_4 = arith.constant 6 : i32
    %mul3A_5 = vector.broadcast %mul3A_4 : i32 to vector<16xi32>
    %mul3A_6 = arith.muli %iota3A, %mul3A_5 : vector<16xi32>
    %add3A_7 = arith.constant 1 : i32
    %add3A_8 = vector.broadcast %add3A_7 : i32 to vector<16xi32>
    %add3A_9 = arith.addi %mul3A_6, %add3A_8 : vector<16xi32>
    %mul3A_10 = arith.constant 6 : i32
    %mul3A_11 = vector.broadcast %mul3A_10 : i32 to vector<16xi32>
    %mul3A_12 = arith.muli %iota3A, %mul3A_11 : vector<16xi32>
    %add3A_13 = arith.constant 2 : i32
    %add3A_14 = vector.broadcast %add3A_13 : i32 to vector<16xi32>
    %add3A_15 = arith.addi %mul3A_12, %add3A_14 : vector<16xi32>
    %mul3A_16 = arith.constant 6 : i32
    %mul3A_17 = vector.broadcast %mul3A_16 : i32 to vector<16xi32>
    %mul3A_18 = arith.muli %iota3A, %mul3A_17 : vector<16xi32>
    %add3A_19 = arith.constant 3 : i32
    %add3A_20 = vector.broadcast %add3A_19 : i32 to vector<16xi32>
    %add3A_21 = arith.addi %mul3A_18, %add3A_20 : vector<16xi32>
    %mul3A_22 = arith.constant 6 : i32
    %mul3A_23 = vector.broadcast %mul3A_22 : i32 to vector<16xi32>
    %mul3A_24 = arith.muli %iota3A, %mul3A_23 : vector<16xi32>
    %add3A_25 = arith.constant 4 : i32
    %add3A_26 = vector.broadcast %add3A_25 : i32 to vector<16xi32>
    %add3A_27 = arith.addi %mul3A_24, %add3A_26 : vector<16xi32>
    %mul3A_28 = arith.constant 6 : i32
    %mul3A_29 = vector.broadcast %mul3A_28 : i32 to vector<16xi32>
    %mul3A_30 = arith.muli %iota3A, %mul3A_29 : vector<16xi32>
    %add3A_31 = arith.constant 5 : i32
    %add3A_32 = vector.broadcast %add3A_31 : i32 to vector<16xi32>
    %add3A_33 = arith.addi %mul3A_30, %add3A_32 : vector<16xi32>
    %broadcast_in_dim3A = arith.constant 0 : i32
    %broadcast_in_dim3A_34 = vector.broadcast %broadcast_in_dim3A : i32 to vector<16xi32>
    %mul3A_35 = arith.constant 1 : i32
    %mul3A_36 = arith.muli %arg1, %mul3A_35 : i32
    %add3A_37 = arith.constant 0 : i32
    %add3A_38 = arith.addi %add3A_37, %mul3A_36 : i32
    %mul3A_39 = arith.constant 16 : i32
    %mul3A_40 = arith.muli %arg0, %mul3A_39 : i32
    %add3A_41 = arith.addi %add3A_38, %mul3A_40 : i32
    %mul3A_42 = arith.constant 32 : i32
    %mul3A_43 = arith.muli %add3A_41, %mul3A_42 : i32
    "tpu.region"() ({
      %run_scoped3A = memref.alloca() : memref<2x4x6144xi32, #tpu.memory_space<vmem>>
      %run_scoped3A_44 = tpu.sem_alloc : memref<2x!tpu.dma_semaphore, #tpu.memory_space<semaphore_mem>>
      %run_scoped3A_45 = memref.alloca() : memref<2x4x1024xf32, #tpu.memory_space<vmem>>
      %run_scoped3A_46 = tpu.sem_alloc : memref<2x!tpu.dma_semaphore, #tpu.memory_space<semaphore_mem>>
      %run_scoped3A_47 = memref.alloca() : memref<2x4x1024xf32, #tpu.memory_space<vmem>>
      %run_scoped3A_48 = tpu.sem_alloc : memref<2x!tpu.dma_semaphore, #tpu.memory_space<semaphore_mem>>
      %add3A_49 = arith.constant 0 : i32
      %add3A_50 = arith.addi %add3A_49, %mul3A_43 : i32
      %select_n3A = arith.constant true
      %select_n3A_51 = arith.constant 0 : i32
      %select_n3A_52 = arith.constant -1 : i32
      %select_n3A_53 = arith.select %select_n3A, %select_n3A_52, %select_n3A_51 : i32
      %eq3A = arith.constant -1 : i32
      %eq3A_54 = arith.cmpi eq, %select_n3A_53, %eq3A : i32
      %select_n3A_55 = arith.constant 31 : i32
      %select_n3A_56 = arith.select %eq3A_54, %select_n3A_55, %select_n3A_53 : i32
      %add3A_57 = arith.addi %select_n3A_56, %mul3A_43 : i32
      %select_n3A_58 = arith.constant true
      %select_n3A_59 = arith.constant 0 : i32
      %select_n3A_60 = arith.constant 1 : i32
      %select_n3A_61 = arith.select %select_n3A_58, %select_n3A_60, %select_n3A_59 : i32
      %eq3A_62 = arith.constant 32 : i32
      %eq3A_63 = arith.cmpi eq, %select_n3A_61, %eq3A_62 : i32
      %select_n3A_64 = arith.constant 0 : i32
      %select_n3A_65 = arith.select %eq3A_63, %select_n3A_64, %select_n3A_61 : i32
      %add3A_66 = arith.addi %select_n3A_65, %mul3A_43 : i32
      %add3A_67 = arith.constant 1 : i32
      %add3A_68 = arith.addi %select_n3A_65, %add3A_67 : i32
      %select_n3A_69 = arith.constant true
      %select_n3A_70 = arith.select %select_n3A_69, %add3A_68, %select_n3A_65 : i32
      %eq3A_71 = arith.constant 32 : i32
      %eq3A_72 = arith.cmpi eq, %select_n3A_70, %eq3A_71 : i32
      %select_n3A_73 = arith.constant 0 : i32
      %select_n3A_74 = arith.select %eq3A_72, %select_n3A_73, %select_n3A_70 : i32
      %add3A_75 = arith.addi %select_n3A_74, %mul3A_43 : i32
      "tpu.trace_start"() <{level = 10 : i32, message = "ep_initialize_0"}> : () -> ()
      %rem3A = arith.constant 0 : i32
      %rem3A_76 = arith.constant 2 : i32
      %rem3A_77 = arith.remui %rem3A, %rem3A_76 : i32
      %mul3A_78 = arith.constant 4 : i32
      %mul3A_79 = arith.muli %mul3A_78, %add3A_50 : i32
      %dma_start3A = arith.constant 0 : i32
      %dma_start3A_80 = arith.constant 0 : i32
      %dma_start3A_81 = tpu.memref_slice %run_scoped3A[%rem3A_77, %dma_start3A, %dma_start3A_80] : memref<2x4x6144xi32, #tpu.memory_space<vmem>> -> memref<1x4x6144xi32, #tpu.memory_space<vmem>>
      %dma_start3A_82 = tpu.memref_squeeze %dma_start3A_81 : memref<1x4x6144xi32, #tpu.memory_space<vmem>> -> memref<4x6144xi32, #tpu.memory_space<vmem>>
      %dma_start3A_83 = arith.constant 0 : i32
      %dma_start3A_84 = tpu.memref_slice %arg2[%mul3A_79, %dma_start3A_83] : memref<4096x6144xi32, #tpu.memory_space<hbm>> -> memref<4x6144xi32, #tpu.memory_space<hbm>>
      %dma_start3A_85 = tpu.memref_slice %run_scoped3A_44[%rem3A_77] : memref<2x!tpu.dma_semaphore, #tpu.memory_space<semaphore_mem>> -> memref<1x!tpu.dma_semaphore, #tpu.memory_space<semaphore_mem>>
      %dma_start3A_86 = tpu.memref_squeeze %dma_start3A_85 : memref<1x!tpu.dma_semaphore, #tpu.memory_space<semaphore_mem>> -> memref<!tpu.dma_semaphore, #tpu.memory_space<semaphore_mem>>
      %dma_start3A_87 = arith.constant 0 : i32
      %dma_start3A_88 = arith.constant 0 : i32
      %dma_start3A_89 = tpu.memref_slice %run_scoped3A[%rem3A_77, %dma_start3A_87, %dma_start3A_88] : memref<2x4x6144xi32, #tpu.memory_space<vmem>> -> memref<1x4x6144xi32, #tpu.memory_space<vmem>>
      %dma_start3A_90 = tpu.memref_squeeze %dma_start3A_89 : memref<1x4x6144xi32, #tpu.memory_space<vmem>> -> memref<4x6144xi32, #tpu.memory_space<vmem>>
      %dma_start3A_91 = arith.constant 0 : i32
      %dma_start3A_92 = tpu.memref_slice %arg2[%mul3A_79, %dma_start3A_91] : memref<4096x6144xi32, #tpu.memory_space<hbm>> -> memref<4x6144xi32, #tpu.memory_space<hbm>>
      tpu.enqueue_dma source(%dma_start3A_92 : memref<4x6144xi32, #tpu.memory_space<hbm>>) target(%dma_start3A_90 : memref<4x6144xi32, #tpu.memory_space<vmem>>) target_semaphore(%dma_start3A_86 : memref<!tpu.dma_semaphore, #tpu.memory_space<semaphore_mem>>)
      %add3A_93 = arith.constant 0 : i32
      %add3A_94 = arith.constant 1 : i32
      %add3A_95 = arith.addi %add3A_93, %add3A_94 : i32
      %select_n3A_96 = arith.constant true
      %select_n3A_97 = arith.constant 0 : i32
      %select_n3A_98 = arith.select %select_n3A_96, %add3A_95, %select_n3A_97 : i32
      "tpu.trace_stop"() : () -> ()
      %scan3A = arith.constant 0 : i32
      %scan3A_99 = arith.constant 0 : i32
      %scan3A_100 = arith.constant 0 : i32
      %scan3A_101 = arith.constant 0 : i32
      %scan3A_102 = arith.constant 0 : i32
      %scan3A_103 = arith.constant 0 : i32
      %scan3A_104 = arith.constant 0 : i32
      %scan3A_105 = arith.constant 32 : i32
      %scan3A_106 = arith.addi %scan3A_104, %scan3A_105 : i32
      %scan3A_107 = arith.constant 1 : i32
      %scan3A_108:7 = scf.for %scan3A_180 = %scan3A_104 to %scan3A_106 step %scan3A_107 iter_args(%scan3A_181 = %select_n3A_98, %scan3A_182 = %scan3A, %scan3A_183 = %scan3A_99, %scan3A_184 = %scan3A_100, %scan3A_185 = %scan3A_101, %scan3A_186 = %scan3A_102, %scan3A_187 = %scan3A_103) -> (i32, i32, i32, i32, i32, i32, i32)  : i32 {
        %eq3A_188 = arith.constant 0 : i32
        %eq3A_189 = arith.cmpi eq, %scan3A_180, %eq3A_188 : i32
        %eq3A_190 = arith.constant 31 : i32
        %eq3A_191 = arith.cmpi eq, %scan3A_180, %eq3A_190 : i32
        %add3A_192 = arith.addi %scan3A_187, %mul3A_43 : i32
        %sub3A_193 = arith.constant 1 : i32
        %sub3A_194 = arith.subi %scan3A_187, %sub3A_193 : i32
        %select_n3A_195 = arith.constant true
        %select_n3A_196 = arith.select %select_n3A_195, %sub3A_194, %scan3A_187 : i32
        %eq3A_197 = arith.constant -1 : i32
        %eq3A_198 = arith.cmpi eq, %select_n3A_196, %eq3A_197 : i32
        %select_n3A_199 = arith.constant 31 : i32
        %select_n3A_200 = arith.select %eq3A_198, %select_n3A_199, %select_n3A_196 : i32
        %add3A_201 = arith.addi %select_n3A_200, %mul3A_43 : i32
        %add3A_202 = arith.constant 1 : i32
        %add3A_203 = arith.addi %scan3A_187, %add3A_202 : i32
        %select_n3A_204 = arith.constant true
        %select_n3A_205 = arith.select %select_n3A_204, %add3A_203, %scan3A_187 : i32
        %eq3A_206 = arith.constant 32 : i32
        %eq3A_207 = arith.cmpi eq, %select_n3A_205, %eq3A_206 : i32
        %select_n3A_208 = arith.constant 0 : i32
        %select_n3A_209 = arith.select %eq3A_207, %select_n3A_208, %select_n3A_205 : i32
        %add3A_210 = arith.addi %select_n3A_209, %mul3A_43 : i32
        %add3A_211 = arith.constant 1 : i32
        %add3A_212 = arith.addi %select_n3A_209, %add3A_211 : i32
        %select_n3A_213 = arith.constant true
        %select_n3A_214 = arith.select %select_n3A_213, %add3A_212, %select_n3A_209 : i32
        %eq3A_215 = arith.constant 32 : i32
        %eq3A_216 = arith.cmpi eq, %select_n3A_214, %eq3A_215 : i32
        %select_n3A_217 = arith.constant 0 : i32
        %select_n3A_218 = arith.select %eq3A_216, %select_n3A_217, %select_n3A_214 : i32
        %add3A_219 = arith.addi %select_n3A_218, %mul3A_43 : i32
        %ne3A = arith.cmpi ne, %add3A_192, %add3A_210 : i32
        %or3A = arith.constant false
        %or3A_220 = arith.ori %or3A, %ne3A : i1
        %or3A_221 = arith.constant false
        %or3A_222 = arith.ori %or3A_220, %or3A_221 : i1
        %ge3A = arith.constant 31 : i32
        %ge3A_223 = arith.cmpi sge, %scan3A_180, %ge3A : i32
        %not3A = arith.constant true
        %not3A_224 = arith.xori %ge3A_223, %not3A : i1
        %and3A = arith.andi %or3A_222, %not3A_224 : i1
        %convert_element_type3A = arith.extui %and3A : i1 to i32
        %cond3A = arith.constant 0 : i32
        %cond3A_225 = arith.cmpi ne, %convert_element_type3A, %cond3A : i32
        scf.if %cond3A_225 {
          "tpu.trace_start"() <{level = 10 : i32, message = "ep_copy_in"}> : () -> ()
          %rem3A_390 = arith.constant 2 : i32
          %rem3A_391 = arith.remui %scan3A_181, %rem3A_390 : i32
          %mul3A_392 = arith.constant 4 : i32
          %mul3A_393 = arith.muli %mul3A_392, %add3A_210 : i32
          %dma_start3A_394 = arith.constant 0 : i32
          %dma_start3A_395 = arith.constant 0 : i32
          %dma_start3A_396 = tpu.memref_slice %run_scoped3A[%rem3A_391, %dma_start3A_394, %dma_start3A_395] : memref<2x4x6144xi32, #tpu.memory_space<vmem>> -> memref<1x4x6144xi32, #tpu.memory_space<vmem>>
          %dma_start3A_397 = tpu.memref_squeeze %dma_start3A_396 : memref<1x4x6144xi32, #tpu.memory_space<vmem>> -> memref<4x6144xi32, #tpu.memory_space<vmem>>
          %dma_start3A_398 = arith.constant 0 : i32
          %dma_start3A_399 = tpu.memref_slice %arg2[%mul3A_393, %dma_start3A_398] : memref<4096x6144xi32, #tpu.memory_space<hbm>> -> memref<4x6144xi32, #tpu.memory_space<hbm>>
          %dma_start3A_400 = tpu.memref_slice %run_scoped3A_44[%rem3A_391] : memref<2x!tpu.dma_semaphore, #tpu.memory_space<semaphore_mem>> -> memref<1x!tpu.dma_semaphore, #tpu.memory_space<semaphore_mem>>
          %dma_start3A_401 = tpu.memref_squeeze %dma_start3A_400 : memref<1x!tpu.dma_semaphore, #tpu.memory_space<semaphore_mem>> -> memref<!tpu.dma_semaphore, #tpu.memory_space<semaphore_mem>>
          %dma_start3A_402 = arith.constant 0 : i32
          %dma_start3A_403 = arith.constant 0 : i32
          %dma_start3A_404 = tpu.memref_slice %run_scoped3A[%rem3A_391, %dma_start3A_402, %dma_start3A_403] : memref<2x4x6144xi32, #tpu.memory_space<vmem>> -> memref<1x4x6144xi32, #tpu.memory_space<vmem>>
          %dma_start3A_405 = tpu.memref_squeeze %dma_start3A_404 : memref<1x4x6144xi32, #tpu.memory_space<vmem>> -> memref<4x6144xi32, #tpu.memory_space<vmem>>
          %dma_start3A_406 = arith.constant 0 : i32
          %dma_start3A_407 = tpu.memref_slice %arg2[%mul3A_393, %dma_start3A_406] : memref<4096x6144xi32, #tpu.memory_space<hbm>> -> memref<4x6144xi32, #tpu.memory_space<hbm>>
          tpu.enqueue_dma source(%dma_start3A_407 : memref<4x6144xi32, #tpu.memory_space<hbm>>) target(%dma_start3A_405 : memref<4x6144xi32, #tpu.memory_space<vmem>>) target_semaphore(%dma_start3A_401 : memref<!tpu.dma_semaphore, #tpu.memory_space<semaphore_mem>>)
          "tpu.trace_stop"() : () -> ()
        } else {
        }
        %and3A_226 = arith.constant true
        %and3A_227 = arith.andi %and3A, %and3A_226 : i1
        %add3A_228 = arith.constant 1 : i32
        %add3A_229 = arith.addi %scan3A_181, %add3A_228 : i32
        %select_n3A_230 = arith.select %and3A_227, %add3A_229, %scan3A_181 : i32
        %ne3A_231 = arith.cmpi ne, %add3A_192, %add3A_210 : i32
        %or3A_232 = arith.constant false
        %or3A_233 = arith.ori %or3A_232, %ne3A_231 : i1
        %or3A_234 = arith.constant false
        %or3A_235 = arith.ori %or3A_233, %or3A_234 : i1
        %ge3A_236 = arith.constant 31 : i32
        %ge3A_237 = arith.cmpi sge, %scan3A_180, %ge3A_236 : i32
        %not3A_238 = arith.constant true
        %not3A_239 = arith.xori %ge3A_237, %not3A_238 : i1
        %and3A_240 = arith.andi %or3A_235, %not3A_239 : i1
        %ne3A_241 = arith.cmpi ne, %add3A_192, %add3A_210 : i32
        %or3A_242 = arith.constant false
        %or3A_243 = arith.ori %or3A_242, %ne3A_241 : i1
        %or3A_244 = arith.constant false
        %or3A_245 = arith.ori %or3A_243, %or3A_244 : i1
        %ge3A_246 = arith.constant 31 : i32
        %ge3A_247 = arith.cmpi sge, %scan3A_180, %ge3A_246 : i32
        %not3A_248 = arith.constant true
        %not3A_249 = arith.xori %ge3A_247, %not3A_248 : i1
        %and3A_250 = arith.andi %or3A_245, %not3A_249 : i1
        %ne3A_251 = arith.cmpi ne, %add3A_192, %add3A_201 : i32
        %or3A_252 = arith.constant false
        %or3A_253 = arith.ori %or3A_252, %ne3A_251 : i1
        %or3A_254 = arith.constant false
        %or3A_255 = arith.ori %or3A_253, %or3A_254 : i1
        %or3A_256 = arith.ori %or3A_255, %eq3A_189 : i1
        %convert_element_type3A_257 = arith.extui %or3A_256 : i1 to i32
        %cond3A_258 = arith.constant 0 : i32
        %cond3A_259 = arith.cmpi ne, %convert_element_type3A_257, %cond3A_258 : i32
        scf.if %cond3A_259 {
          "tpu.trace_start"() <{level = 10 : i32, message = "ep_wait_in"}> : () -> ()
          %mul3A_390 = arith.constant 4 : i32
          %mul3A_391 = arith.muli %mul3A_390, %add3A_192 : i32
          %rem3A_392 = arith.constant 2 : i32
          %rem3A_393 = arith.remui %scan3A_182, %rem3A_392 : i32
          %dma_wait3A_394 = arith.constant 0 : i32
          %dma_wait3A_395 = arith.constant 0 : i32
          %dma_wait3A_396 = tpu.memref_slice %run_scoped3A[%rem3A_393, %dma_wait3A_394, %dma_wait3A_395] : memref<2x4x6144xi32, #tpu.memory_space<vmem>> -> memref<1x4x6144xi32, #tpu.memory_space<vmem>>
          %dma_wait3A_397 = tpu.memref_squeeze %dma_wait3A_396 : memref<1x4x6144xi32, #tpu.memory_space<vmem>> -> memref<4x6144xi32, #tpu.memory_space<vmem>>
          %dma_wait3A_398 = arith.constant 0 : i32
          %dma_wait3A_399 = tpu.memref_slice %arg2[%mul3A_391, %dma_wait3A_398] : memref<4096x6144xi32, #tpu.memory_space<hbm>> -> memref<4x6144xi32, #tpu.memory_space<hbm>>
          %dma_wait3A_400 = tpu.memref_slice %run_scoped3A_44[%rem3A_393] : memref<2x!tpu.dma_semaphore, #tpu.memory_space<semaphore_mem>> -> memref<1x!tpu.dma_semaphore, #tpu.memory_space<semaphore_mem>>
          %dma_wait3A_401 = tpu.memref_squeeze %dma_wait3A_400 : memref<1x!tpu.dma_semaphore, #tpu.memory_space<semaphore_mem>> -> memref<!tpu.dma_semaphore, #tpu.memory_space<semaphore_mem>>
          %dma_wait3A_402 = arith.constant 0 : i32
          %dma_wait3A_403 = arith.constant 0 : i32
          %dma_wait3A_404 = tpu.memref_slice %run_scoped3A[%rem3A_393, %dma_wait3A_402, %dma_wait3A_403] : memref<2x4x6144xi32, #tpu.memory_space<vmem>> -> memref<1x4x6144xi32, #tpu.memory_space<vmem>>
          %dma_wait3A_405 = tpu.memref_squeeze %dma_wait3A_404 : memref<1x4x6144xi32, #tpu.memory_space<vmem>> -> memref<4x6144xi32, #tpu.memory_space<vmem>>
          %dma_wait3A_406 = arith.constant 0 : i32
          %dma_wait3A_407 = tpu.memref_slice %arg2[%mul3A_391, %dma_wait3A_406] : memref<4096x6144xi32, #tpu.memory_space<hbm>> -> memref<4x6144xi32, #tpu.memory_space<hbm>>
          tpu.wait_dma2 semaphore(%dma_wait3A_401 : memref<!tpu.dma_semaphore, #tpu.memory_space<semaphore_mem>>) src(%dma_wait3A_407 : memref<4x6144xi32, #tpu.memory_space<hbm>>) dst(%dma_wait3A_405 : memref<4x6144xi32, #tpu.memory_space<vmem>>)
          "tpu.trace_stop"() : () -> ()
        } else {
        }
        %ne3A_260 = arith.cmpi ne, %add3A_192, %add3A_201 : i32
        %or3A_261 = arith.constant false
        %or3A_262 = arith.ori %or3A_261, %ne3A_260 : i1
        %or3A_263 = arith.constant false
        %or3A_264 = arith.ori %or3A_262, %or3A_263 : i1
        %or3A_265 = arith.ori %or3A_264, %eq3A_189 : i1
        %convert_element_type3A_266 = arith.extui %or3A_265 : i1 to i32
        %cond3A_267 = arith.constant 0 : i32
        %cond3A_268 = arith.cmpi ne, %convert_element_type3A_266, %cond3A_267 : i32
        scf.if %cond3A_268 {
        } else {
        }
        %ne3A_269 = arith.cmpi ne, %add3A_192, %add3A_201 : i32
        %or3A_270 = arith.constant false
        %or3A_271 = arith.ori %or3A_270, %ne3A_269 : i1
        %or3A_272 = arith.constant false
        %or3A_273 = arith.ori %or3A_271, %or3A_272 : i1
        %or3A_274 = arith.ori %or3A_273, %eq3A_189 : i1
        %convert_element_type3A_275 = arith.extui %or3A_274 : i1 to i32
        %cond3A_276 = arith.constant 0 : i32
        %cond3A_277 = arith.cmpi ne, %convert_element_type3A_275, %cond3A_276 : i32
        scf.if %cond3A_277 {
        } else {
        }
        %rem3A_278 = arith.constant 2 : i32
        %rem3A_279 = arith.remui %scan3A_182, %rem3A_278 : i32
        %rem3A_280 = arith.constant 2 : i32
        %rem3A_281 = arith.remui %scan3A_183, %rem3A_280 : i32
        %rem3A_282 = arith.constant 2 : i32
        %rem3A_283 = arith.remui %scan3A_185, %rem3A_282 : i32
        "tpu.trace_start"() <{level = 10 : i32, message = "ep_run_kernel"}> : () -> ()
        %scan3A_284 = arith.constant 0 : i32
        %scan3A_285 = arith.constant 16 : i32
        %scan3A_286 = arith.addi %scan3A_284, %scan3A_285 : i32
        %scan3A_287 = arith.constant 1 : i32
        scf.for %scan3A_390 = %scan3A_284 to %scan3A_286 step %scan3A_287  : i32 {
          %mul3A_391 = arith.constant 1 : i32
          %mul3A_392 = arith.muli %scan3A_390, %mul3A_391 : i32
          %add3A_393 = arith.constant 0 : i32
          %add3A_394 = arith.addi %add3A_393, %mul3A_392 : i32
          %broadcast_in_dim3A_395 = arith.constant 0 : i32
          %broadcast_in_dim3A_396 = vector.broadcast %broadcast_in_dim3A_395 : i32 to vector<16xi32>
          %mul3A_397 = arith.constant 4 : i32
          %mul3A_398 = arith.muli %add3A_394, %mul3A_397 : i32
          %add3A_399 = arith.constant 0 : i32
          %add3A_400 = arith.addi %mul3A_398, %add3A_399 : i32
          %mul3A_401 = arith.constant 96 : i32
          %mul3A_402 = arith.muli %add3A_400, %mul3A_401 : i32
          %mul3A_403 = arith.constant 2 : i32
          %mul3A_404 = vector.broadcast %mul3A_403 : i32 to vector<16xi32>
          %mul3A_405 = arith.muli %broadcast_in_dim3A_34, %mul3A_404 : vector<16xi32>
          %add3A_406 = vector.broadcast %mul3A_402 : i32 to vector<16xi32>
          %add3A_407 = arith.addi %add3A_406, %add3A_3 : vector<16xi32>
          %gather3A = arith.constant 0 : i32
          %gather3A_408 = arith.constant 0 : i32
          %gather3A_409 = tpu.memref_slice %run_scoped3A[%rem3A_279, %gather3A, %gather3A_408] : memref<2x4x6144xi32, #tpu.memory_space<vmem>> -> memref<1x4x6144xi32, #tpu.memory_space<vmem>>
          %gather3A_410 = tpu.memref_squeeze %gather3A_409 : memref<1x4x6144xi32, #tpu.memory_space<vmem>> -> memref<4x6144xi32, #tpu.memory_space<vmem>>
          %gather3A_411 = tpu.vector_load_idx %gather3A_410[%broadcast_in_dim3A_396, %add3A_407] : memref<4x6144xi32, #tpu.memory_space<vmem>>[vector<16xi32>, vector<16xi32>], vector<16xi32>,
          %add3A_412 = arith.addi %mul3A_405, %gather3A_411 : vector<16xi32>
          %mul3A_413 = arith.constant 2 : i32
          %mul3A_414 = vector.broadcast %mul3A_413 : i32 to vector<16xi32>
          %mul3A_415 = arith.muli %add3A_412, %mul3A_414 : vector<16xi32>
          %add3A_416 = vector.broadcast %mul3A_402 : i32 to vector<16xi32>
          %add3A_417 = arith.addi %add3A_416, %add3A_9 : vector<16xi32>
          %gather3A_418 = arith.constant 0 : i32
          %gather3A_419 = arith.constant 0 : i32
          %gather3A_420 = tpu.memref_slice %run_scoped3A[%rem3A_279, %gather3A_418, %gather3A_419] : memref<2x4x6144xi32, #tpu.memory_space<vmem>> -> memref<1x4x6144xi32, #tpu.memory_space<vmem>>
          %gather3A_421 = tpu.memref_squeeze %gather3A_420 : memref<1x4x6144xi32, #tpu.memory_space<vmem>> -> memref<4x6144xi32, #tpu.memory_space<vmem>>
          %gather3A_422 = tpu.vector_load_idx %gather3A_421[%broadcast_in_dim3A_396, %add3A_417] : memref<4x6144xi32, #tpu.memory_space<vmem>>[vector<16xi32>, vector<16xi32>], vector<16xi32>,
          %add3A_423 = arith.addi %mul3A_415, %gather3A_422 : vector<16xi32>
          %mul3A_424 = arith.constant 2 : i32
          %mul3A_425 = vector.broadcast %mul3A_424 : i32 to vector<16xi32>
          %mul3A_426 = arith.muli %add3A_423, %mul3A_425 : vector<16xi32>
          %add3A_427 = vector.broadcast %mul3A_402 : i32 to vector<16xi32>
          %add3A_428 = arith.addi %add3A_427, %add3A_15 : vector<16xi32>
          %gather3A_429 = arith.constant 0 : i32
          %gather3A_430 = arith.constant 0 : i32
          %gather3A_431 = tpu.memref_slice %run_scoped3A[%rem3A_279, %gather3A_429, %gather3A_430] : memref<2x4x6144xi32, #tpu.memory_space<vmem>> -> memref<1x4x6144xi32, #tpu.memory_space<vmem>>
          %gather3A_432 = tpu.memref_squeeze %gather3A_431 : memref<1x4x6144xi32, #tpu.memory_space<vmem>> -> memref<4x6144xi32, #tpu.memory_space<vmem>>
          %gather3A_433 = tpu.vector_load_idx %gather3A_432[%broadcast_in_dim3A_396, %add3A_428] : memref<4x6144xi32, #tpu.memory_space<vmem>>[vector<16xi32>, vector<16xi32>], vector<16xi32>,
          %add3A_434 = arith.addi %mul3A_426, %gather3A_433 : vector<16xi32>
          %mul3A_435 = arith.constant 2 : i32
          %mul3A_436 = vector.broadcast %mul3A_435 : i32 to vector<16xi32>
          %mul3A_437 = arith.muli %add3A_434, %mul3A_436 : vector<16xi32>
          %add3A_438 = vector.broadcast %mul3A_402 : i32 to vector<16xi32>
          %add3A_439 = arith.addi %add3A_438, %add3A_21 : vector<16xi32>
          %gather3A_440 = arith.constant 0 : i32
          %gather3A_441 = arith.constant 0 : i32
          %gather3A_442 = tpu.memref_slice %run_scoped3A[%rem3A_279, %gather3A_440, %gather3A_441] : memref<2x4x6144xi32, #tpu.memory_space<vmem>> -> memref<1x4x6144xi32, #tpu.memory_space<vmem>>
          %gather3A_443 = tpu.memref_squeeze %gather3A_442 : memref<1x4x6144xi32, #tpu.memory_space<vmem>> -> memref<4x6144xi32, #tpu.memory_space<vmem>>
          %gather3A_444 = tpu.vector_load_idx %gather3A_443[%broadcast_in_dim3A_396, %add3A_439] : memref<4x6144xi32, #tpu.memory_space<vmem>>[vector<16xi32>, vector<16xi32>], vector<16xi32>,
          %add3A_445 = arith.addi %mul3A_437, %gather3A_444 : vector<16xi32>
          %mul3A_446 = arith.constant 2 : i32
          %mul3A_447 = vector.broadcast %mul3A_446 : i32 to vector<16xi32>
          %mul3A_448 = arith.muli %add3A_445, %mul3A_447 : vector<16xi32>
          %add3A_449 = vector.broadcast %mul3A_402 : i32 to vector<16xi32>
          %add3A_450 = arith.addi %add3A_449, %add3A_27 : vector<16xi32>
          %gather3A_451 = arith.constant 0 : i32
          %gather3A_452 = arith.constant 0 : i32
          %gather3A_453 = tpu.memref_slice %run_scoped3A[%rem3A_279, %gather3A_451, %gather3A_452] : memref<2x4x6144xi32, #tpu.memory_space<vmem>> -> memref<1x4x6144xi32, #tpu.memory_space<vmem>>
          %gather3A_454 = tpu.memref_squeeze %gather3A_453 : memref<1x4x6144xi32, #tpu.memory_space<vmem>> -> memref<4x6144xi32, #tpu.memory_space<vmem>>
          %gather3A_455 = tpu.vector_load_idx %gather3A_454[%broadcast_in_dim3A_396, %add3A_450] : memref<4x6144xi32, #tpu.memory_space<vmem>>[vector<16xi32>, vector<16xi32>], vector<16xi32>,
          %add3A_456 = arith.addi %mul3A_448, %gather3A_455 : vector<16xi32>
          %mul3A_457 = arith.constant 2 : i32
          %mul3A_458 = vector.broadcast %mul3A_457 : i32 to vector<16xi32>
          %mul3A_459 = arith.muli %add3A_456, %mul3A_458 : vector<16xi32>
          %add3A_460 = vector.broadcast %mul3A_402 : i32 to vector<16xi32>
          %add3A_461 = arith.addi %add3A_460, %add3A_33 : vector<16xi32>
          %gather3A_462 = arith.constant 0 : i32
          %gather3A_463 = arith.constant 0 : i32
          %gather3A_464 = tpu.memref_slice %run_scoped3A[%rem3A_279, %gather3A_462, %gather3A_463] : memref<2x4x6144xi32, #tpu.memory_space<vmem>> -> memref<1x4x6144xi32, #tpu.memory_space<vmem>>
          %gather3A_465 = tpu.memref_squeeze %gather3A_464 : memref<1x4x6144xi32, #tpu.memory_space<vmem>> -> memref<4x6144xi32, #tpu.memory_space<vmem>>
          %gather3A_466 = tpu.vector_load_idx %gather3A_465[%broadcast_in_dim3A_396, %add3A_461] : memref<4x6144xi32, #tpu.memory_space<vmem>>[vector<16xi32>, vector<16xi32>], vector<16xi32>,
          %add3A_467 = arith.addi %mul3A_459, %gather3A_466 : vector<16xi32>
          %mul3A_468 = arith.constant 64 : i32
          %mul3A_469 = arith.muli %add3A_394, %mul3A_468 : i32
          %add3A_470 = arith.constant 0 : i32
          %add3A_471 = arith.addi %mul3A_469, %add3A_470 : i32
          %gather3A_472 = tpu.vector_load_idx %arg6[%add3A_467] : memref<128xf32, #tpu.memory_space<vmem>>[vector<16xi32>], vector<16xf32>,
          %swap3A = arith.constant 0 : i32
          %swap3A_473 = arith.constant 0 : i32
          %swap3A_474 = arith.constant 0 : i32
          %swap3A_475 = tpu.memref_slice %run_scoped3A_45[%rem3A_281, %swap3A_473, %swap3A_474] : memref<2x4x1024xf32, #tpu.memory_space<vmem>> -> memref<1x4x1024xf32, #tpu.memory_space<vmem>>
          %swap3A_476 = tpu.memref_squeeze %swap3A_475 : memref<1x4x1024xf32, #tpu.memory_space<vmem>> -> memref<4x1024xf32, #tpu.memory_space<vmem>>
          %swap3A_477 = arith.index_cast %swap3A : i32 to index
          %swap3A_478 = arith.index_cast %add3A_471 : i32 to index
          %swap3A_479 = tpu.vector_load %swap3A_476[%swap3A_477, %swap3A_478] {strides = array<i32>} : memref<4x1024xf32, #tpu.memory_space<vmem>>, vector<16xf32>,
          tpu.vector_store %swap3A_476[%swap3A_477, %swap3A_478], %gather3A_472 {strides = array<i32>} : memref<4x1024xf32, #tpu.memory_space<vmem>>, vector<16xf32>,
          %add3A_480 = arith.constant 64 : i32
          %add3A_481 = vector.broadcast %add3A_480 : i32 to vector<16xi32>
          %add3A_482 = arith.addi %add3A_467, %add3A_481 : vector<16xi32>
          %gather3A_483 = tpu.vector_load_idx %arg6[%add3A_482] : memref<128xf32, #tpu.memory_space<vmem>>[vector<16xi32>], vector<16xf32>,
          %swap3A_484 = arith.constant 0 : i32
          %swap3A_485 = arith.constant 0 : i32
          %swap3A_486 = arith.constant 0 : i32
          %swap3A_487 = tpu.memref_slice %run_scoped3A_47[%rem3A_283, %swap3A_485, %swap3A_486] : memref<2x4x1024xf32, #tpu.memory_space<vmem>> -> memref<1x4x1024xf32, #tpu.memory_space<vmem>>
          %swap3A_488 = tpu.memref_squeeze %swap3A_487 : memref<1x4x1024xf32, #tpu.memory_space<vmem>> -> memref<4x1024xf32, #tpu.memory_space<vmem>>
          %swap3A_489 = arith.index_cast %swap3A_484 : i32 to index
          %swap3A_490 = arith.index_cast %add3A_471 : i32 to index
          %swap3A_491 = tpu.vector_load %swap3A_488[%swap3A_489, %swap3A_490] {strides = array<i32>} : memref<4x1024xf32, #tpu.memory_space<vmem>>, vector<16xf32>,
          tpu.vector_store %swap3A_488[%swap3A_489, %swap3A_490], %gather3A_483 {strides = array<i32>} : memref<4x1024xf32, #tpu.memory_space<vmem>>, vector<16xf32>,
          %mul3A_492 = arith.constant 4 : i32
          %mul3A_493 = arith.muli %add3A_394, %mul3A_492 : i32
          %add3A_494 = arith.constant 1 : i32
          %add3A_495 = arith.addi %mul3A_493, %add3A_494 : i32
          %mul3A_496 = arith.constant 96 : i32
          %mul3A_497 = arith.muli %add3A_495, %mul3A_496 : i32
          %mul3A_498 = arith.constant 2 : i32
          %mul3A_499 = vector.broadcast %mul3A_498 : i32 to vector<16xi32>
          %mul3A_500 = arith.muli %broadcast_in_dim3A_34, %mul3A_499 : vector<16xi32>
          %add3A_501 = vector.broadcast %mul3A_497 : i32 to vector<16xi32>
          %add3A_502 = arith.addi %add3A_501, %add3A_3 : vector<16xi32>
          %gather3A_503 = arith.constant 0 : i32
          %gather3A_504 = arith.constant 0 : i32
          %gather3A_505 = tpu.memref_slice %run_scoped3A[%rem3A_279, %gather3A_503, %gather3A_504] : memref<2x4x6144xi32, #tpu.memory_space<vmem>> -> memref<1x4x6144xi32, #tpu.memory_space<vmem>>
          %gather3A_506 = tpu.memref_squeeze %gather3A_505 : memref<1x4x6144xi32, #tpu.memory_space<vmem>> -> memref<4x6144xi32, #tpu.memory_space<vmem>>
          %gather3A_507 = tpu.vector_load_idx %gather3A_506[%broadcast_in_dim3A_396, %add3A_502] : memref<4x6144xi32, #tpu.memory_space<vmem>>[vector<16xi32>, vector<16xi32>], vector<16xi32>,
          %add3A_508 = arith.addi %mul3A_500, %gather3A_507 : vector<16xi32>
          %mul3A_509 = arith.constant 2 : i32
          %mul3A_510 = vector.broadcast %mul3A_509 : i32 to vector<16xi32>
          %mul3A_511 = arith.muli %add3A_508, %mul3A_510 : vector<16xi32>
          %add3A_512 = vector.broadcast %mul3A_497 : i32 to vector<16xi32>
          %add3A_513 = arith.addi %add3A_512, %add3A_9 : vector<16xi32>
          %gather3A_514 = arith.constant 0 : i32
          %gather3A_515 = arith.constant 0 : i32
          %gather3A_516 = tpu.memref_slice %run_scoped3A[%rem3A_279, %gather3A_514, %gather3A_515] : memref<2x4x6144xi32, #tpu.memory_space<vmem>> -> memref<1x4x6144xi32, #tpu.memory_space<vmem>>
          %gather3A_517 = tpu.memref_squeeze %gather3A_516 : memref<1x4x6144xi32, #tpu.memory_space<vmem>> -> memref<4x6144xi32, #tpu.memory_space<vmem>>
          %gather3A_518 = tpu.vector_load_idx %gather3A_517[%broadcast_in_dim3A_396, %add3A_513] : memref<4x6144xi32, #tpu.memory_space<vmem>>[vector<16xi32>, vector<16xi32>], vector<16xi32>,
          %add3A_519 = arith.addi %mul3A_511, %gather3A_518 : vector<16xi32>
          %mul3A_520 = arith.constant 2 : i32
          %mul3A_521 = vector.broadcast %mul3A_520 : i32 to vector<16xi32>
          %mul3A_522 = arith.muli %add3A_519, %mul3A_521 : vector<16xi32>
          %add3A_523 = vector.broadcast %mul3A_497 : i32 to vector<16xi32>
          %add3A_524 = arith.addi %add3A_523, %add3A_15 : vector<16xi32>
          %gather3A_525 = arith.constant 0 : i32
          %gather3A_526 = arith.constant 0 : i32
          %gather3A_527 = tpu.memref_slice %run_scoped3A[%rem3A_279, %gather3A_525, %gather3A_526] : memref<2x4x6144xi32, #tpu.memory_space<vmem>> -> memref<1x4x6144xi32, #tpu.memory_space<vmem>>
          %gather3A_528 = tpu.memref_squeeze %gather3A_527 : memref<1x4x6144xi32, #tpu.memory_space<vmem>> -> memref<4x6144xi32, #tpu.memory_space<vmem>>
          %gather3A_529 = tpu.vector_load_idx %gather3A_528[%broadcast_in_dim3A_396, %add3A_524] : memref<4x6144xi32, #tpu.memory_space<vmem>>[vector<16xi32>, vector<16xi32>], vector<16xi32>,
          %add3A_530 = arith.addi %mul3A_522, %gather3A_529 : vector<16xi32>
          %mul3A_531 = arith.constant 2 : i32
          %mul3A_532 = vector.broadcast %mul3A_531 : i32 to vector<16xi32>
          %mul3A_533 = arith.muli %add3A_530, %mul3A_532 : vector<16xi32>
          %add3A_534 = vector.broadcast %mul3A_497 : i32 to vector<16xi32>
          %add3A_535 = arith.addi %add3A_534, %add3A_21 : vector<16xi32>
          %gather3A_536 = arith.constant 0 : i32
          %gather3A_537 = arith.constant 0 : i32
          %gather3A_538 = tpu.memref_slice %run_scoped3A[%rem3A_279, %gather3A_536, %gather3A_537] : memref<2x4x6144xi32, #tpu.memory_space<vmem>> -> memref<1x4x6144xi32, #tpu.memory_space<vmem>>
          %gather3A_539 = tpu.memref_squeeze %gather3A_538 : memref<1x4x6144xi32, #tpu.memory_space<vmem>> -> memref<4x6144xi32, #tpu.memory_space<vmem>>
          %gather3A_540 = tpu.vector_load_idx %gather3A_539[%broadcast_in_dim3A_396, %add3A_535] : memref<4x6144xi32, #tpu.memory_space<vmem>>[vector<16xi32>, vector<16xi32>], vector<16xi32>,
          %add3A_541 = arith.addi %mul3A_533, %gather3A_540 : vector<16xi32>
          %mul3A_542 = arith.constant 2 : i32
          %mul3A_543 = vector.broadcast %mul3A_542 : i32 to vector<16xi32>
          %mul3A_544 = arith.muli %add3A_541, %mul3A_543 : vector<16xi32>
          %add3A_545 = vector.broadcast %mul3A_497 : i32 to vector<16xi32>
          %add3A_546 = arith.addi %add3A_545, %add3A_27 : vector<16xi32>
          %gather3A_547 = arith.constant 0 : i32
          %gather3A_548 = arith.constant 0 : i32
          %gather3A_549 = tpu.memref_slice %run_scoped3A[%rem3A_279, %gather3A_547, %gather3A_548] : memref<2x4x6144xi32, #tpu.memory_space<vmem>> -> memref<1x4x6144xi32, #tpu.memory_space<vmem>>
          %gather3A_550 = tpu.memref_squeeze %gather3A_549 : memref<1x4x6144xi32, #tpu.memory_space<vmem>> -> memref<4x6144xi32, #tpu.memory_space<vmem>>
          %gather3A_551 = tpu.vector_load_idx %gather3A_550[%broadcast_in_dim3A_396, %add3A_546] : memref<4x6144xi32, #tpu.memory_space<vmem>>[vector<16xi32>, vector<16xi32>], vector<16xi32>,
          %add3A_552 = arith.addi %mul3A_544, %gather3A_551 : vector<16xi32>
          %mul3A_553 = arith.constant 2 : i32
          %mul3A_554 = vector.broadcast %mul3A_553 : i32 to vector<16xi32>
          %mul3A_555 = arith.muli %add3A_552, %mul3A_554 : vector<16xi32>
          %add3A_556 = vector.broadcast %mul3A_497 : i32 to vector<16xi32>
          %add3A_557 = arith.addi %add3A_556, %add3A_33 : vector<16xi32>
          %gather3A_558 = arith.constant 0 : i32
          %gather3A_559 = arith.constant 0 : i32
          %gather3A_560 = tpu.memref_slice %run_scoped3A[%rem3A_279, %gather3A_558, %gather3A_559] : memref<2x4x6144xi32, #tpu.memory_space<vmem>> -> memref<1x4x6144xi32, #tpu.memory_space<vmem>>
          %gather3A_561 = tpu.memref_squeeze %gather3A_560 : memref<1x4x6144xi32, #tpu.memory_space<vmem>> -> memref<4x6144xi32, #tpu.memory_space<vmem>>
          %gather3A_562 = tpu.vector_load_idx %gather3A_561[%broadcast_in_dim3A_396, %add3A_557] : memref<4x6144xi32, #tpu.memory_space<vmem>>[vector<16xi32>, vector<16xi32>], vector<16xi32>,
          %add3A_563 = arith.addi %mul3A_555, %gather3A_562 : vector<16xi32>
          %mul3A_564 = arith.constant 64 : i32
          %mul3A_565 = arith.muli %add3A_394, %mul3A_564 : i32
          %add3A_566 = arith.constant 16 : i32
          %add3A_567 = arith.addi %mul3A_565, %add3A_566 : i32
          %gather3A_568 = tpu.vector_load_idx %arg6[%add3A_563] : memref<128xf32, #tpu.memory_space<vmem>>[vector<16xi32>], vector<16xf32>,
          %swap3A_569 = arith.constant 0 : i32
          %swap3A_570 = arith.constant 0 : i32
          %swap3A_571 = arith.constant 0 : i32
          %swap3A_572 = tpu.memref_slice %run_scoped3A_45[%rem3A_281, %swap3A_570, %swap3A_571] : memref<2x4x1024xf32, #tpu.memory_space<vmem>> -> memref<1x4x1024xf32, #tpu.memory_space<vmem>>
          %swap3A_573 = tpu.memref_squeeze %swap3A_572 : memref<1x4x1024xf32, #tpu.memory_space<vmem>> -> memref<4x1024xf32, #tpu.memory_space<vmem>>
          %swap3A_574 = arith.index_cast %swap3A_569 : i32 to index
          %swap3A_575 = arith.index_cast %add3A_567 : i32 to index
          %swap3A_576 = tpu.vector_load %swap3A_573[%swap3A_574, %swap3A_575] {strides = array<i32>} : memref<4x1024xf32, #tpu.memory_space<vmem>>, vector<16xf32>,
          tpu.vector_store %swap3A_573[%swap3A_574, %swap3A_575], %gather3A_568 {strides = array<i32>} : memref<4x1024xf32, #tpu.memory_space<vmem>>, vector<16xf32>,
          %add3A_577 = arith.constant 64 : i32
          %add3A_578 = vector.broadcast %add3A_577 : i32 to vector<16xi32>
          %add3A_579 = arith.addi %add3A_563, %add3A_578 : vector<16xi32>
          %gather3A_580 = tpu.vector_load_idx %arg6[%add3A_579] : memref<128xf32, #tpu.memory_space<vmem>>[vector<16xi32>], vector<16xf32>,
          %swap3A_581 = arith.constant 0 : i32
          %swap3A_582 = arith.constant 0 : i32
          %swap3A_583 = arith.constant 0 : i32
          %swap3A_584 = tpu.memref_slice %run_scoped3A_47[%rem3A_283, %swap3A_582, %swap3A_583] : memref<2x4x1024xf32, #tpu.memory_space<vmem>> -> memref<1x4x1024xf32, #tpu.memory_space<vmem>>
          %swap3A_585 = tpu.memref_squeeze %swap3A_584 : memref<1x4x1024xf32, #tpu.memory_space<vmem>> -> memref<4x1024xf32, #tpu.memory_space<vmem>>
          %swap3A_586 = arith.index_cast %swap3A_581 : i32 to index
          %swap3A_587 = arith.index_cast %add3A_567 : i32 to index
          %swap3A_588 = tpu.vector_load %swap3A_585[%swap3A_586, %swap3A_587] {strides = array<i32>} : memref<4x1024xf32, #tpu.memory_space<vmem>>, vector<16xf32>,
          tpu.vector_store %swap3A_585[%swap3A_586, %swap3A_587], %gather3A_580 {strides = array<i32>} : memref<4x1024xf32, #tpu.memory_space<vmem>>, vector<16xf32>,
          %mul3A_589 = arith.constant 4 : i32
          %mul3A_590 = arith.muli %add3A_394, %mul3A_589 : i32
          %add3A_591 = arith.constant 2 : i32
          %add3A_592 = arith.addi %mul3A_590, %add3A_591 : i32
          %mul3A_593 = arith.constant 96 : i32
          %mul3A_594 = arith.muli %add3A_592, %mul3A_593 : i32
          %mul3A_595 = arith.constant 2 : i32
          %mul3A_596 = vector.broadcast %mul3A_595 : i32 to vector<16xi32>
          %mul3A_597 = arith.muli %broadcast_in_dim3A_34, %mul3A_596 : vector<16xi32>
          %add3A_598 = vector.broadcast %mul3A_594 : i32 to vector<16xi32>
          %add3A_599 = arith.addi %add3A_598, %add3A_3 : vector<16xi32>
          %gather3A_600 = arith.constant 0 : i32
          %gather3A_601 = arith.constant 0 : i32
          %gather3A_602 = tpu.memref_slice %run_scoped3A[%rem3A_279, %gather3A_600, %gather3A_601] : memref<2x4x6144xi32, #tpu.memory_space<vmem>> -> memref<1x4x6144xi32, #tpu.memory_space<vmem>>
          %gather3A_603 = tpu.memref_squeeze %gather3A_602 : memref<1x4x6144xi32, #tpu.memory_space<vmem>> -> memref<4x6144xi32, #tpu.memory_space<vmem>>
          %gather3A_604 = tpu.vector_load_idx %gather3A_603[%broadcast_in_dim3A_396, %add3A_599] : memref<4x6144xi32, #tpu.memory_space<vmem>>[vector<16xi32>, vector<16xi32>], vector<16xi32>,
          %add3A_605 = arith.addi %mul3A_597, %gather3A_604 : vector<16xi32>
          %mul3A_606 = arith.constant 2 : i32
          %mul3A_607 = vector.broadcast %mul3A_606 : i32 to vector<16xi32>
          %mul3A_608 = arith.muli %add3A_605, %mul3A_607 : vector<16xi32>
          %add3A_609 = vector.broadcast %mul3A_594 : i32 to vector<16xi32>
          %add3A_610 = arith.addi %add3A_609, %add3A_9 : vector<16xi32>
          %gather3A_611 = arith.constant 0 : i32
          %gather3A_612 = arith.constant 0 : i32
          %gather3A_613 = tpu.memref_slice %run_scoped3A[%rem3A_279, %gather3A_611, %gather3A_612] : memref<2x4x6144xi32, #tpu.memory_space<vmem>> -> memref<1x4x6144xi32, #tpu.memory_space<vmem>>
          %gather3A_614 = tpu.memref_squeeze %gather3A_613 : memref<1x4x6144xi32, #tpu.memory_space<vmem>> -> memref<4x6144xi32, #tpu.memory_space<vmem>>
          %gather3A_615 = tpu.vector_load_idx %gather3A_614[%broadcast_in_dim3A_396, %add3A_610] : memref<4x6144xi32, #tpu.memory_space<vmem>>[vector<16xi32>, vector<16xi32>], vector<16xi32>,
          %add3A_616 = arith.addi %mul3A_608, %gather3A_615 : vector<16xi32>
          %mul3A_617 = arith.constant 2 : i32
          %mul3A_618 = vector.broadcast %mul3A_617 : i32 to vector<16xi32>
          %mul3A_619 = arith.muli %add3A_616, %mul3A_618 : vector<16xi32>
          %add3A_620 = vector.broadcast %mul3A_594 : i32 to vector<16xi32>
          %add3A_621 = arith.addi %add3A_620, %add3A_15 : vector<16xi32>
          %gather3A_622 = arith.constant 0 : i32
          %gather3A_623 = arith.constant 0 : i32
          %gather3A_624 = tpu.memref_slice %run_scoped3A[%rem3A_279, %gather3A_622, %gather3A_623] : memref<2x4x6144xi32, #tpu.memory_space<vmem>> -> memref<1x4x6144xi32, #tpu.memory_space<vmem>>
          %gather3A_625 = tpu.memref_squeeze %gather3A_624 : memref<1x4x6144xi32, #tpu.memory_space<vmem>> -> memref<4x6144xi32, #tpu.memory_space<vmem>>
          %gather3A_626 = tpu.vector_load_idx %gather3A_625[%broadcast_in_dim3A_396, %add3A_621] : memref<4x6144xi32, #tpu.memory_space<vmem>>[vector<16xi32>, vector<16xi32>], vector<16xi32>,
          %add3A_627 = arith.addi %mul3A_619, %gather3A_626 : vector<16xi32>
          %mul3A_628 = arith.constant 2 : i32
          %mul3A_629 = vector.broadcast %mul3A_628 : i32 to vector<16xi32>
          %mul3A_630 = arith.muli %add3A_627, %mul3A_629 : vector<16xi32>
          %add3A_631 = vector.broadcast %mul3A_594 : i32 to vector<16xi32>
          %add3A_632 = arith.addi %add3A_631, %add3A_21 : vector<16xi32>
          %gather3A_633 = arith.constant 0 : i32
          %gather3A_634 = arith.constant 0 : i32
          %gather3A_635 = tpu.memref_slice %run_scoped3A[%rem3A_279, %gather3A_633, %gather3A_634] : memref<2x4x6144xi32, #tpu.memory_space<vmem>> -> memref<1x4x6144xi32, #tpu.memory_space<vmem>>
          %gather3A_636 = tpu.memref_squeeze %gather3A_635 : memref<1x4x6144xi32, #tpu.memory_space<vmem>> -> memref<4x6144xi32, #tpu.memory_space<vmem>>
          %gather3A_637 = tpu.vector_load_idx %gather3A_636[%broadcast_in_dim3A_396, %add3A_632] : memref<4x6144xi32, #tpu.memory_space<vmem>>[vector<16xi32>, vector<16xi32>], vector<16xi32>,
          %add3A_638 = arith.addi %mul3A_630, %gather3A_637 : vector<16xi32>
          %mul3A_639 = arith.constant 2 : i32
          %mul3A_640 = vector.broadcast %mul3A_639 : i32 to vector<16xi32>
          %mul3A_641 = arith.muli %add3A_638, %mul3A_640 : vector<16xi32>
          %add3A_642 = vector.broadcast %mul3A_594 : i32 to vector<16xi32>
          %add3A_643 = arith.addi %add3A_642, %add3A_27 : vector<16xi32>
          %gather3A_644 = arith.constant 0 : i32
          %gather3A_645 = arith.constant 0 : i32
          %gather3A_646 = tpu.memref_slice %run_scoped3A[%rem3A_279, %gather3A_644, %gather3A_645] : memref<2x4x6144xi32, #tpu.memory_space<vmem>> -> memref<1x4x6144xi32, #tpu.memory_space<vmem>>
          %gather3A_647 = tpu.memref_squeeze %gather3A_646 : memref<1x4x6144xi32, #tpu.memory_space<vmem>> -> memref<4x6144xi32, #tpu.memory_space<vmem>>
          %gather3A_648 = tpu.vector_load_idx %gather3A_647[%broadcast_in_dim3A_396, %add3A_643] : memref<4x6144xi32, #tpu.memory_space<vmem>>[vector<16xi32>, vector<16xi32>], vector<16xi32>,
          %add3A_649 = arith.addi %mul3A_641, %gather3A_648 : vector<16xi32>
          %mul3A_650 = arith.constant 2 : i32
          %mul3A_651 = vector.broadcast %mul3A_650 : i32 to vector<16xi32>
          %mul3A_652 = arith.muli %add3A_649, %mul3A_651 : vector<16xi32>
          %add3A_653 = vector.broadcast %mul3A_594 : i32 to vector<16xi32>
          %add3A_654 = arith.addi %add3A_653, %add3A_33 : vector<16xi32>
          %gather3A_655 = arith.constant 0 : i32
          %gather3A_656 = arith.constant 0 : i32
          %gather3A_657 = tpu.memref_slice %run_scoped3A[%rem3A_279, %gather3A_655, %gather3A_656] : memref<2x4x6144xi32, #tpu.memory_space<vmem>> -> memref<1x4x6144xi32, #tpu.memory_space<vmem>>
          %gather3A_658 = tpu.memref_squeeze %gather3A_657 : memref<1x4x6144xi32, #tpu.memory_space<vmem>> -> memref<4x6144xi32, #tpu.memory_space<vmem>>
          %gather3A_659 = tpu.vector_load_idx %gather3A_658[%broadcast_in_dim3A_396, %add3A_654] : memref<4x6144xi32, #tpu.memory_space<vmem>>[vector<16xi32>, vector<16xi32>], vector<16xi32>,
          %add3A_660 = arith.addi %mul3A_652, %gather3A_659 : vector<16xi32>
          %mul3A_661 = arith.constant 64 : i32
          %mul3A_662 = arith.muli %add3A_394, %mul3A_661 : i32
          %add3A_663 = arith.constant 32 : i32
          %add3A_664 = arith.addi %mul3A_662, %add3A_663 : i32
          %gather3A_665 = tpu.vector_load_idx %arg6[%add3A_660] : memref<128xf32, #tpu.memory_space<vmem>>[vector<16xi32>], vector<16xf32>,
          %swap3A_666 = arith.constant 0 : i32
          %swap3A_667 = arith.constant 0 : i32
          %swap3A_668 = arith.constant 0 : i32
          %swap3A_669 = tpu.memref_slice %run_scoped3A_45[%rem3A_281, %swap3A_667, %swap3A_668] : memref<2x4x1024xf32, #tpu.memory_space<vmem>> -> memref<1x4x1024xf32, #tpu.memory_space<vmem>>
          %swap3A_670 = tpu.memref_squeeze %swap3A_669 : memref<1x4x1024xf32, #tpu.memory_space<vmem>> -> memref<4x1024xf32, #tpu.memory_space<vmem>>
          %swap3A_671 = arith.index_cast %swap3A_666 : i32 to index
          %swap3A_672 = arith.index_cast %add3A_664 : i32 to index
          %swap3A_673 = tpu.vector_load %swap3A_670[%swap3A_671, %swap3A_672] {strides = array<i32>} : memref<4x1024xf32, #tpu.memory_space<vmem>>, vector<16xf32>,
          tpu.vector_store %swap3A_670[%swap3A_671, %swap3A_672], %gather3A_665 {strides = array<i32>} : memref<4x1024xf32, #tpu.memory_space<vmem>>, vector<16xf32>,
          %add3A_674 = arith.constant 64 : i32
          %add3A_675 = vector.broadcast %add3A_674 : i32 to vector<16xi32>
          %add3A_676 = arith.addi %add3A_660, %add3A_675 : vector<16xi32>
          %gather3A_677 = tpu.vector_load_idx %arg6[%add3A_676] : memref<128xf32, #tpu.memory_space<vmem>>[vector<16xi32>], vector<16xf32>,
          %swap3A_678 = arith.constant 0 : i32
          %swap3A_679 = arith.constant 0 : i32
          %swap3A_680 = arith.constant 0 : i32
          %swap3A_681 = tpu.memref_slice %run_scoped3A_47[%rem3A_283, %swap3A_679, %swap3A_680] : memref<2x4x1024xf32, #tpu.memory_space<vmem>> -> memref<1x4x1024xf32, #tpu.memory_space<vmem>>
          %swap3A_682 = tpu.memref_squeeze %swap3A_681 : memref<1x4x1024xf32, #tpu.memory_space<vmem>> -> memref<4x1024xf32, #tpu.memory_space<vmem>>
          %swap3A_683 = arith.index_cast %swap3A_678 : i32 to index
          %swap3A_684 = arith.index_cast %add3A_664 : i32 to index
          %swap3A_685 = tpu.vector_load %swap3A_682[%swap3A_683, %swap3A_684] {strides = array<i32>} : memref<4x1024xf32, #tpu.memory_space<vmem>>, vector<16xf32>,
          tpu.vector_store %swap3A_682[%swap3A_683, %swap3A_684], %gather3A_677 {strides = array<i32>} : memref<4x1024xf32, #tpu.memory_space<vmem>>, vector<16xf32>,
          %mul3A_686 = arith.constant 4 : i32
          %mul3A_687 = arith.muli %add3A_394, %mul3A_686 : i32
          %add3A_688 = arith.constant 3 : i32
          %add3A_689 = arith.addi %mul3A_687, %add3A_688 : i32
          %mul3A_690 = arith.constant 96 : i32
          %mul3A_691 = arith.muli %add3A_689, %mul3A_690 : i32
          %mul3A_692 = arith.constant 2 : i32
          %mul3A_693 = vector.broadcast %mul3A_692 : i32 to vector<16xi32>
          %mul3A_694 = arith.muli %broadcast_in_dim3A_34, %mul3A_693 : vector<16xi32>
          %add3A_695 = vector.broadcast %mul3A_691 : i32 to vector<16xi32>
          %add3A_696 = arith.addi %add3A_695, %add3A_3 : vector<16xi32>
          %gather3A_697 = arith.constant 0 : i32
          %gather3A_698 = arith.constant 0 : i32
          %gather3A_699 = tpu.memref_slice %run_scoped3A[%rem3A_279, %gather3A_697, %gather3A_698] : memref<2x4x6144xi32, #tpu.memory_space<vmem>> -> memref<1x4x6144xi32, #tpu.memory_space<vmem>>
          %gather3A_700 = tpu.memref_squeeze %gather3A_699 : memref<1x4x6144xi32, #tpu.memory_space<vmem>> -> memref<4x6144xi32, #tpu.memory_space<vmem>>
          %gather3A_701 = tpu.vector_load_idx %gather3A_700[%broadcast_in_dim3A_396, %add3A_696] : memref<4x6144xi32, #tpu.memory_space<vmem>>[vector<16xi32>, vector<16xi32>], vector<16xi32>,
          %add3A_702 = arith.addi %mul3A_694, %gather3A_701 : vector<16xi32>
          %mul3A_703 = arith.constant 2 : i32
          %mul3A_704 = vector.broadcast %mul3A_703 : i32 to vector<16xi32>
          %mul3A_705 = arith.muli %add3A_702, %mul3A_704 : vector<16xi32>
          %add3A_706 = vector.broadcast %mul3A_691 : i32 to vector<16xi32>
          %add3A_707 = arith.addi %add3A_706, %add3A_9 : vector<16xi32>
          %gather3A_708 = arith.constant 0 : i32
          %gather3A_709 = arith.constant 0 : i32
          %gather3A_710 = tpu.memref_slice %run_scoped3A[%rem3A_279, %gather3A_708, %gather3A_709] : memref<2x4x6144xi32, #tpu.memory_space<vmem>> -> memref<1x4x6144xi32, #tpu.memory_space<vmem>>
          %gather3A_711 = tpu.memref_squeeze %gather3A_710 : memref<1x4x6144xi32, #tpu.memory_space<vmem>> -> memref<4x6144xi32, #tpu.memory_space<vmem>>
          %gather3A_712 = tpu.vector_load_idx %gather3A_711[%broadcast_in_dim3A_396, %add3A_707] : memref<4x6144xi32, #tpu.memory_space<vmem>>[vector<16xi32>, vector<16xi32>], vector<16xi32>,
          %add3A_713 = arith.addi %mul3A_705, %gather3A_712 : vector<16xi32>
          %mul3A_714 = arith.constant 2 : i32
          %mul3A_715 = vector.broadcast %mul3A_714 : i32 to vector<16xi32>
          %mul3A_716 = arith.muli %add3A_713, %mul3A_715 : vector<16xi32>
          %add3A_717 = vector.broadcast %mul3A_691 : i32 to vector<16xi32>
          %add3A_718 = arith.addi %add3A_717, %add3A_15 : vector<16xi32>
          %gather3A_719 = arith.constant 0 : i32
          %gather3A_720 = arith.constant 0 : i32
          %gather3A_721 = tpu.memref_slice %run_scoped3A[%rem3A_279, %gather3A_719, %gather3A_720] : memref<2x4x6144xi32, #tpu.memory_space<vmem>> -> memref<1x4x6144xi32, #tpu.memory_space<vmem>>
          %gather3A_722 = tpu.memref_squeeze %gather3A_721 : memref<1x4x6144xi32, #tpu.memory_space<vmem>> -> memref<4x6144xi32, #tpu.memory_space<vmem>>
          %gather3A_723 = tpu.vector_load_idx %gather3A_722[%broadcast_in_dim3A_396, %add3A_718] : memref<4x6144xi32, #tpu.memory_space<vmem>>[vector<16xi32>, vector<16xi32>], vector<16xi32>,
          %add3A_724 = arith.addi %mul3A_716, %gather3A_723 : vector<16xi32>
          %mul3A_725 = arith.constant 2 : i32
          %mul3A_726 = vector.broadcast %mul3A_725 : i32 to vector<16xi32>
          %mul3A_727 = arith.muli %add3A_724, %mul3A_726 : vector<16xi32>
          %add3A_728 = vector.broadcast %mul3A_691 : i32 to vector<16xi32>
          %add3A_729 = arith.addi %add3A_728, %add3A_21 : vector<16xi32>
          %gather3A_730 = arith.constant 0 : i32
          %gather3A_731 = arith.constant 0 : i32
          %gather3A_732 = tpu.memref_slice %run_scoped3A[%rem3A_279, %gather3A_730, %gather3A_731] : memref<2x4x6144xi32, #tpu.memory_space<vmem>> -> memref<1x4x6144xi32, #tpu.memory_space<vmem>>
          %gather3A_733 = tpu.memref_squeeze %gather3A_732 : memref<1x4x6144xi32, #tpu.memory_space<vmem>> -> memref<4x6144xi32, #tpu.memory_space<vmem>>
          %gather3A_734 = tpu.vector_load_idx %gather3A_733[%broadcast_in_dim3A_396, %add3A_729] : memref<4x6144xi32, #tpu.memory_space<vmem>>[vector<16xi32>, vector<16xi32>], vector<16xi32>,
          %add3A_735 = arith.addi %mul3A_727, %gather3A_734 : vector<16xi32>
          %mul3A_736 = arith.constant 2 : i32
          %mul3A_737 = vector.broadcast %mul3A_736 : i32 to vector<16xi32>
          %mul3A_738 = arith.muli %add3A_735, %mul3A_737 : vector<16xi32>
          %add3A_739 = vector.broadcast %mul3A_691 : i32 to vector<16xi32>
          %add3A_740 = arith.addi %add3A_739, %add3A_27 : vector<16xi32>
          %gather3A_741 = arith.constant 0 : i32
          %gather3A_742 = arith.constant 0 : i32
          %gather3A_743 = tpu.memref_slice %run_scoped3A[%rem3A_279, %gather3A_741, %gather3A_742] : memref<2x4x6144xi32, #tpu.memory_space<vmem>> -> memref<1x4x6144xi32, #tpu.memory_space<vmem>>
          %gather3A_744 = tpu.memref_squeeze %gather3A_743 : memref<1x4x6144xi32, #tpu.memory_space<vmem>> -> memref<4x6144xi32, #tpu.memory_space<vmem>>
          %gather3A_745 = tpu.vector_load_idx %gather3A_744[%broadcast_in_dim3A_396, %add3A_740] : memref<4x6144xi32, #tpu.memory_space<vmem>>[vector<16xi32>, vector<16xi32>], vector<16xi32>,
          %add3A_746 = arith.addi %mul3A_738, %gather3A_745 : vector<16xi32>
          %mul3A_747 = arith.constant 2 : i32
          %mul3A_748 = vector.broadcast %mul3A_747 : i32 to vector<16xi32>
          %mul3A_749 = arith.muli %add3A_746, %mul3A_748 : vector<16xi32>
          %add3A_750 = vector.broadcast %mul3A_691 : i32 to vector<16xi32>
          %add3A_751 = arith.addi %add3A_750, %add3A_33 : vector<16xi32>
          %gather3A_752 = arith.constant 0 : i32
          %gather3A_753 = arith.constant 0 : i32
          %gather3A_754 = tpu.memref_slice %run_scoped3A[%rem3A_279, %gather3A_752, %gather3A_753] : memref<2x4x6144xi32, #tpu.memory_space<vmem>> -> memref<1x4x6144xi32, #tpu.memory_space<vmem>>
          %gather3A_755 = tpu.memref_squeeze %gather3A_754 : memref<1x4x6144xi32, #tpu.memory_space<vmem>> -> memref<4x6144xi32, #tpu.memory_space<vmem>>
          %gather3A_756 = tpu.vector_load_idx %gather3A_755[%broadcast_in_dim3A_396, %add3A_751] : memref<4x6144xi32, #tpu.memory_space<vmem>>[vector<16xi32>, vector<16xi32>], vector<16xi32>,
          %add3A_757 = arith.addi %mul3A_749, %gather3A_756 : vector<16xi32>
          %mul3A_758 = arith.constant 64 : i32
          %mul3A_759 = arith.muli %add3A_394, %mul3A_758 : i32
          %add3A_760 = arith.constant 48 : i32
          %add3A_761 = arith.addi %mul3A_759, %add3A_760 : i32
          %gather3A_762 = tpu.vector_load_idx %arg6[%add3A_757] : memref<128xf32, #tpu.memory_space<vmem>>[vector<16xi32>], vector<16xf32>,
          %swap3A_763 = arith.constant 0 : i32
          %swap3A_764 = arith.constant 0 : i32
          %swap3A_765 = arith.constant 0 : i32
          %swap3A_766 = tpu.memref_slice %run_scoped3A_45[%rem3A_281, %swap3A_764, %swap3A_765] : memref<2x4x1024xf32, #tpu.memory_space<vmem>> -> memref<1x4x1024xf32, #tpu.memory_space<vmem>>
          %swap3A_767 = tpu.memref_squeeze %swap3A_766 : memref<1x4x1024xf32, #tpu.memory_space<vmem>> -> memref<4x1024xf32, #tpu.memory_space<vmem>>
          %swap3A_768 = arith.index_cast %swap3A_763 : i32 to index
          %swap3A_769 = arith.index_cast %add3A_761 : i32 to index
          %swap3A_770 = tpu.vector_load %swap3A_767[%swap3A_768, %swap3A_769] {strides = array<i32>} : memref<4x1024xf32, #tpu.memory_space<vmem>>, vector<16xf32>,
          tpu.vector_store %swap3A_767[%swap3A_768, %swap3A_769], %gather3A_762 {strides = array<i32>} : memref<4x1024xf32, #tpu.memory_space<vmem>>, vector<16xf32>,
          %add3A_771 = arith.constant 64 : i32
          %add3A_772 = vector.broadcast %add3A_771 : i32 to vector<16xi32>
          %add3A_773 = arith.addi %add3A_757, %add3A_772 : vector<16xi32>
          %gather3A_774 = tpu.vector_load_idx %arg6[%add3A_773] : memref<128xf32, #tpu.memory_space<vmem>>[vector<16xi32>], vector<16xf32>,
          %swap3A_775 = arith.constant 0 : i32
          %swap3A_776 = arith.constant 0 : i32
          %swap3A_777 = arith.constant 0 : i32
          %swap3A_778 = tpu.memref_slice %run_scoped3A_47[%rem3A_283, %swap3A_776, %swap3A_777] : memref<2x4x1024xf32, #tpu.memory_space<vmem>> -> memref<1x4x1024xf32, #tpu.memory_space<vmem>>
          %swap3A_779 = tpu.memref_squeeze %swap3A_778 : memref<1x4x1024xf32, #tpu.memory_space<vmem>> -> memref<4x1024xf32, #tpu.memory_space<vmem>>
          %swap3A_780 = arith.index_cast %swap3A_775 : i32 to index
          %swap3A_781 = arith.index_cast %add3A_761 : i32 to index
          %swap3A_782 = tpu.vector_load %swap3A_779[%swap3A_780, %swap3A_781] {strides = array<i32>} : memref<4x1024xf32, #tpu.memory_space<vmem>>, vector<16xf32>,
          tpu.vector_store %swap3A_779[%swap3A_780, %swap3A_781], %gather3A_774 {strides = array<i32>} : memref<4x1024xf32, #tpu.memory_space<vmem>>, vector<16xf32>,
          %broadcast_in_dim3A_783 = arith.constant 1 : i32
          %broadcast_in_dim3A_784 = vector.broadcast %broadcast_in_dim3A_783 : i32 to vector<16xi32>
          %mul3A_785 = arith.constant 4 : i32
          %mul3A_786 = arith.muli %add3A_394, %mul3A_785 : i32
          %add3A_787 = arith.constant 0 : i32
          %add3A_788 = arith.addi %mul3A_786, %add3A_787 : i32
          %mul3A_789 = arith.constant 96 : i32
          %mul3A_790 = arith.muli %add3A_788, %mul3A_789 : i32
          %mul3A_791 = arith.constant 2 : i32
          %mul3A_792 = vector.broadcast %mul3A_791 : i32 to vector<16xi32>
          %mul3A_793 = arith.muli %broadcast_in_dim3A_34, %mul3A_792 : vector<16xi32>
          %add3A_794 = vector.broadcast %mul3A_790 : i32 to vector<16xi32>
          %add3A_795 = arith.addi %add3A_794, %add3A_3 : vector<16xi32>
          %gather3A_796 = arith.constant 0 : i32
          %gather3A_797 = arith.constant 0 : i32
          %gather3A_798 = tpu.memref_slice %run_scoped3A[%rem3A_279, %gather3A_796, %gather3A_797] : memref<2x4x6144xi32, #tpu.memory_space<vmem>> -> memref<1x4x6144xi32, #tpu.memory_space<vmem>>
          %gather3A_799 = tpu.memref_squeeze %gather3A_798 : memref<1x4x6144xi32, #tpu.memory_space<vmem>> -> memref<4x6144xi32, #tpu.memory_space<vmem>>
          %gather3A_800 = tpu.vector_load_idx %gather3A_799[%broadcast_in_dim3A_784, %add3A_795] : memref<4x6144xi32, #tpu.memory_space<vmem>>[vector<16xi32>, vector<16xi32>], vector<16xi32>,
          %add3A_801 = arith.addi %mul3A_793, %gather3A_800 : vector<16xi32>
          %mul3A_802 = arith.constant 2 : i32
          %mul3A_803 = vector.broadcast %mul3A_802 : i32 to vector<16xi32>
          %mul3A_804 = arith.muli %add3A_801, %mul3A_803 : vector<16xi32>
          %add3A_805 = vector.broadcast %mul3A_790 : i32 to vector<16xi32>
          %add3A_806 = arith.addi %add3A_805, %add3A_9 : vector<16xi32>
          %gather3A_807 = arith.constant 0 : i32
          %gather3A_808 = arith.constant 0 : i32
          %gather3A_809 = tpu.memref_slice %run_scoped3A[%rem3A_279, %gather3A_807, %gather3A_808] : memref<2x4x6144xi32, #tpu.memory_space<vmem>> -> memref<1x4x6144xi32, #tpu.memory_space<vmem>>
          %gather3A_810 = tpu.memref_squeeze %gather3A_809 : memref<1x4x6144xi32, #tpu.memory_space<vmem>> -> memref<4x6144xi32, #tpu.memory_space<vmem>>
          %gather3A_811 = tpu.vector_load_idx %gather3A_810[%broadcast_in_dim3A_784, %add3A_806] : memref<4x6144xi32, #tpu.memory_space<vmem>>[vector<16xi32>, vector<16xi32>], vector<16xi32>,
          %add3A_812 = arith.addi %mul3A_804, %gather3A_811 : vector<16xi32>
          %mul3A_813 = arith.constant 2 : i32
          %mul3A_814 = vector.broadcast %mul3A_813 : i32 to vector<16xi32>
          %mul3A_815 = arith.muli %add3A_812, %mul3A_814 : vector<16xi32>
          %add3A_816 = vector.broadcast %mul3A_790 : i32 to vector<16xi32>
          %add3A_817 = arith.addi %add3A_816, %add3A_15 : vector<16xi32>
          %gather3A_818 = arith.constant 0 : i32
          %gather3A_819 = arith.constant 0 : i32
          %gather3A_820 = tpu.memref_slice %run_scoped3A[%rem3A_279, %gather3A_818, %gather3A_819] : memref<2x4x6144xi32, #tpu.memory_space<vmem>> -> memref<1x4x6144xi32, #tpu.memory_space<vmem>>
          %gather3A_821 = tpu.memref_squeeze %gather3A_820 : memref<1x4x6144xi32, #tpu.memory_space<vmem>> -> memref<4x6144xi32, #tpu.memory_space<vmem>>
          %gather3A_822 = tpu.vector_load_idx %gather3A_821[%broadcast_in_dim3A_784, %add3A_817] : memref<4x6144xi32, #tpu.memory_space<vmem>>[vector<16xi32>, vector<16xi32>], vector<16xi32>,
          %add3A_823 = arith.addi %mul3A_815, %gather3A_822 : vector<16xi32>
          %mul3A_824 = arith.constant 2 : i32
          %mul3A_825 = vector.broadcast %mul3A_824 : i32 to vector<16xi32>
          %mul3A_826 = arith.muli %add3A_823, %mul3A_825 : vector<16xi32>
          %add3A_827 = vector.broadcast %mul3A_790 : i32 to vector<16xi32>
          %add3A_828 = arith.addi %add3A_827, %add3A_21 : vector<16xi32>
          %gather3A_829 = arith.constant 0 : i32
          %gather3A_830 = arith.constant 0 : i32
          %gather3A_831 = tpu.memref_slice %run_scoped3A[%rem3A_279, %gather3A_829, %gather3A_830] : memref<2x4x6144xi32, #tpu.memory_space<vmem>> -> memref<1x4x6144xi32, #tpu.memory_space<vmem>>
          %gather3A_832 = tpu.memref_squeeze %gather3A_831 : memref<1x4x6144xi32, #tpu.memory_space<vmem>> -> memref<4x6144xi32, #tpu.memory_space<vmem>>
          %gather3A_833 = tpu.vector_load_idx %gather3A_832[%broadcast_in_dim3A_784, %add3A_828] : memref<4x6144xi32, #tpu.memory_space<vmem>>[vector<16xi32>, vector<16xi32>], vector<16xi32>,
          %add3A_834 = arith.addi %mul3A_826, %gather3A_833 : vector<16xi32>
          %mul3A_835 = arith.constant 2 : i32
          %mul3A_836 = vector.broadcast %mul3A_835 : i32 to vector<16xi32>
          %mul3A_837 = arith.muli %add3A_834, %mul3A_836 : vector<16xi32>
          %add3A_838 = vector.broadcast %mul3A_790 : i32 to vector<16xi32>
          %add3A_839 = arith.addi %add3A_838, %add3A_27 : vector<16xi32>
          %gather3A_840 = arith.constant 0 : i32
          %gather3A_841 = arith.constant 0 : i32
          %gather3A_842 = tpu.memref_slice %run_scoped3A[%rem3A_279, %gather3A_840, %gather3A_841] : memref<2x4x6144xi32, #tpu.memory_space<vmem>> -> memref<1x4x6144xi32, #tpu.memory_space<vmem>>
          %gather3A_843 = tpu.memref_squeeze %gather3A_842 : memref<1x4x6144xi32, #tpu.memory_space<vmem>> -> memref<4x6144xi32, #tpu.memory_space<vmem>>
          %gather3A_844 = tpu.vector_load_idx %gather3A_843[%broadcast_in_dim3A_784, %add3A_839] : memref<4x6144xi32, #tpu.memory_space<vmem>>[vector<16xi32>, vector<16xi32>], vector<16xi32>,
          %add3A_845 = arith.addi %mul3A_837, %gather3A_844 : vector<16xi32>
          %mul3A_846 = arith.constant 2 : i32
          %mul3A_847 = vector.broadcast %mul3A_846 : i32 to vector<16xi32>
          %mul3A_848 = arith.muli %add3A_845, %mul3A_847 : vector<16xi32>
          %add3A_849 = vector.broadcast %mul3A_790 : i32 to vector<16xi32>
          %add3A_850 = arith.addi %add3A_849, %add3A_33 : vector<16xi32>
          %gather3A_851 = arith.constant 0 : i32
          %gather3A_852 = arith.constant 0 : i32
          %gather3A_853 = tpu.memref_slice %run_scoped3A[%rem3A_279, %gather3A_851, %gather3A_852] : memref<2x4x6144xi32, #tpu.memory_space<vmem>> -> memref<1x4x6144xi32, #tpu.memory_space<vmem>>
          %gather3A_854 = tpu.memref_squeeze %gather3A_853 : memref<1x4x6144xi32, #tpu.memory_space<vmem>> -> memref<4x6144xi32, #tpu.memory_space<vmem>>
          %gather3A_855 = tpu.vector_load_idx %gather3A_854[%broadcast_in_dim3A_784, %add3A_850] : memref<4x6144xi32, #tpu.memory_space<vmem>>[vector<16xi32>, vector<16xi32>], vector<16xi32>,
          %add3A_856 = arith.addi %mul3A_848, %gather3A_855 : vector<16xi32>
          %mul3A_857 = arith.constant 64 : i32
          %mul3A_858 = arith.muli %add3A_394, %mul3A_857 : i32
          %add3A_859 = arith.constant 0 : i32
          %add3A_860 = arith.addi %mul3A_858, %add3A_859 : i32
          %gather3A_861 = tpu.vector_load_idx %arg6[%add3A_856] : memref<128xf32, #tpu.memory_space<vmem>>[vector<16xi32>], vector<16xf32>,
          %swap3A_862 = arith.constant 1 : i32
          %swap3A_863 = arith.constant 0 : i32
          %swap3A_864 = arith.constant 0 : i32
          %swap3A_865 = tpu.memref_slice %run_scoped3A_45[%rem3A_281, %swap3A_863, %swap3A_864] : memref<2x4x1024xf32, #tpu.memory_space<vmem>> -> memref<1x4x1024xf32, #tpu.memory_space<vmem>>
          %swap3A_866 = tpu.memref_squeeze %swap3A_865 : memref<1x4x1024xf32, #tpu.memory_space<vmem>> -> memref<4x1024xf32, #tpu.memory_space<vmem>>
          %swap3A_867 = arith.index_cast %swap3A_862 : i32 to index
          %swap3A_868 = arith.index_cast %add3A_860 : i32 to index
          %swap3A_869 = tpu.vector_load %swap3A_866[%swap3A_867, %swap3A_868] {strides = array<i32>} : memref<4x1024xf32, #tpu.memory_space<vmem>>, vector<16xf32>,
          tpu.vector_store %swap3A_866[%swap3A_867, %swap3A_868], %gather3A_861 {strides = array<i32>} : memref<4x1024xf32, #tpu.memory_space<vmem>>, vector<16xf32>,
          %add3A_870 = arith.constant 64 : i32
          %add3A_871 = vector.broadcast %add3A_870 : i32 to vector<16xi32>
          %add3A_872 = arith.addi %add3A_856, %add3A_871 : vector<16xi32>
          %gather3A_873 = tpu.vector_load_idx %arg6[%add3A_872] : memref<128xf32, #tpu.memory_space<vmem>>[vector<16xi32>], vector<16xf32>,
          %swap3A_874 = arith.constant 1 : i32
          %swap3A_875 = arith.constant 0 : i32
          %swap3A_876 = arith.constant 0 : i32
          %swap3A_877 = tpu.memref_slice %run_scoped3A_47[%rem3A_283, %swap3A_875, %swap3A_876] : memref<2x4x1024xf32, #tpu.memory_space<vmem>> -> memref<1x4x1024xf32, #tpu.memory_space<vmem>>
          %swap3A_878 = tpu.memref_squeeze %swap3A_877 : memref<1x4x1024xf32, #tpu.memory_space<vmem>> -> memref<4x1024xf32, #tpu.memory_space<vmem>>
          %swap3A_879 = arith.index_cast %swap3A_874 : i32 to index
          %swap3A_880 = arith.index_cast %add3A_860 : i32 to index
          %swap3A_881 = tpu.vector_load %swap3A_878[%swap3A_879, %swap3A_880] {strides = array<i32>} : memref<4x1024xf32, #tpu.memory_space<vmem>>, vector<16xf32>,
          tpu.vector_store %swap3A_878[%swap3A_879, %swap3A_880], %gather3A_873 {strides = array<i32>} : memref<4x1024xf32, #tpu.memory_space<vmem>>, vector<16xf32>,
          %mul3A_882 = arith.constant 4 : i32
          %mul3A_883 = arith.muli %add3A_394, %mul3A_882 : i32
          %add3A_884 = arith.constant 1 : i32
          %add3A_885 = arith.addi %mul3A_883, %add3A_884 : i32
          %mul3A_886 = arith.constant 96 : i32
          %mul3A_887 = arith.muli %add3A_885, %mul3A_886 : i32
          %mul3A_888 = arith.constant 2 : i32
          %mul3A_889 = vector.broadcast %mul3A_888 : i32 to vector<16xi32>
          %mul3A_890 = arith.muli %broadcast_in_dim3A_34, %mul3A_889 : vector<16xi32>
          %add3A_891 = vector.broadcast %mul3A_887 : i32 to vector<16xi32>
          %add3A_892 = arith.addi %add3A_891, %add3A_3 : vector<16xi32>
          %gather3A_893 = arith.constant 0 : i32
          %gather3A_894 = arith.constant 0 : i32
          %gather3A_895 = tpu.memref_slice %run_scoped3A[%rem3A_279, %gather3A_893, %gather3A_894] : memref<2x4x6144xi32, #tpu.memory_space<vmem>> -> memref<1x4x6144xi32, #tpu.memory_space<vmem>>
          %gather3A_896 = tpu.memref_squeeze %gather3A_895 : memref<1x4x6144xi32, #tpu.memory_space<vmem>> -> memref<4x6144xi32, #tpu.memory_space<vmem>>
          %gather3A_897 = tpu.vector_load_idx %gather3A_896[%broadcast_in_dim3A_784, %add3A_892] : memref<4x6144xi32, #tpu.memory_space<vmem>>[vector<16xi32>, vector<16xi32>], vector<16xi32>,
          %add3A_898 = arith.addi %mul3A_890, %gather3A_897 : vector<16xi32>
          %mul3A_899 = arith.constant 2 : i32
          %mul3A_900 = vector.broadcast %mul3A_899 : i32 to vector<16xi32>
          %mul3A_901 = arith.muli %add3A_898, %mul3A_900 : vector<16xi32>
          %add3A_902 = vector.broadcast %mul3A_887 : i32 to vector<16xi32>
          %add3A_903 = arith.addi %add3A_902, %add3A_9 : vector<16xi32>
          %gather3A_904 = arith.constant 0 : i32
          %gather3A_905 = arith.constant 0 : i32
          %gather3A_906 = tpu.memref_slice %run_scoped3A[%rem3A_279, %gather3A_904, %gather3A_905] : memref<2x4x6144xi32, #tpu.memory_space<vmem>> -> memref<1x4x6144xi32, #tpu.memory_space<vmem>>
          %gather3A_907 = tpu.memref_squeeze %gather3A_906 : memref<1x4x6144xi32, #tpu.memory_space<vmem>> -> memref<4x6144xi32, #tpu.memory_space<vmem>>
          %gather3A_908 = tpu.vector_load_idx %gather3A_907[%broadcast_in_dim3A_784, %add3A_903] : memref<4x6144xi32, #tpu.memory_space<vmem>>[vector<16xi32>, vector<16xi32>], vector<16xi32>,
          %add3A_909 = arith.addi %mul3A_901, %gather3A_908 : vector<16xi32>
          %mul3A_910 = arith.constant 2 : i32
          %mul3A_911 = vector.broadcast %mul3A_910 : i32 to vector<16xi32>
          %mul3A_912 = arith.muli %add3A_909, %mul3A_911 : vector<16xi32>
          %add3A_913 = vector.broadcast %mul3A_887 : i32 to vector<16xi32>
          %add3A_914 = arith.addi %add3A_913, %add3A_15 : vector<16xi32>
          %gather3A_915 = arith.constant 0 : i32
          %gather3A_916 = arith.constant 0 : i32
          %gather3A_917 = tpu.memref_slice %run_scoped3A[%rem3A_279, %gather3A_915, %gather3A_916] : memref<2x4x6144xi32, #tpu.memory_space<vmem>> -> memref<1x4x6144xi32, #tpu.memory_space<vmem>>
          %gather3A_918 = tpu.memref_squeeze %gather3A_917 : memref<1x4x6144xi32, #tpu.memory_space<vmem>> -> memref<4x6144xi32, #tpu.memory_space<vmem>>
          %gather3A_919 = tpu.vector_load_idx %gather3A_918[%broadcast_in_dim3A_784, %add3A_914] : memref<4x6144xi32, #tpu.memory_space<vmem>>[vector<16xi32>, vector<16xi32>], vector<16xi32>,
          %add3A_920 = arith.addi %mul3A_912, %gather3A_919 : vector<16xi32>
          %mul3A_921 = arith.constant 2 : i32
          %mul3A_922 = vector.broadcast %mul3A_921 : i32 to vector<16xi32>
          %mul3A_923 = arith.muli %add3A_920, %mul3A_922 : vector<16xi32>
          %add3A_924 = vector.broadcast %mul3A_887 : i32 to vector<16xi32>
          %add3A_925 = arith.addi %add3A_924, %add3A_21 : vector<16xi32>
          %gather3A_926 = arith.constant 0 : i32
          %gather3A_927 = arith.constant 0 : i32
          %gather3A_928 = tpu.memref_slice %run_scoped3A[%rem3A_279, %gather3A_926, %gather3A_927] : memref<2x4x6144xi32, #tpu.memory_space<vmem>> -> memref<1x4x6144xi32, #tpu.memory_space<vmem>>
          %gather3A_929 = tpu.memref_squeeze %gather3A_928 : memref<1x4x6144xi32, #tpu.memory_space<vmem>> -> memref<4x6144xi32, #tpu.memory_space<vmem>>
          %gather3A_930 = tpu.vector_load_idx %gather3A_929[%broadcast_in_dim3A_784, %add3A_925] : memref<4x6144xi32, #tpu.memory_space<vmem>>[vector<16xi32>, vector<16xi32>], vector<16xi32>,
          %add3A_931 = arith.addi %mul3A_923, %gather3A_930 : vector<16xi32>
          %mul3A_932 = arith.constant 2 : i32
          %mul3A_933 = vector.broadcast %mul3A_932 : i32 to vector<16xi32>
          %mul3A_934 = arith.muli %add3A_931, %mul3A_933 : vector<16xi32>
          %add3A_935 = vector.broadcast %mul3A_887 : i32 to vector<16xi32>
          %add3A_936 = arith.addi %add3A_935, %add3A_27 : vector<16xi32>
          %gather3A_937 = arith.constant 0 : i32
          %gather3A_938 = arith.constant 0 : i32
          %gather3A_939 = tpu.memref_slice %run_scoped3A[%rem3A_279, %gather3A_937, %gather3A_938] : memref<2x4x6144xi32, #tpu.memory_space<vmem>> -> memref<1x4x6144xi32, #tpu.memory_space<vmem>>
          %gather3A_940 = tpu.memref_squeeze %gather3A_939 : memref<1x4x6144xi32, #tpu.memory_space<vmem>> -> memref<4x6144xi32, #tpu.memory_space<vmem>>
          %gather3A_941 = tpu.vector_load_idx %gather3A_940[%broadcast_in_dim3A_784, %add3A_936] : memref<4x6144xi32, #tpu.memory_space<vmem>>[vector<16xi32>, vector<16xi32>], vector<16xi32>,
          %add3A_942 = arith.addi %mul3A_934, %gather3A_941 : vector<16xi32>
          %mul3A_943 = arith.constant 2 : i32
          %mul3A_944 = vector.broadcast %mul3A_943 : i32 to vector<16xi32>
          %mul3A_945 = arith.muli %add3A_942, %mul3A_944 : vector<16xi32>
          %add3A_946 = vector.broadcast %mul3A_887 : i32 to vector<16xi32>
          %add3A_947 = arith.addi %add3A_946, %add3A_33 : vector<16xi32>
          %gather3A_948 = arith.constant 0 : i32
          %gather3A_949 = arith.constant 0 : i32
          %gather3A_950 = tpu.memref_slice %run_scoped3A[%rem3A_279, %gather3A_948, %gather3A_949] : memref<2x4x6144xi32, #tpu.memory_space<vmem>> -> memref<1x4x6144xi32, #tpu.memory_space<vmem>>
          %gather3A_951 = tpu.memref_squeeze %gather3A_950 : memref<1x4x6144xi32, #tpu.memory_space<vmem>> -> memref<4x6144xi32, #tpu.memory_space<vmem>>
          %gather3A_952 = tpu.vector_load_idx %gather3A_951[%broadcast_in_dim3A_784, %add3A_947] : memref<4x6144xi32, #tpu.memory_space<vmem>>[vector<16xi32>, vector<16xi32>], vector<16xi32>,
          %add3A_953 = arith.addi %mul3A_945, %gather3A_952 : vector<16xi32>
          %mul3A_954 = arith.constant 64 : i32
          %mul3A_955 = arith.muli %add3A_394, %mul3A_954 : i32
          %add3A_956 = arith.constant 16 : i32
          %add3A_957 = arith.addi %mul3A_955, %add3A_956 : i32
          %gather3A_958 = tpu.vector_load_idx %arg6[%add3A_953] : memref<128xf32, #tpu.memory_space<vmem>>[vector<16xi32>], vector<16xf32>,
          %swap3A_959 = arith.constant 1 : i32
          %swap3A_960 = arith.constant 0 : i32
          %swap3A_961 = arith.constant 0 : i32
          %swap3A_962 = tpu.memref_slice %run_scoped3A_45[%rem3A_281, %swap3A_960, %swap3A_961] : memref<2x4x1024xf32, #tpu.memory_space<vmem>> -> memref<1x4x1024xf32, #tpu.memory_space<vmem>>
          %swap3A_963 = tpu.memref_squeeze %swap3A_962 : memref<1x4x1024xf32, #tpu.memory_space<vmem>> -> memref<4x1024xf32, #tpu.memory_space<vmem>>
          %swap3A_964 = arith.index_cast %swap3A_959 : i32 to index
          %swap3A_965 = arith.index_cast %add3A_957 : i32 to index
          %swap3A_966 = tpu.vector_load %swap3A_963[%swap3A_964, %swap3A_965] {strides = array<i32>} : memref<4x1024xf32, #tpu.memory_space<vmem>>, vector<16xf32>,
          tpu.vector_store %swap3A_963[%swap3A_964, %swap3A_965], %gather3A_958 {strides = array<i32>} : memref<4x1024xf32, #tpu.memory_space<vmem>>, vector<16xf32>,
          %add3A_967 = arith.constant 64 : i32
          %add3A_968 = vector.broadcast %add3A_967 : i32 to vector<16xi32>
          %add3A_969 = arith.addi %add3A_953, %add3A_968 : vector<16xi32>
          %gather3A_970 = tpu.vector_load_idx %arg6[%add3A_969] : memref<128xf32, #tpu.memory_space<vmem>>[vector<16xi32>], vector<16xf32>,
          %swap3A_971 = arith.constant 1 : i32
          %swap3A_972 = arith.constant 0 : i32
          %swap3A_973 = arith.constant 0 : i32
          %swap3A_974 = tpu.memref_slice %run_scoped3A_47[%rem3A_283, %swap3A_972, %swap3A_973] : memref<2x4x1024xf32, #tpu.memory_space<vmem>> -> memref<1x4x1024xf32, #tpu.memory_space<vmem>>
          %swap3A_975 = tpu.memref_squeeze %swap3A_974 : memref<1x4x1024xf32, #tpu.memory_space<vmem>> -> memref<4x1024xf32, #tpu.memory_space<vmem>>
          %swap3A_976 = arith.index_cast %swap3A_971 : i32 to index
          %swap3A_977 = arith.index_cast %add3A_957 : i32 to index
          %swap3A_978 = tpu.vector_load %swap3A_975[%swap3A_976, %swap3A_977] {strides = array<i32>} : memref<4x1024xf32, #tpu.memory_space<vmem>>, vector<16xf32>,
          tpu.vector_store %swap3A_975[%swap3A_976, %swap3A_977], %gather3A_970 {strides = array<i32>} : memref<4x1024xf32, #tpu.memory_space<vmem>>, vector<16xf32>,
          %mul3A_979 = arith.constant 4 : i32
          %mul3A_980 = arith.muli %add3A_394, %mul3A_979 : i32
          %add3A_981 = arith.constant 2 : i32
          %add3A_982 = arith.addi %mul3A_980, %add3A_981 : i32
          %mul3A_983 = arith.constant 96 : i32
          %mul3A_984 = arith.muli %add3A_982, %mul3A_983 : i32
          %mul3A_985 = arith.constant 2 : i32
          %mul3A_986 = vector.broadcast %mul3A_985 : i32 to vector<16xi32>
          %mul3A_987 = arith.muli %broadcast_in_dim3A_34, %mul3A_986 : vector<16xi32>
          %add3A_988 = vector.broadcast %mul3A_984 : i32 to vector<16xi32>
          %add3A_989 = arith.addi %add3A_988, %add3A_3 : vector<16xi32>
          %gather3A_990 = arith.constant 0 : i32
          %gather3A_991 = arith.constant 0 : i32
          %gather3A_992 = tpu.memref_slice %run_scoped3A[%rem3A_279, %gather3A_990, %gather3A_991] : memref<2x4x6144xi32, #tpu.memory_space<vmem>> -> memref<1x4x6144xi32, #tpu.memory_space<vmem>>
          %gather3A_993 = tpu.memref_squeeze %gather3A_992 : memref<1x4x6144xi32, #tpu.memory_space<vmem>> -> memref<4x6144xi32, #tpu.memory_space<vmem>>
          %gather3A_994 = tpu.vector_load_idx %gather3A_993[%broadcast_in_dim3A_784, %add3A_989] : memref<4x6144xi32, #tpu.memory_space<vmem>>[vector<16xi32>, vector<16xi32>], vector<16xi32>,
          %add3A_995 = arith.addi %mul3A_987, %gather3A_994 : vector<16xi32>
          %mul3A_996 = arith.constant 2 : i32
          %mul3A_997 = vector.broadcast %mul3A_996 : i32 to vector<16xi32>
          %mul3A_998 = arith.muli %add3A_995, %mul3A_997 : vector<16xi32>
          %add3A_999 = vector.broadcast %mul3A_984 : i32 to vector<16xi32>
          %add3A_1000 = arith.addi %add3A_999, %add3A_9 : vector<16xi32>
          %gather3A_1001 = arith.constant 0 : i32
          %gather3A_1002 = arith.constant 0 : i32
          %gather3A_1003 = tpu.memref_slice %run_scoped3A[%rem3A_279, %gather3A_1001, %gather3A_1002] : memref<2x4x6144xi32, #tpu.memory_space<vmem>> -> memref<1x4x6144xi32, #tpu.memory_space<vmem>>
          %gather3A_1004 = tpu.memref_squeeze %gather3A_1003 : memref<1x4x6144xi32, #tpu.memory_space<vmem>> -> memref<4x6144xi32, #tpu.memory_space<vmem>>
          %gather3A_1005 = tpu.vector_load_idx %gather3A_1004[%broadcast_in_dim3A_784, %add3A_1000] : memref<4x6144xi32, #tpu.memory_space<vmem>>[vector<16xi32>, vector<16xi32>], vector<16xi32>,
          %add3A_1006 = arith.addi %mul3A_998, %gather3A_1005 : vector<16xi32>
          %mul3A_1007 = arith.constant 2 : i32
          %mul3A_1008 = vector.broadcast %mul3A_1007 : i32 to vector<16xi32>
          %mul3A_1009 = arith.muli %add3A_1006, %mul3A_1008 : vector<16xi32>
          %add3A_1010 = vector.broadcast %mul3A_984 : i32 to vector<16xi32>
          %add3A_1011 = arith.addi %add3A_1010, %add3A_15 : vector<16xi32>
          %gather3A_1012 = arith.constant 0 : i32
          %gather3A_1013 = arith.constant 0 : i32
          %gather3A_1014 = tpu.memref_slice %run_scoped3A[%rem3A_279, %gather3A_1012, %gather3A_1013] : memref<2x4x6144xi32, #tpu.memory_space<vmem>> -> memref<1x4x6144xi32, #tpu.memory_space<vmem>>
          %gather3A_1015 = tpu.memref_squeeze %gather3A_1014 : memref<1x4x6144xi32, #tpu.memory_space<vmem>> -> memref<4x6144xi32, #tpu.memory_space<vmem>>
          %gather3A_1016 = tpu.vector_load_idx %gather3A_1015[%broadcast_in_dim3A_784, %add3A_1011] : memref<4x6144xi32, #tpu.memory_space<vmem>>[vector<16xi32>, vector<16xi32>], vector<16xi32>,
          %add3A_1017 = arith.addi %mul3A_1009, %gather3A_1016 : vector<16xi32>
          %mul3A_1018 = arith.constant 2 : i32
          %mul3A_1019 = vector.broadcast %mul3A_1018 : i32 to vector<16xi32>
          %mul3A_1020 = arith.muli %add3A_1017, %mul3A_1019 : vector<16xi32>
          %add3A_1021 = vector.broadcast %mul3A_984 : i32 to vector<16xi32>
          %add3A_1022 = arith.addi %add3A_1021, %add3A_21 : vector<16xi32>
          %gather3A_1023 = arith.constant 0 : i32
          %gather3A_1024 = arith.constant 0 : i32
          %gather3A_1025 = tpu.memref_slice %run_scoped3A[%rem3A_279, %gather3A_1023, %gather3A_1024] : memref<2x4x6144xi32, #tpu.memory_space<vmem>> -> memref<1x4x6144xi32, #tpu.memory_space<vmem>>
          %gather3A_1026 = tpu.memref_squeeze %gather3A_1025 : memref<1x4x6144xi32, #tpu.memory_space<vmem>> -> memref<4x6144xi32, #tpu.memory_space<vmem>>
          %gather3A_1027 = tpu.vector_load_idx %gather3A_1026[%broadcast_in_dim3A_784, %add3A_1022] : memref<4x6144xi32, #tpu.memory_space<vmem>>[vector<16xi32>, vector<16xi32>], vector<16xi32>,
          %add3A_1028 = arith.addi %mul3A_1020, %gather3A_1027 : vector<16xi32>
          %mul3A_1029 = arith.constant 2 : i32
          %mul3A_1030 = vector.broadcast %mul3A_1029 : i32 to vector<16xi32>
          %mul3A_1031 = arith.muli %add3A_1028, %mul3A_1030 : vector<16xi32>
          %add3A_1032 = vector.broadcast %mul3A_984 : i32 to vector<16xi32>
          %add3A_1033 = arith.addi %add3A_1032, %add3A_27 : vector<16xi32>
          %gather3A_1034 = arith.constant 0 : i32
          %gather3A_1035 = arith.constant 0 : i32
          %gather3A_1036 = tpu.memref_slice %run_scoped3A[%rem3A_279, %gather3A_1034, %gather3A_1035] : memref<2x4x6144xi32, #tpu.memory_space<vmem>> -> memref<1x4x6144xi32, #tpu.memory_space<vmem>>
          %gather3A_1037 = tpu.memref_squeeze %gather3A_1036 : memref<1x4x6144xi32, #tpu.memory_space<vmem>> -> memref<4x6144xi32, #tpu.memory_space<vmem>>
          %gather3A_1038 = tpu.vector_load_idx %gather3A_1037[%broadcast_in_dim3A_784, %add3A_1033] : memref<4x6144xi32, #tpu.memory_space<vmem>>[vector<16xi32>, vector<16xi32>], vector<16xi32>,
          %add3A_1039 = arith.addi %mul3A_1031, %gather3A_1038 : vector<16xi32>
          %mul3A_1040 = arith.constant 2 : i32
          %mul3A_1041 = vector.broadcast %mul3A_1040 : i32 to vector<16xi32>
          %mul3A_1042 = arith.muli %add3A_1039, %mul3A_1041 : vector<16xi32>
          %add3A_1043 = vector.broadcast %mul3A_984 : i32 to vector<16xi32>
          %add3A_1044 = arith.addi %add3A_1043, %add3A_33 : vector<16xi32>
          %gather3A_1045 = arith.constant 0 : i32
          %gather3A_1046 = arith.constant 0 : i32
          %gather3A_1047 = tpu.memref_slice %run_scoped3A[%rem3A_279, %gather3A_1045, %gather3A_1046] : memref<2x4x6144xi32, #tpu.memory_space<vmem>> -> memref<1x4x6144xi32, #tpu.memory_space<vmem>>
          %gather3A_1048 = tpu.memref_squeeze %gather3A_1047 : memref<1x4x6144xi32, #tpu.memory_space<vmem>> -> memref<4x6144xi32, #tpu.memory_space<vmem>>
          %gather3A_1049 = tpu.vector_load_idx %gather3A_1048[%broadcast_in_dim3A_784, %add3A_1044] : memref<4x6144xi32, #tpu.memory_space<vmem>>[vector<16xi32>, vector<16xi32>], vector<16xi32>,
          %add3A_1050 = arith.addi %mul3A_1042, %gather3A_1049 : vector<16xi32>
          %mul3A_1051 = arith.constant 64 : i32
          %mul3A_1052 = arith.muli %add3A_394, %mul3A_1051 : i32
          %add3A_1053 = arith.constant 32 : i32
          %add3A_1054 = arith.addi %mul3A_1052, %add3A_1053 : i32
          %gather3A_1055 = tpu.vector_load_idx %arg6[%add3A_1050] : memref<128xf32, #tpu.memory_space<vmem>>[vector<16xi32>], vector<16xf32>,
          %swap3A_1056 = arith.constant 1 : i32
          %swap3A_1057 = arith.constant 0 : i32
          %swap3A_1058 = arith.constant 0 : i32
          %swap3A_1059 = tpu.memref_slice %run_scoped3A_45[%rem3A_281, %swap3A_1057, %swap3A_1058] : memref<2x4x1024xf32, #tpu.memory_space<vmem>> -> memref<1x4x1024xf32, #tpu.memory_space<vmem>>
          %swap3A_1060 = tpu.memref_squeeze %swap3A_1059 : memref<1x4x1024xf32, #tpu.memory_space<vmem>> -> memref<4x1024xf32, #tpu.memory_space<vmem>>
          %swap3A_1061 = arith.index_cast %swap3A_1056 : i32 to index
          %swap3A_1062 = arith.index_cast %add3A_1054 : i32 to index
          %swap3A_1063 = tpu.vector_load %swap3A_1060[%swap3A_1061, %swap3A_1062] {strides = array<i32>} : memref<4x1024xf32, #tpu.memory_space<vmem>>, vector<16xf32>,
          tpu.vector_store %swap3A_1060[%swap3A_1061, %swap3A_1062], %gather3A_1055 {strides = array<i32>} : memref<4x1024xf32, #tpu.memory_space<vmem>>, vector<16xf32>,
          %add3A_1064 = arith.constant 64 : i32
          %add3A_1065 = vector.broadcast %add3A_1064 : i32 to vector<16xi32>
          %add3A_1066 = arith.addi %add3A_1050, %add3A_1065 : vector<16xi32>
          %gather3A_1067 = tpu.vector_load_idx %arg6[%add3A_1066] : memref<128xf32, #tpu.memory_space<vmem>>[vector<16xi32>], vector<16xf32>,
          %swap3A_1068 = arith.constant 1 : i32
          %swap3A_1069 = arith.constant 0 : i32
          %swap3A_1070 = arith.constant 0 : i32
          %swap3A_1071 = tpu.memref_slice %run_scoped3A_47[%rem3A_283, %swap3A_1069, %swap3A_1070] : memref<2x4x1024xf32, #tpu.memory_space<vmem>> -> memref<1x4x1024xf32, #tpu.memory_space<vmem>>
          %swap3A_1072 = tpu.memref_squeeze %swap3A_1071 : memref<1x4x1024xf32, #tpu.memory_space<vmem>> -> memref<4x1024xf32, #tpu.memory_space<vmem>>
          %swap3A_1073 = arith.index_cast %swap3A_1068 : i32 to index
          %swap3A_1074 = arith.index_cast %add3A_1054 : i32 to index
          %swap3A_1075 = tpu.vector_load %swap3A_1072[%swap3A_1073, %swap3A_1074] {strides = array<i32>} : memref<4x1024xf32, #tpu.memory_space<vmem>>, vector<16xf32>,
          tpu.vector_store %swap3A_1072[%swap3A_1073, %swap3A_1074], %gather3A_1067 {strides = array<i32>} : memref<4x1024xf32, #tpu.memory_space<vmem>>, vector<16xf32>,
          %mul3A_1076 = arith.constant 4 : i32
          %mul3A_1077 = arith.muli %add3A_394, %mul3A_1076 : i32
          %add3A_1078 = arith.constant 3 : i32
          %add3A_1079 = arith.addi %mul3A_1077, %add3A_1078 : i32
          %mul3A_1080 = arith.constant 96 : i32
          %mul3A_1081 = arith.muli %add3A_1079, %mul3A_1080 : i32
          %mul3A_1082 = arith.constant 2 : i32
          %mul3A_1083 = vector.broadcast %mul3A_1082 : i32 to vector<16xi32>
          %mul3A_1084 = arith.muli %broadcast_in_dim3A_34, %mul3A_1083 : vector<16xi32>
          %add3A_1085 = vector.broadcast %mul3A_1081 : i32 to vector<16xi32>
          %add3A_1086 = arith.addi %add3A_1085, %add3A_3 : vector<16xi32>
          %gather3A_1087 = arith.constant 0 : i32
          %gather3A_1088 = arith.constant 0 : i32
          %gather3A_1089 = tpu.memref_slice %run_scoped3A[%rem3A_279, %gather3A_1087, %gather3A_1088] : memref<2x4x6144xi32, #tpu.memory_space<vmem>> -> memref<1x4x6144xi32, #tpu.memory_space<vmem>>
          %gather3A_1090 = tpu.memref_squeeze %gather3A_1089 : memref<1x4x6144xi32, #tpu.memory_space<vmem>> -> memref<4x6144xi32, #tpu.memory_space<vmem>>
          %gather3A_1091 = tpu.vector_load_idx %gather3A_1090[%broadcast_in_dim3A_784, %add3A_1086] : memref<4x6144xi32, #tpu.memory_space<vmem>>[vector<16xi32>, vector<16xi32>], vector<16xi32>,
          %add3A_1092 = arith.addi %mul3A_1084, %gather3A_1091 : vector<16xi32>
          %mul3A_1093 = arith.constant 2 : i32
          %mul3A_1094 = vector.broadcast %mul3A_1093 : i32 to vector<16xi32>
          %mul3A_1095 = arith.muli %add3A_1092, %mul3A_1094 : vector<16xi32>
          %add3A_1096 = vector.broadcast %mul3A_1081 : i32 to vector<16xi32>
          %add3A_1097 = arith.addi %add3A_1096, %add3A_9 : vector<16xi32>
          %gather3A_1098 = arith.constant 0 : i32
          %gather3A_1099 = arith.constant 0 : i32
          %gather3A_1100 = tpu.memref_slice %run_scoped3A[%rem3A_279, %gather3A_1098, %gather3A_1099] : memref<2x4x6144xi32, #tpu.memory_space<vmem>> -> memref<1x4x6144xi32, #tpu.memory_space<vmem>>
          %gather3A_1101 = tpu.memref_squeeze %gather3A_1100 : memref<1x4x6144xi32, #tpu.memory_space<vmem>> -> memref<4x6144xi32, #tpu.memory_space<vmem>>
          %gather3A_1102 = tpu.vector_load_idx %gather3A_1101[%broadcast_in_dim3A_784, %add3A_1097] : memref<4x6144xi32, #tpu.memory_space<vmem>>[vector<16xi32>, vector<16xi32>], vector<16xi32>,
          %add3A_1103 = arith.addi %mul3A_1095, %gather3A_1102 : vector<16xi32>
          %mul3A_1104 = arith.constant 2 : i32
          %mul3A_1105 = vector.broadcast %mul3A_1104 : i32 to vector<16xi32>
          %mul3A_1106 = arith.muli %add3A_1103, %mul3A_1105 : vector<16xi32>
          %add3A_1107 = vector.broadcast %mul3A_1081 : i32 to vector<16xi32>
          %add3A_1108 = arith.addi %add3A_1107, %add3A_15 : vector<16xi32>
          %gather3A_1109 = arith.constant 0 : i32
          %gather3A_1110 = arith.constant 0 : i32
          %gather3A_1111 = tpu.memref_slice %run_scoped3A[%rem3A_279, %gather3A_1109, %gather3A_1110] : memref<2x4x6144xi32, #tpu.memory_space<vmem>> -> memref<1x4x6144xi32, #tpu.memory_space<vmem>>
          %gather3A_1112 = tpu.memref_squeeze %gather3A_1111 : memref<1x4x6144xi32, #tpu.memory_space<vmem>> -> memref<4x6144xi32, #tpu.memory_space<vmem>>
          %gather3A_1113 = tpu.vector_load_idx %gather3A_1112[%broadcast_in_dim3A_784, %add3A_1108] : memref<4x6144xi32, #tpu.memory_space<vmem>>[vector<16xi32>, vector<16xi32>], vector<16xi32>,
          %add3A_1114 = arith.addi %mul3A_1106, %gather3A_1113 : vector<16xi32>
          %mul3A_1115 = arith.constant 2 : i32
          %mul3A_1116 = vector.broadcast %mul3A_1115 : i32 to vector<16xi32>
          %mul3A_1117 = arith.muli %add3A_1114, %mul3A_1116 : vector<16xi32>
          %add3A_1118 = vector.broadcast %mul3A_1081 : i32 to vector<16xi32>
          %add3A_1119 = arith.addi %add3A_1118, %add3A_21 : vector<16xi32>
          %gather3A_1120 = arith.constant 0 : i32
          %gather3A_1121 = arith.constant 0 : i32
          %gather3A_1122 = tpu.memref_slice %run_scoped3A[%rem3A_279, %gather3A_1120, %gather3A_1121] : memref<2x4x6144xi32, #tpu.memory_space<vmem>> -> memref<1x4x6144xi32, #tpu.memory_space<vmem>>
          %gather3A_1123 = tpu.memref_squeeze %gather3A_1122 : memref<1x4x6144xi32, #tpu.memory_space<vmem>> -> memref<4x6144xi32, #tpu.memory_space<vmem>>
          %gather3A_1124 = tpu.vector_load_idx %gather3A_1123[%broadcast_in_dim3A_784, %add3A_1119] : memref<4x6144xi32, #tpu.memory_space<vmem>>[vector<16xi32>, vector<16xi32>], vector<16xi32>,
          %add3A_1125 = arith.addi %mul3A_1117, %gather3A_1124 : vector<16xi32>
          %mul3A_1126 = arith.constant 2 : i32
          %mul3A_1127 = vector.broadcast %mul3A_1126 : i32 to vector<16xi32>
          %mul3A_1128 = arith.muli %add3A_1125, %mul3A_1127 : vector<16xi32>
          %add3A_1129 = vector.broadcast %mul3A_1081 : i32 to vector<16xi32>
          %add3A_1130 = arith.addi %add3A_1129, %add3A_27 : vector<16xi32>
          %gather3A_1131 = arith.constant 0 : i32
          %gather3A_1132 = arith.constant 0 : i32
          %gather3A_1133 = tpu.memref_slice %run_scoped3A[%rem3A_279, %gather3A_1131, %gather3A_1132] : memref<2x4x6144xi32, #tpu.memory_space<vmem>> -> memref<1x4x6144xi32, #tpu.memory_space<vmem>>
          %gather3A_1134 = tpu.memref_squeeze %gather3A_1133 : memref<1x4x6144xi32, #tpu.memory_space<vmem>> -> memref<4x6144xi32, #tpu.memory_space<vmem>>
          %gather3A_1135 = tpu.vector_load_idx %gather3A_1134[%broadcast_in_dim3A_784, %add3A_1130] : memref<4x6144xi32, #tpu.memory_space<vmem>>[vector<16xi32>, vector<16xi32>], vector<16xi32>,
          %add3A_1136 = arith.addi %mul3A_1128, %gather3A_1135 : vector<16xi32>
          %mul3A_1137 = arith.constant 2 : i32
          %mul3A_1138 = vector.broadcast %mul3A_1137 : i32 to vector<16xi32>
          %mul3A_1139 = arith.muli %add3A_1136, %mul3A_1138 : vector<16xi32>
          %add3A_1140 = vector.broadcast %mul3A_1081 : i32 to vector<16xi32>
          %add3A_1141 = arith.addi %add3A_1140, %add3A_33 : vector<16xi32>
          %gather3A_1142 = arith.constant 0 : i32
          %gather3A_1143 = arith.constant 0 : i32
          %gather3A_1144 = tpu.memref_slice %run_scoped3A[%rem3A_279, %gather3A_1142, %gather3A_1143] : memref<2x4x6144xi32, #tpu.memory_space<vmem>> -> memref<1x4x6144xi32, #tpu.memory_space<vmem>>
          %gather3A_1145 = tpu.memref_squeeze %gather3A_1144 : memref<1x4x6144xi32, #tpu.memory_space<vmem>> -> memref<4x6144xi32, #tpu.memory_space<vmem>>
          %gather3A_1146 = tpu.vector_load_idx %gather3A_1145[%broadcast_in_dim3A_784, %add3A_1141] : memref<4x6144xi32, #tpu.memory_space<vmem>>[vector<16xi32>, vector<16xi32>], vector<16xi32>,
          %add3A_1147 = arith.addi %mul3A_1139, %gather3A_1146 : vector<16xi32>
          %mul3A_1148 = arith.constant 64 : i32
          %mul3A_1149 = arith.muli %add3A_394, %mul3A_1148 : i32
          %add3A_1150 = arith.constant 48 : i32
          %add3A_1151 = arith.addi %mul3A_1149, %add3A_1150 : i32
          %gather3A_1152 = tpu.vector_load_idx %arg6[%add3A_1147] : memref<128xf32, #tpu.memory_space<vmem>>[vector<16xi32>], vector<16xf32>,
          %swap3A_1153 = arith.constant 1 : i32
          %swap3A_1154 = arith.constant 0 : i32
          %swap3A_1155 = arith.constant 0 : i32
          %swap3A_1156 = tpu.memref_slice %run_scoped3A_45[%rem3A_281, %swap3A_1154, %swap3A_1155] : memref<2x4x1024xf32, #tpu.memory_space<vmem>> -> memref<1x4x1024xf32, #tpu.memory_space<vmem>>
          %swap3A_1157 = tpu.memref_squeeze %swap3A_1156 : memref<1x4x1024xf32, #tpu.memory_space<vmem>> -> memref<4x1024xf32, #tpu.memory_space<vmem>>
          %swap3A_1158 = arith.index_cast %swap3A_1153 : i32 to index
          %swap3A_1159 = arith.index_cast %add3A_1151 : i32 to index
          %swap3A_1160 = tpu.vector_load %swap3A_1157[%swap3A_1158, %swap3A_1159] {strides = array<i32>} : memref<4x1024xf32, #tpu.memory_space<vmem>>, vector<16xf32>,
          tpu.vector_store %swap3A_1157[%swap3A_1158, %swap3A_1159], %gather3A_1152 {strides = array<i32>} : memref<4x1024xf32, #tpu.memory_space<vmem>>, vector<16xf32>,
          %add3A_1161 = arith.constant 64 : i32
          %add3A_1162 = vector.broadcast %add3A_1161 : i32 to vector<16xi32>
          %add3A_1163 = arith.addi %add3A_1147, %add3A_1162 : vector<16xi32>
          %gather3A_1164 = tpu.vector_load_idx %arg6[%add3A_1163] : memref<128xf32, #tpu.memory_space<vmem>>[vector<16xi32>], vector<16xf32>,
          %swap3A_1165 = arith.constant 1 : i32
          %swap3A_1166 = arith.constant 0 : i32
          %swap3A_1167 = arith.constant 0 : i32
          %swap3A_1168 = tpu.memref_slice %run_scoped3A_47[%rem3A_283, %swap3A_1166, %swap3A_1167] : memref<2x4x1024xf32, #tpu.memory_space<vmem>> -> memref<1x4x1024xf32, #tpu.memory_space<vmem>>
          %swap3A_1169 = tpu.memref_squeeze %swap3A_1168 : memref<1x4x1024xf32, #tpu.memory_space<vmem>> -> memref<4x1024xf32, #tpu.memory_space<vmem>>
          %swap3A_1170 = arith.index_cast %swap3A_1165 : i32 to index
          %swap3A_1171 = arith.index_cast %add3A_1151 : i32 to index
          %swap3A_1172 = tpu.vector_load %swap3A_1169[%swap3A_1170, %swap3A_1171] {strides = array<i32>} : memref<4x1024xf32, #tpu.memory_space<vmem>>, vector<16xf32>,
          tpu.vector_store %swap3A_1169[%swap3A_1170, %swap3A_1171], %gather3A_1164 {strides = array<i32>} : memref<4x1024xf32, #tpu.memory_space<vmem>>, vector<16xf32>,
          %broadcast_in_dim3A_1173 = arith.constant 2 : i32
          %broadcast_in_dim3A_1174 = vector.broadcast %broadcast_in_dim3A_1173 : i32 to vector<16xi32>
          %mul3A_1175 = arith.constant 4 : i32
          %mul3A_1176 = arith.muli %add3A_394, %mul3A_1175 : i32
          %add3A_1177 = arith.constant 0 : i32
          %add3A_1178 = arith.addi %mul3A_1176, %add3A_1177 : i32
          %mul3A_1179 = arith.constant 96 : i32
          %mul3A_1180 = arith.muli %add3A_1178, %mul3A_1179 : i32
          %mul3A_1181 = arith.constant 2 : i32
          %mul3A_1182 = vector.broadcast %mul3A_1181 : i32 to vector<16xi32>
          %mul3A_1183 = arith.muli %broadcast_in_dim3A_34, %mul3A_1182 : vector<16xi32>
          %add3A_1184 = vector.broadcast %mul3A_1180 : i32 to vector<16xi32>
          %add3A_1185 = arith.addi %add3A_1184, %add3A_3 : vector<16xi32>
          %gather3A_1186 = arith.constant 0 : i32
          %gather3A_1187 = arith.constant 0 : i32
          %gather3A_1188 = tpu.memref_slice %run_scoped3A[%rem3A_279, %gather3A_1186, %gather3A_1187] : memref<2x4x6144xi32, #tpu.memory_space<vmem>> -> memref<1x4x6144xi32, #tpu.memory_space<vmem>>
          %gather3A_1189 = tpu.memref_squeeze %gather3A_1188 : memref<1x4x6144xi32, #tpu.memory_space<vmem>> -> memref<4x6144xi32, #tpu.memory_space<vmem>>
          %gather3A_1190 = tpu.vector_load_idx %gather3A_1189[%broadcast_in_dim3A_1174, %add3A_1185] : memref<4x6144xi32, #tpu.memory_space<vmem>>[vector<16xi32>, vector<16xi32>], vector<16xi32>,
          %add3A_1191 = arith.addi %mul3A_1183, %gather3A_1190 : vector<16xi32>
          %mul3A_1192 = arith.constant 2 : i32
          %mul3A_1193 = vector.broadcast %mul3A_1192 : i32 to vector<16xi32>
          %mul3A_1194 = arith.muli %add3A_1191, %mul3A_1193 : vector<16xi32>
          %add3A_1195 = vector.broadcast %mul3A_1180 : i32 to vector<16xi32>
          %add3A_1196 = arith.addi %add3A_1195, %add3A_9 : vector<16xi32>
          %gather3A_1197 = arith.constant 0 : i32
          %gather3A_1198 = arith.constant 0 : i32
          %gather3A_1199 = tpu.memref_slice %run_scoped3A[%rem3A_279, %gather3A_1197, %gather3A_1198] : memref<2x4x6144xi32, #tpu.memory_space<vmem>> -> memref<1x4x6144xi32, #tpu.memory_space<vmem>>
          %gather3A_1200 = tpu.memref_squeeze %gather3A_1199 : memref<1x4x6144xi32, #tpu.memory_space<vmem>> -> memref<4x6144xi32, #tpu.memory_space<vmem>>
          %gather3A_1201 = tpu.vector_load_idx %gather3A_1200[%broadcast_in_dim3A_1174, %add3A_1196] : memref<4x6144xi32, #tpu.memory_space<vmem>>[vector<16xi32>, vector<16xi32>], vector<16xi32>,
          %add3A_1202 = arith.addi %mul3A_1194, %gather3A_1201 : vector<16xi32>
          %mul3A_1203 = arith.constant 2 : i32
          %mul3A_1204 = vector.broadcast %mul3A_1203 : i32 to vector<16xi32>
          %mul3A_1205 = arith.muli %add3A_1202, %mul3A_1204 : vector<16xi32>
          %add3A_1206 = vector.broadcast %mul3A_1180 : i32 to vector<16xi32>
          %add3A_1207 = arith.addi %add3A_1206, %add3A_15 : vector<16xi32>
          %gather3A_1208 = arith.constant 0 : i32
          %gather3A_1209 = arith.constant 0 : i32
          %gather3A_1210 = tpu.memref_slice %run_scoped3A[%rem3A_279, %gather3A_1208, %gather3A_1209] : memref<2x4x6144xi32, #tpu.memory_space<vmem>> -> memref<1x4x6144xi32, #tpu.memory_space<vmem>>
          %gather3A_1211 = tpu.memref_squeeze %gather3A_1210 : memref<1x4x6144xi32, #tpu.memory_space<vmem>> -> memref<4x6144xi32, #tpu.memory_space<vmem>>
          %gather3A_1212 = tpu.vector_load_idx %gather3A_1211[%broadcast_in_dim3A_1174, %add3A_1207] : memref<4x6144xi32, #tpu.memory_space<vmem>>[vector<16xi32>, vector<16xi32>], vector<16xi32>,
          %add3A_1213 = arith.addi %mul3A_1205, %gather3A_1212 : vector<16xi32>
          %mul3A_1214 = arith.constant 2 : i32
          %mul3A_1215 = vector.broadcast %mul3A_1214 : i32 to vector<16xi32>
          %mul3A_1216 = arith.muli %add3A_1213, %mul3A_1215 : vector<16xi32>
          %add3A_1217 = vector.broadcast %mul3A_1180 : i32 to vector<16xi32>
          %add3A_1218 = arith.addi %add3A_1217, %add3A_21 : vector<16xi32>
          %gather3A_1219 = arith.constant 0 : i32
          %gather3A_1220 = arith.constant 0 : i32
          %gather3A_1221 = tpu.memref_slice %run_scoped3A[%rem3A_279, %gather3A_1219, %gather3A_1220] : memref<2x4x6144xi32, #tpu.memory_space<vmem>> -> memref<1x4x6144xi32, #tpu.memory_space<vmem>>
          %gather3A_1222 = tpu.memref_squeeze %gather3A_1221 : memref<1x4x6144xi32, #tpu.memory_space<vmem>> -> memref<4x6144xi32, #tpu.memory_space<vmem>>
          %gather3A_1223 = tpu.vector_load_idx %gather3A_1222[%broadcast_in_dim3A_1174, %add3A_1218] : memref<4x6144xi32, #tpu.memory_space<vmem>>[vector<16xi32>, vector<16xi32>], vector<16xi32>,
          %add3A_1224 = arith.addi %mul3A_1216, %gather3A_1223 : vector<16xi32>
          %mul3A_1225 = arith.constant 2 : i32
          %mul3A_1226 = vector.broadcast %mul3A_1225 : i32 to vector<16xi32>
          %mul3A_1227 = arith.muli %add3A_1224, %mul3A_1226 : vector<16xi32>
          %add3A_1228 = vector.broadcast %mul3A_1180 : i32 to vector<16xi32>
          %add3A_1229 = arith.addi %add3A_1228, %add3A_27 : vector<16xi32>
          %gather3A_1230 = arith.constant 0 : i32
          %gather3A_1231 = arith.constant 0 : i32
          %gather3A_1232 = tpu.memref_slice %run_scoped3A[%rem3A_279, %gather3A_1230, %gather3A_1231] : memref<2x4x6144xi32, #tpu.memory_space<vmem>> -> memref<1x4x6144xi32, #tpu.memory_space<vmem>>
          %gather3A_1233 = tpu.memref_squeeze %gather3A_1232 : memref<1x4x6144xi32, #tpu.memory_space<vmem>> -> memref<4x6144xi32, #tpu.memory_space<vmem>>
          %gather3A_1234 = tpu.vector_load_idx %gather3A_1233[%broadcast_in_dim3A_1174, %add3A_1229] : memref<4x6144xi32, #tpu.memory_space<vmem>>[vector<16xi32>, vector<16xi32>], vector<16xi32>,
          %add3A_1235 = arith.addi %mul3A_1227, %gather3A_1234 : vector<16xi32>
          %mul3A_1236 = arith.constant 2 : i32
          %mul3A_1237 = vector.broadcast %mul3A_1236 : i32 to vector<16xi32>
          %mul3A_1238 = arith.muli %add3A_1235, %mul3A_1237 : vector<16xi32>
          %add3A_1239 = vector.broadcast %mul3A_1180 : i32 to vector<16xi32>
          %add3A_1240 = arith.addi %add3A_1239, %add3A_33 : vector<16xi32>
          %gather3A_1241 = arith.constant 0 : i32
          %gather3A_1242 = arith.constant 0 : i32
          %gather3A_1243 = tpu.memref_slice %run_scoped3A[%rem3A_279, %gather3A_1241, %gather3A_1242] : memref<2x4x6144xi32, #tpu.memory_space<vmem>> -> memref<1x4x6144xi32, #tpu.memory_space<vmem>>
          %gather3A_1244 = tpu.memref_squeeze %gather3A_1243 : memref<1x4x6144xi32, #tpu.memory_space<vmem>> -> memref<4x6144xi32, #tpu.memory_space<vmem>>
          %gather3A_1245 = tpu.vector_load_idx %gather3A_1244[%broadcast_in_dim3A_1174, %add3A_1240] : memref<4x6144xi32, #tpu.memory_space<vmem>>[vector<16xi32>, vector<16xi32>], vector<16xi32>,
          %add3A_1246 = arith.addi %mul3A_1238, %gather3A_1245 : vector<16xi32>
          %mul3A_1247 = arith.constant 64 : i32
          %mul3A_1248 = arith.muli %add3A_394, %mul3A_1247 : i32
          %add3A_1249 = arith.constant 0 : i32
          %add3A_1250 = arith.addi %mul3A_1248, %add3A_1249 : i32
          %gather3A_1251 = tpu.vector_load_idx %arg6[%add3A_1246] : memref<128xf32, #tpu.memory_space<vmem>>[vector<16xi32>], vector<16xf32>,
          %swap3A_1252 = arith.constant 2 : i32
          %swap3A_1253 = arith.constant 0 : i32
          %swap3A_1254 = arith.constant 0 : i32
          %swap3A_1255 = tpu.memref_slice %run_scoped3A_45[%rem3A_281, %swap3A_1253, %swap3A_1254] : memref<2x4x1024xf32, #tpu.memory_space<vmem>> -> memref<1x4x1024xf32, #tpu.memory_space<vmem>>
          %swap3A_1256 = tpu.memref_squeeze %swap3A_1255 : memref<1x4x1024xf32, #tpu.memory_space<vmem>> -> memref<4x1024xf32, #tpu.memory_space<vmem>>
          %swap3A_1257 = arith.index_cast %swap3A_1252 : i32 to index
          %swap3A_1258 = arith.index_cast %add3A_1250 : i32 to index
          %swap3A_1259 = tpu.vector_load %swap3A_1256[%swap3A_1257, %swap3A_1258] {strides = array<i32>} : memref<4x1024xf32, #tpu.memory_space<vmem>>, vector<16xf32>,
          tpu.vector_store %swap3A_1256[%swap3A_1257, %swap3A_1258], %gather3A_1251 {strides = array<i32>} : memref<4x1024xf32, #tpu.memory_space<vmem>>, vector<16xf32>,
          %add3A_1260 = arith.constant 64 : i32
          %add3A_1261 = vector.broadcast %add3A_1260 : i32 to vector<16xi32>
          %add3A_1262 = arith.addi %add3A_1246, %add3A_1261 : vector<16xi32>
          %gather3A_1263 = tpu.vector_load_idx %arg6[%add3A_1262] : memref<128xf32, #tpu.memory_space<vmem>>[vector<16xi32>], vector<16xf32>,
          %swap3A_1264 = arith.constant 2 : i32
          %swap3A_1265 = arith.constant 0 : i32
          %swap3A_1266 = arith.constant 0 : i32
          %swap3A_1267 = tpu.memref_slice %run_scoped3A_47[%rem3A_283, %swap3A_1265, %swap3A_1266] : memref<2x4x1024xf32, #tpu.memory_space<vmem>> -> memref<1x4x1024xf32, #tpu.memory_space<vmem>>
          %swap3A_1268 = tpu.memref_squeeze %swap3A_1267 : memref<1x4x1024xf32, #tpu.memory_space<vmem>> -> memref<4x1024xf32, #tpu.memory_space<vmem>>
          %swap3A_1269 = arith.index_cast %swap3A_1264 : i32 to index
          %swap3A_1270 = arith.index_cast %add3A_1250 : i32 to index
          %swap3A_1271 = tpu.vector_load %swap3A_1268[%swap3A_1269, %swap3A_1270] {strides = array<i32>} : memref<4x1024xf32, #tpu.memory_space<vmem>>, vector<16xf32>,
          tpu.vector_store %swap3A_1268[%swap3A_1269, %swap3A_1270], %gather3A_1263 {strides = array<i32>} : memref<4x1024xf32, #tpu.memory_space<vmem>>, vector<16xf32>,
          %mul3A_1272 = arith.constant 4 : i32
          %mul3A_1273 = arith.muli %add3A_394, %mul3A_1272 : i32
          %add3A_1274 = arith.constant 1 : i32
          %add3A_1275 = arith.addi %mul3A_1273, %add3A_1274 : i32
          %mul3A_1276 = arith.constant 96 : i32
          %mul3A_1277 = arith.muli %add3A_1275, %mul3A_1276 : i32
          %mul3A_1278 = arith.constant 2 : i32
          %mul3A_1279 = vector.broadcast %mul3A_1278 : i32 to vector<16xi32>
          %mul3A_1280 = arith.muli %broadcast_in_dim3A_34, %mul3A_1279 : vector<16xi32>
          %add3A_1281 = vector.broadcast %mul3A_1277 : i32 to vector<16xi32>
          %add3A_1282 = arith.addi %add3A_1281, %add3A_3 : vector<16xi32>
          %gather3A_1283 = arith.constant 0 : i32
          %gather3A_1284 = arith.constant 0 : i32
          %gather3A_1285 = tpu.memref_slice %run_scoped3A[%rem3A_279, %gather3A_1283, %gather3A_1284] : memref<2x4x6144xi32, #tpu.memory_space<vmem>> -> memref<1x4x6144xi32, #tpu.memory_space<vmem>>
          %gather3A_1286 = tpu.memref_squeeze %gather3A_1285 : memref<1x4x6144xi32, #tpu.memory_space<vmem>> -> memref<4x6144xi32, #tpu.memory_space<vmem>>
          %gather3A_1287 = tpu.vector_load_idx %gather3A_1286[%broadcast_in_dim3A_1174, %add3A_1282] : memref<4x6144xi32, #tpu.memory_space<vmem>>[vector<16xi32>, vector<16xi32>], vector<16xi32>,
          %add3A_1288 = arith.addi %mul3A_1280, %gather3A_1287 : vector<16xi32>
          %mul3A_1289 = arith.constant 2 : i32
          %mul3A_1290 = vector.broadcast %mul3A_1289 : i32 to vector<16xi32>
          %mul3A_1291 = arith.muli %add3A_1288, %mul3A_1290 : vector<16xi32>
          %add3A_1292 = vector.broadcast %mul3A_1277 : i32 to vector<16xi32>
          %add3A_1293 = arith.addi %add3A_1292, %add3A_9 : vector<16xi32>
          %gather3A_1294 = arith.constant 0 : i32
          %gather3A_1295 = arith.constant 0 : i32
          %gather3A_1296 = tpu.memref_slice %run_scoped3A[%rem3A_279, %gather3A_1294, %gather3A_1295] : memref<2x4x6144xi32, #tpu.memory_space<vmem>> -> memref<1x4x6144xi32, #tpu.memory_space<vmem>>
          %gather3A_1297 = tpu.memref_squeeze %gather3A_1296 : memref<1x4x6144xi32, #tpu.memory_space<vmem>> -> memref<4x6144xi32, #tpu.memory_space<vmem>>
          %gather3A_1298 = tpu.vector_load_idx %gather3A_1297[%broadcast_in_dim3A_1174, %add3A_1293] : memref<4x6144xi32, #tpu.memory_space<vmem>>[vector<16xi32>, vector<16xi32>], vector<16xi32>,
          %add3A_1299 = arith.addi %mul3A_1291, %gather3A_1298 : vector<16xi32>
          %mul3A_1300 = arith.constant 2 : i32
          %mul3A_1301 = vector.broadcast %mul3A_1300 : i32 to vector<16xi32>
          %mul3A_1302 = arith.muli %add3A_1299, %mul3A_1301 : vector<16xi32>
          %add3A_1303 = vector.broadcast %mul3A_1277 : i32 to vector<16xi32>
          %add3A_1304 = arith.addi %add3A_1303, %add3A_15 : vector<16xi32>
          %gather3A_1305 = arith.constant 0 : i32
          %gather3A_1306 = arith.constant 0 : i32
          %gather3A_1307 = tpu.memref_slice %run_scoped3A[%rem3A_279, %gather3A_1305, %gather3A_1306] : memref<2x4x6144xi32, #tpu.memory_space<vmem>> -> memref<1x4x6144xi32, #tpu.memory_space<vmem>>
          %gather3A_1308 = tpu.memref_squeeze %gather3A_1307 : memref<1x4x6144xi32, #tpu.memory_space<vmem>> -> memref<4x6144xi32, #tpu.memory_space<vmem>>
          %gather3A_1309 = tpu.vector_load_idx %gather3A_1308[%broadcast_in_dim3A_1174, %add3A_1304] : memref<4x6144xi32, #tpu.memory_space<vmem>>[vector<16xi32>, vector<16xi32>], vector<16xi32>,
          %add3A_1310 = arith.addi %mul3A_1302, %gather3A_1309 : vector<16xi32>
          %mul3A_1311 = arith.constant 2 : i32
          %mul3A_1312 = vector.broadcast %mul3A_1311 : i32 to vector<16xi32>
          %mul3A_1313 = arith.muli %add3A_1310, %mul3A_1312 : vector<16xi32>
          %add3A_1314 = vector.broadcast %mul3A_1277 : i32 to vector<16xi32>
          %add3A_1315 = arith.addi %add3A_1314, %add3A_21 : vector<16xi32>
          %gather3A_1316 = arith.constant 0 : i32
          %gather3A_1317 = arith.constant 0 : i32
          %gather3A_1318 = tpu.memref_slice %run_scoped3A[%rem3A_279, %gather3A_1316, %gather3A_1317] : memref<2x4x6144xi32, #tpu.memory_space<vmem>> -> memref<1x4x6144xi32, #tpu.memory_space<vmem>>
          %gather3A_1319 = tpu.memref_squeeze %gather3A_1318 : memref<1x4x6144xi32, #tpu.memory_space<vmem>> -> memref<4x6144xi32, #tpu.memory_space<vmem>>
          %gather3A_1320 = tpu.vector_load_idx %gather3A_1319[%broadcast_in_dim3A_1174, %add3A_1315] : memref<4x6144xi32, #tpu.memory_space<vmem>>[vector<16xi32>, vector<16xi32>], vector<16xi32>,
          %add3A_1321 = arith.addi %mul3A_1313, %gather3A_1320 : vector<16xi32>
          %mul3A_1322 = arith.constant 2 : i32
          %mul3A_1323 = vector.broadcast %mul3A_1322 : i32 to vector<16xi32>
          %mul3A_1324 = arith.muli %add3A_1321, %mul3A_1323 : vector<16xi32>
          %add3A_1325 = vector.broadcast %mul3A_1277 : i32 to vector<16xi32>
          %add3A_1326 = arith.addi %add3A_1325, %add3A_27 : vector<16xi32>
          %gather3A_1327 = arith.constant 0 : i32
          %gather3A_1328 = arith.constant 0 : i32
          %gather3A_1329 = tpu.memref_slice %run_scoped3A[%rem3A_279, %gather3A_1327, %gather3A_1328] : memref<2x4x6144xi32, #tpu.memory_space<vmem>> -> memref<1x4x6144xi32, #tpu.memory_space<vmem>>
          %gather3A_1330 = tpu.memref_squeeze %gather3A_1329 : memref<1x4x6144xi32, #tpu.memory_space<vmem>> -> memref<4x6144xi32, #tpu.memory_space<vmem>>
          %gather3A_1331 = tpu.vector_load_idx %gather3A_1330[%broadcast_in_dim3A_1174, %add3A_1326] : memref<4x6144xi32, #tpu.memory_space<vmem>>[vector<16xi32>, vector<16xi32>], vector<16xi32>,
          %add3A_1332 = arith.addi %mul3A_1324, %gather3A_1331 : vector<16xi32>
          %mul3A_1333 = arith.constant 2 : i32
          %mul3A_1334 = vector.broadcast %mul3A_1333 : i32 to vector<16xi32>
          %mul3A_1335 = arith.muli %add3A_1332, %mul3A_1334 : vector<16xi32>
          %add3A_1336 = vector.broadcast %mul3A_1277 : i32 to vector<16xi32>
          %add3A_1337 = arith.addi %add3A_1336, %add3A_33 : vector<16xi32>
          %gather3A_1338 = arith.constant 0 : i32
          %gather3A_1339 = arith.constant 0 : i32
          %gather3A_1340 = tpu.memref_slice %run_scoped3A[%rem3A_279, %gather3A_1338, %gather3A_1339] : memref<2x4x6144xi32, #tpu.memory_space<vmem>> -> memref<1x4x6144xi32, #tpu.memory_space<vmem>>
          %gather3A_1341 = tpu.memref_squeeze %gather3A_1340 : memref<1x4x6144xi32, #tpu.memory_space<vmem>> -> memref<4x6144xi32, #tpu.memory_space<vmem>>
          %gather3A_1342 = tpu.vector_load_idx %gather3A_1341[%broadcast_in_dim3A_1174, %add3A_1337] : memref<4x6144xi32, #tpu.memory_space<vmem>>[vector<16xi32>, vector<16xi32>], vector<16xi32>,
          %add3A_1343 = arith.addi %mul3A_1335, %gather3A_1342 : vector<16xi32>
          %mul3A_1344 = arith.constant 64 : i32
          %mul3A_1345 = arith.muli %add3A_394, %mul3A_1344 : i32
          %add3A_1346 = arith.constant 16 : i32
          %add3A_1347 = arith.addi %mul3A_1345, %add3A_1346 : i32
          %gather3A_1348 = tpu.vector_load_idx %arg6[%add3A_1343] : memref<128xf32, #tpu.memory_space<vmem>>[vector<16xi32>], vector<16xf32>,
          %swap3A_1349 = arith.constant 2 : i32
          %swap3A_1350 = arith.constant 0 : i32
          %swap3A_1351 = arith.constant 0 : i32
          %swap3A_1352 = tpu.memref_slice %run_scoped3A_45[%rem3A_281, %swap3A_1350, %swap3A_1351] : memref<2x4x1024xf32, #tpu.memory_space<vmem>> -> memref<1x4x1024xf32, #tpu.memory_space<vmem>>
          %swap3A_1353 = tpu.memref_squeeze %swap3A_1352 : memref<1x4x1024xf32, #tpu.memory_space<vmem>> -> memref<4x1024xf32, #tpu.memory_space<vmem>>
          %swap3A_1354 = arith.index_cast %swap3A_1349 : i32 to index
          %swap3A_1355 = arith.index_cast %add3A_1347 : i32 to index
          %swap3A_1356 = tpu.vector_load %swap3A_1353[%swap3A_1354, %swap3A_1355] {strides = array<i32>} : memref<4x1024xf32, #tpu.memory_space<vmem>>, vector<16xf32>,
          tpu.vector_store %swap3A_1353[%swap3A_1354, %swap3A_1355], %gather3A_1348 {strides = array<i32>} : memref<4x1024xf32, #tpu.memory_space<vmem>>, vector<16xf32>,
          %add3A_1357 = arith.constant 64 : i32
          %add3A_1358 = vector.broadcast %add3A_1357 : i32 to vector<16xi32>
          %add3A_1359 = arith.addi %add3A_1343, %add3A_1358 : vector<16xi32>
          %gather3A_1360 = tpu.vector_load_idx %arg6[%add3A_1359] : memref<128xf32, #tpu.memory_space<vmem>>[vector<16xi32>], vector<16xf32>,
          %swap3A_1361 = arith.constant 2 : i32
          %swap3A_1362 = arith.constant 0 : i32
          %swap3A_1363 = arith.constant 0 : i32
          %swap3A_1364 = tpu.memref_slice %run_scoped3A_47[%rem3A_283, %swap3A_1362, %swap3A_1363] : memref<2x4x1024xf32, #tpu.memory_space<vmem>> -> memref<1x4x1024xf32, #tpu.memory_space<vmem>>
          %swap3A_1365 = tpu.memref_squeeze %swap3A_1364 : memref<1x4x1024xf32, #tpu.memory_space<vmem>> -> memref<4x1024xf32, #tpu.memory_space<vmem>>
          %swap3A_1366 = arith.index_cast %swap3A_1361 : i32 to index
          %swap3A_1367 = arith.index_cast %add3A_1347 : i32 to index
          %swap3A_1368 = tpu.vector_load %swap3A_1365[%swap3A_1366, %swap3A_1367] {strides = array<i32>} : memref<4x1024xf32, #tpu.memory_space<vmem>>, vector<16xf32>,
          tpu.vector_store %swap3A_1365[%swap3A_1366, %swap3A_1367], %gather3A_1360 {strides = array<i32>} : memref<4x1024xf32, #tpu.memory_space<vmem>>, vector<16xf32>,
          %mul3A_1369 = arith.constant 4 : i32
          %mul3A_1370 = arith.muli %add3A_394, %mul3A_1369 : i32
          %add3A_1371 = arith.constant 2 : i32
          %add3A_1372 = arith.addi %mul3A_1370, %add3A_1371 : i32
          %mul3A_1373 = arith.constant 96 : i32
          %mul3A_1374 = arith.muli %add3A_1372, %mul3A_1373 : i32
          %mul3A_1375 = arith.constant 2 : i32
          %mul3A_1376 = vector.broadcast %mul3A_1375 : i32 to vector<16xi32>
          %mul3A_1377 = arith.muli %broadcast_in_dim3A_34, %mul3A_1376 : vector<16xi32>
          %add3A_1378 = vector.broadcast %mul3A_1374 : i32 to vector<16xi32>
          %add3A_1379 = arith.addi %add3A_1378, %add3A_3 : vector<16xi32>
          %gather3A_1380 = arith.constant 0 : i32
          %gather3A_1381 = arith.constant 0 : i32
          %gather3A_1382 = tpu.memref_slice %run_scoped3A[%rem3A_279, %gather3A_1380, %gather3A_1381] : memref<2x4x6144xi32, #tpu.memory_space<vmem>> -> memref<1x4x6144xi32, #tpu.memory_space<vmem>>
          %gather3A_1383 = tpu.memref_squeeze %gather3A_1382 : memref<1x4x6144xi32, #tpu.memory_space<vmem>> -> memref<4x6144xi32, #tpu.memory_space<vmem>>
          %gather3A_1384 = tpu.vector_load_idx %gather3A_1383[%broadcast_in_dim3A_1174, %add3A_1379] : memref<4x6144xi32, #tpu.memory_space<vmem>>[vector<16xi32>, vector<16xi32>], vector<16xi32>,
          %add3A_1385 = arith.addi %mul3A_1377, %gather3A_1384 : vector<16xi32>
          %mul3A_1386 = arith.constant 2 : i32
          %mul3A_1387 = vector.broadcast %mul3A_1386 : i32 to vector<16xi32>
          %mul3A_1388 = arith.muli %add3A_1385, %mul3A_1387 : vector<16xi32>
          %add3A_1389 = vector.broadcast %mul3A_1374 : i32 to vector<16xi32>
          %add3A_1390 = arith.addi %add3A_1389, %add3A_9 : vector<16xi32>
          %gather3A_1391 = arith.constant 0 : i32
          %gather3A_1392 = arith.constant 0 : i32
          %gather3A_1393 = tpu.memref_slice %run_scoped3A[%rem3A_279, %gather3A_1391, %gather3A_1392] : memref<2x4x6144xi32, #tpu.memory_space<vmem>> -> memref<1x4x6144xi32, #tpu.memory_space<vmem>>
          %gather3A_1394 = tpu.memref_squeeze %gather3A_1393 : memref<1x4x6144xi32, #tpu.memory_space<vmem>> -> memref<4x6144xi32, #tpu.memory_space<vmem>>
          %gather3A_1395 = tpu.vector_load_idx %gather3A_1394[%broadcast_in_dim3A_1174, %add3A_1390] : memref<4x6144xi32, #tpu.memory_space<vmem>>[vector<16xi32>, vector<16xi32>], vector<16xi32>,
          %add3A_1396 = arith.addi %mul3A_1388, %gather3A_1395 : vector<16xi32>
          %mul3A_1397 = arith.constant 2 : i32
          %mul3A_1398 = vector.broadcast %mul3A_1397 : i32 to vector<16xi32>
          %mul3A_1399 = arith.muli %add3A_1396, %mul3A_1398 : vector<16xi32>
          %add3A_1400 = vector.broadcast %mul3A_1374 : i32 to vector<16xi32>
          %add3A_1401 = arith.addi %add3A_1400, %add3A_15 : vector<16xi32>
          %gather3A_1402 = arith.constant 0 : i32
          %gather3A_1403 = arith.constant 0 : i32
          %gather3A_1404 = tpu.memref_slice %run_scoped3A[%rem3A_279, %gather3A_1402, %gather3A_1403] : memref<2x4x6144xi32, #tpu.memory_space<vmem>> -> memref<1x4x6144xi32, #tpu.memory_space<vmem>>
          %gather3A_1405 = tpu.memref_squeeze %gather3A_1404 : memref<1x4x6144xi32, #tpu.memory_space<vmem>> -> memref<4x6144xi32, #tpu.memory_space<vmem>>
          %gather3A_1406 = tpu.vector_load_idx %gather3A_1405[%broadcast_in_dim3A_1174, %add3A_1401] : memref<4x6144xi32, #tpu.memory_space<vmem>>[vector<16xi32>, vector<16xi32>], vector<16xi32>,
          %add3A_1407 = arith.addi %mul3A_1399, %gather3A_1406 : vector<16xi32>
          %mul3A_1408 = arith.constant 2 : i32
          %mul3A_1409 = vector.broadcast %mul3A_1408 : i32 to vector<16xi32>
          %mul3A_1410 = arith.muli %add3A_1407, %mul3A_1409 : vector<16xi32>
          %add3A_1411 = vector.broadcast %mul3A_1374 : i32 to vector<16xi32>
          %add3A_1412 = arith.addi %add3A_1411, %add3A_21 : vector<16xi32>
          %gather3A_1413 = arith.constant 0 : i32
          %gather3A_1414 = arith.constant 0 : i32
          %gather3A_1415 = tpu.memref_slice %run_scoped3A[%rem3A_279, %gather3A_1413, %gather3A_1414] : memref<2x4x6144xi32, #tpu.memory_space<vmem>> -> memref<1x4x6144xi32, #tpu.memory_space<vmem>>
          %gather3A_1416 = tpu.memref_squeeze %gather3A_1415 : memref<1x4x6144xi32, #tpu.memory_space<vmem>> -> memref<4x6144xi32, #tpu.memory_space<vmem>>
          %gather3A_1417 = tpu.vector_load_idx %gather3A_1416[%broadcast_in_dim3A_1174, %add3A_1412] : memref<4x6144xi32, #tpu.memory_space<vmem>>[vector<16xi32>, vector<16xi32>], vector<16xi32>,
          %add3A_1418 = arith.addi %mul3A_1410, %gather3A_1417 : vector<16xi32>
          %mul3A_1419 = arith.constant 2 : i32
          %mul3A_1420 = vector.broadcast %mul3A_1419 : i32 to vector<16xi32>
          %mul3A_1421 = arith.muli %add3A_1418, %mul3A_1420 : vector<16xi32>
          %add3A_1422 = vector.broadcast %mul3A_1374 : i32 to vector<16xi32>
          %add3A_1423 = arith.addi %add3A_1422, %add3A_27 : vector<16xi32>
          %gather3A_1424 = arith.constant 0 : i32
          %gather3A_1425 = arith.constant 0 : i32
          %gather3A_1426 = tpu.memref_slice %run_scoped3A[%rem3A_279, %gather3A_1424, %gather3A_1425] : memref<2x4x6144xi32, #tpu.memory_space<vmem>> -> memref<1x4x6144xi32, #tpu.memory_space<vmem>>
          %gather3A_1427 = tpu.memref_squeeze %gather3A_1426 : memref<1x4x6144xi32, #tpu.memory_space<vmem>> -> memref<4x6144xi32, #tpu.memory_space<vmem>>
          %gather3A_1428 = tpu.vector_load_idx %gather3A_1427[%broadcast_in_dim3A_1174, %add3A_1423] : memref<4x6144xi32, #tpu.memory_space<vmem>>[vector<16xi32>, vector<16xi32>], vector<16xi32>,
          %add3A_1429 = arith.addi %mul3A_1421, %gather3A_1428 : vector<16xi32>
          %mul3A_1430 = arith.constant 2 : i32
          %mul3A_1431 = vector.broadcast %mul3A_1430 : i32 to vector<16xi32>
          %mul3A_1432 = arith.muli %add3A_1429, %mul3A_1431 : vector<16xi32>
          %add3A_1433 = vector.broadcast %mul3A_1374 : i32 to vector<16xi32>
          %add3A_1434 = arith.addi %add3A_1433, %add3A_33 : vector<16xi32>
          %gather3A_1435 = arith.constant 0 : i32
          %gather3A_1436 = arith.constant 0 : i32
          %gather3A_1437 = tpu.memref_slice %run_scoped3A[%rem3A_279, %gather3A_1435, %gather3A_1436] : memref<2x4x6144xi32, #tpu.memory_space<vmem>> -> memref<1x4x6144xi32, #tpu.memory_space<vmem>>
          %gather3A_1438 = tpu.memref_squeeze %gather3A_1437 : memref<1x4x6144xi32, #tpu.memory_space<vmem>> -> memref<4x6144xi32, #tpu.memory_space<vmem>>
          %gather3A_1439 = tpu.vector_load_idx %gather3A_1438[%broadcast_in_dim3A_1174, %add3A_1434] : memref<4x6144xi32, #tpu.memory_space<vmem>>[vector<16xi32>, vector<16xi32>], vector<16xi32>,
          %add3A_1440 = arith.addi %mul3A_1432, %gather3A_1439 : vector<16xi32>
          %mul3A_1441 = arith.constant 64 : i32
          %mul3A_1442 = arith.muli %add3A_394, %mul3A_1441 : i32
          %add3A_1443 = arith.constant 32 : i32
          %add3A_1444 = arith.addi %mul3A_1442, %add3A_1443 : i32
          %gather3A_1445 = tpu.vector_load_idx %arg6[%add3A_1440] : memref<128xf32, #tpu.memory_space<vmem>>[vector<16xi32>], vector<16xf32>,
          %swap3A_1446 = arith.constant 2 : i32
          %swap3A_1447 = arith.constant 0 : i32
          %swap3A_1448 = arith.constant 0 : i32
          %swap3A_1449 = tpu.memref_slice %run_scoped3A_45[%rem3A_281, %swap3A_1447, %swap3A_1448] : memref<2x4x1024xf32, #tpu.memory_space<vmem>> -> memref<1x4x1024xf32, #tpu.memory_space<vmem>>
          %swap3A_1450 = tpu.memref_squeeze %swap3A_1449 : memref<1x4x1024xf32, #tpu.memory_space<vmem>> -> memref<4x1024xf32, #tpu.memory_space<vmem>>
          %swap3A_1451 = arith.index_cast %swap3A_1446 : i32 to index
          %swap3A_1452 = arith.index_cast %add3A_1444 : i32 to index
          %swap3A_1453 = tpu.vector_load %swap3A_1450[%swap3A_1451, %swap3A_1452] {strides = array<i32>} : memref<4x1024xf32, #tpu.memory_space<vmem>>, vector<16xf32>,
          tpu.vector_store %swap3A_1450[%swap3A_1451, %swap3A_1452], %gather3A_1445 {strides = array<i32>} : memref<4x1024xf32, #tpu.memory_space<vmem>>, vector<16xf32>,
          %add3A_1454 = arith.constant 64 : i32
          %add3A_1455 = vector.broadcast %add3A_1454 : i32 to vector<16xi32>
          %add3A_1456 = arith.addi %add3A_1440, %add3A_1455 : vector<16xi32>
          %gather3A_1457 = tpu.vector_load_idx %arg6[%add3A_1456] : memref<128xf32, #tpu.memory_space<vmem>>[vector<16xi32>], vector<16xf32>,
          %swap3A_1458 = arith.constant 2 : i32
          %swap3A_1459 = arith.constant 0 : i32
          %swap3A_1460 = arith.constant 0 : i32
          %swap3A_1461 = tpu.memref_slice %run_scoped3A_47[%rem3A_283, %swap3A_1459, %swap3A_1460] : memref<2x4x1024xf32, #tpu.memory_space<vmem>> -> memref<1x4x1024xf32, #tpu.memory_space<vmem>>
          %swap3A_1462 = tpu.memref_squeeze %swap3A_1461 : memref<1x4x1024xf32, #tpu.memory_space<vmem>> -> memref<4x1024xf32, #tpu.memory_space<vmem>>
          %swap3A_1463 = arith.index_cast %swap3A_1458 : i32 to index
          %swap3A_1464 = arith.index_cast %add3A_1444 : i32 to index
          %swap3A_1465 = tpu.vector_load %swap3A_1462[%swap3A_1463, %swap3A_1464] {strides = array<i32>} : memref<4x1024xf32, #tpu.memory_space<vmem>>, vector<16xf32>,
          tpu.vector_store %swap3A_1462[%swap3A_1463, %swap3A_1464], %gather3A_1457 {strides = array<i32>} : memref<4x1024xf32, #tpu.memory_space<vmem>>, vector<16xf32>,
          %mul3A_1466 = arith.constant 4 : i32
          %mul3A_1467 = arith.muli %add3A_394, %mul3A_1466 : i32
          %add3A_1468 = arith.constant 3 : i32
          %add3A_1469 = arith.addi %mul3A_1467, %add3A_1468 : i32
          %mul3A_1470 = arith.constant 96 : i32
          %mul3A_1471 = arith.muli %add3A_1469, %mul3A_1470 : i32
          %mul3A_1472 = arith.constant 2 : i32
          %mul3A_1473 = vector.broadcast %mul3A_1472 : i32 to vector<16xi32>
          %mul3A_1474 = arith.muli %broadcast_in_dim3A_34, %mul3A_1473 : vector<16xi32>
          %add3A_1475 = vector.broadcast %mul3A_1471 : i32 to vector<16xi32>
          %add3A_1476 = arith.addi %add3A_1475, %add3A_3 : vector<16xi32>
          %gather3A_1477 = arith.constant 0 : i32
          %gather3A_1478 = arith.constant 0 : i32
          %gather3A_1479 = tpu.memref_slice %run_scoped3A[%rem3A_279, %gather3A_1477, %gather3A_1478] : memref<2x4x6144xi32, #tpu.memory_space<vmem>> -> memref<1x4x6144xi32, #tpu.memory_space<vmem>>
          %gather3A_1480 = tpu.memref_squeeze %gather3A_1479 : memref<1x4x6144xi32, #tpu.memory_space<vmem>> -> memref<4x6144xi32, #tpu.memory_space<vmem>>
          %gather3A_1481 = tpu.vector_load_idx %gather3A_1480[%broadcast_in_dim3A_1174, %add3A_1476] : memref<4x6144xi32, #tpu.memory_space<vmem>>[vector<16xi32>, vector<16xi32>], vector<16xi32>,
          %add3A_1482 = arith.addi %mul3A_1474, %gather3A_1481 : vector<16xi32>
          %mul3A_1483 = arith.constant 2 : i32
          %mul3A_1484 = vector.broadcast %mul3A_1483 : i32 to vector<16xi32>
          %mul3A_1485 = arith.muli %add3A_1482, %mul3A_1484 : vector<16xi32>
          %add3A_1486 = vector.broadcast %mul3A_1471 : i32 to vector<16xi32>
          %add3A_1487 = arith.addi %add3A_1486, %add3A_9 : vector<16xi32>
          %gather3A_1488 = arith.constant 0 : i32
          %gather3A_1489 = arith.constant 0 : i32
          %gather3A_1490 = tpu.memref_slice %run_scoped3A[%rem3A_279, %gather3A_1488, %gather3A_1489] : memref<2x4x6144xi32, #tpu.memory_space<vmem>> -> memref<1x4x6144xi32, #tpu.memory_space<vmem>>
          %gather3A_1491 = tpu.memref_squeeze %gather3A_1490 : memref<1x4x6144xi32, #tpu.memory_space<vmem>> -> memref<4x6144xi32, #tpu.memory_space<vmem>>
          %gather3A_1492 = tpu.vector_load_idx %gather3A_1491[%broadcast_in_dim3A_1174, %add3A_1487] : memref<4x6144xi32, #tpu.memory_space<vmem>>[vector<16xi32>, vector<16xi32>], vector<16xi32>,
          %add3A_1493 = arith.addi %mul3A_1485, %gather3A_1492 : vector<16xi32>
          %mul3A_1494 = arith.constant 2 : i32
          %mul3A_1495 = vector.broadcast %mul3A_1494 : i32 to vector<16xi32>
          %mul3A_1496 = arith.muli %add3A_1493, %mul3A_1495 : vector<16xi32>
          %add3A_1497 = vector.broadcast %mul3A_1471 : i32 to vector<16xi32>
          %add3A_1498 = arith.addi %add3A_1497, %add3A_15 : vector<16xi32>
          %gather3A_1499 = arith.constant 0 : i32
          %gather3A_1500 = arith.constant 0 : i32
          %gather3A_1501 = tpu.memref_slice %run_scoped3A[%rem3A_279, %gather3A_1499, %gather3A_1500] : memref<2x4x6144xi32, #tpu.memory_space<vmem>> -> memref<1x4x6144xi32, #tpu.memory_space<vmem>>
          %gather3A_1502 = tpu.memref_squeeze %gather3A_1501 : memref<1x4x6144xi32, #tpu.memory_space<vmem>> -> memref<4x6144xi32, #tpu.memory_space<vmem>>
          %gather3A_1503 = tpu.vector_load_idx %gather3A_1502[%broadcast_in_dim3A_1174, %add3A_1498] : memref<4x6144xi32, #tpu.memory_space<vmem>>[vector<16xi32>, vector<16xi32>], vector<16xi32>,
          %add3A_1504 = arith.addi %mul3A_1496, %gather3A_1503 : vector<16xi32>
          %mul3A_1505 = arith.constant 2 : i32
          %mul3A_1506 = vector.broadcast %mul3A_1505 : i32 to vector<16xi32>
          %mul3A_1507 = arith.muli %add3A_1504, %mul3A_1506 : vector<16xi32>
          %add3A_1508 = vector.broadcast %mul3A_1471 : i32 to vector<16xi32>
          %add3A_1509 = arith.addi %add3A_1508, %add3A_21 : vector<16xi32>
          %gather3A_1510 = arith.constant 0 : i32
          %gather3A_1511 = arith.constant 0 : i32
          %gather3A_1512 = tpu.memref_slice %run_scoped3A[%rem3A_279, %gather3A_1510, %gather3A_1511] : memref<2x4x6144xi32, #tpu.memory_space<vmem>> -> memref<1x4x6144xi32, #tpu.memory_space<vmem>>
          %gather3A_1513 = tpu.memref_squeeze %gather3A_1512 : memref<1x4x6144xi32, #tpu.memory_space<vmem>> -> memref<4x6144xi32, #tpu.memory_space<vmem>>
          %gather3A_1514 = tpu.vector_load_idx %gather3A_1513[%broadcast_in_dim3A_1174, %add3A_1509] : memref<4x6144xi32, #tpu.memory_space<vmem>>[vector<16xi32>, vector<16xi32>], vector<16xi32>,
          %add3A_1515 = arith.addi %mul3A_1507, %gather3A_1514 : vector<16xi32>
          %mul3A_1516 = arith.constant 2 : i32
          %mul3A_1517 = vector.broadcast %mul3A_1516 : i32 to vector<16xi32>
          %mul3A_1518 = arith.muli %add3A_1515, %mul3A_1517 : vector<16xi32>
          %add3A_1519 = vector.broadcast %mul3A_1471 : i32 to vector<16xi32>
          %add3A_1520 = arith.addi %add3A_1519, %add3A_27 : vector<16xi32>
          %gather3A_1521 = arith.constant 0 : i32
          %gather3A_1522 = arith.constant 0 : i32
          %gather3A_1523 = tpu.memref_slice %run_scoped3A[%rem3A_279, %gather3A_1521, %gather3A_1522] : memref<2x4x6144xi32, #tpu.memory_space<vmem>> -> memref<1x4x6144xi32, #tpu.memory_space<vmem>>
          %gather3A_1524 = tpu.memref_squeeze %gather3A_1523 : memref<1x4x6144xi32, #tpu.memory_space<vmem>> -> memref<4x6144xi32, #tpu.memory_space<vmem>>
          %gather3A_1525 = tpu.vector_load_idx %gather3A_1524[%broadcast_in_dim3A_1174, %add3A_1520] : memref<4x6144xi32, #tpu.memory_space<vmem>>[vector<16xi32>, vector<16xi32>], vector<16xi32>,
          %add3A_1526 = arith.addi %mul3A_1518, %gather3A_1525 : vector<16xi32>
          %mul3A_1527 = arith.constant 2 : i32
          %mul3A_1528 = vector.broadcast %mul3A_1527 : i32 to vector<16xi32>
          %mul3A_1529 = arith.muli %add3A_1526, %mul3A_1528 : vector<16xi32>
          %add3A_1530 = vector.broadcast %mul3A_1471 : i32 to vector<16xi32>
          %add3A_1531 = arith.addi %add3A_1530, %add3A_33 : vector<16xi32>
          %gather3A_1532 = arith.constant 0 : i32
          %gather3A_1533 = arith.constant 0 : i32
          %gather3A_1534 = tpu.memref_slice %run_scoped3A[%rem3A_279, %gather3A_1532, %gather3A_1533] : memref<2x4x6144xi32, #tpu.memory_space<vmem>> -> memref<1x4x6144xi32, #tpu.memory_space<vmem>>
          %gather3A_1535 = tpu.memref_squeeze %gather3A_1534 : memref<1x4x6144xi32, #tpu.memory_space<vmem>> -> memref<4x6144xi32, #tpu.memory_space<vmem>>
          %gather3A_1536 = tpu.vector_load_idx %gather3A_1535[%broadcast_in_dim3A_1174, %add3A_1531] : memref<4x6144xi32, #tpu.memory_space<vmem>>[vector<16xi32>, vector<16xi32>], vector<16xi32>,
          %add3A_1537 = arith.addi %mul3A_1529, %gather3A_1536 : vector<16xi32>
          %mul3A_1538 = arith.constant 64 : i32
          %mul3A_1539 = arith.muli %add3A_394, %mul3A_1538 : i32
          %add3A_1540 = arith.constant 48 : i32
          %add3A_1541 = arith.addi %mul3A_1539, %add3A_1540 : i32
          %gather3A_1542 = tpu.vector_load_idx %arg6[%add3A_1537] : memref<128xf32, #tpu.memory_space<vmem>>[vector<16xi32>], vector<16xf32>,
          %swap3A_1543 = arith.constant 2 : i32
          %swap3A_1544 = arith.constant 0 : i32
          %swap3A_1545 = arith.constant 0 : i32
          %swap3A_1546 = tpu.memref_slice %run_scoped3A_45[%rem3A_281, %swap3A_1544, %swap3A_1545] : memref<2x4x1024xf32, #tpu.memory_space<vmem>> -> memref<1x4x1024xf32, #tpu.memory_space<vmem>>
          %swap3A_1547 = tpu.memref_squeeze %swap3A_1546 : memref<1x4x1024xf32, #tpu.memory_space<vmem>> -> memref<4x1024xf32, #tpu.memory_space<vmem>>
          %swap3A_1548 = arith.index_cast %swap3A_1543 : i32 to index
          %swap3A_1549 = arith.index_cast %add3A_1541 : i32 to index
          %swap3A_1550 = tpu.vector_load %swap3A_1547[%swap3A_1548, %swap3A_1549] {strides = array<i32>} : memref<4x1024xf32, #tpu.memory_space<vmem>>, vector<16xf32>,
          tpu.vector_store %swap3A_1547[%swap3A_1548, %swap3A_1549], %gather3A_1542 {strides = array<i32>} : memref<4x1024xf32, #tpu.memory_space<vmem>>, vector<16xf32>,
          %add3A_1551 = arith.constant 64 : i32
          %add3A_1552 = vector.broadcast %add3A_1551 : i32 to vector<16xi32>
          %add3A_1553 = arith.addi %add3A_1537, %add3A_1552 : vector<16xi32>
          %gather3A_1554 = tpu.vector_load_idx %arg6[%add3A_1553] : memref<128xf32, #tpu.memory_space<vmem>>[vector<16xi32>], vector<16xf32>,
          %swap3A_1555 = arith.constant 2 : i32
          %swap3A_1556 = arith.constant 0 : i32
          %swap3A_1557 = arith.constant 0 : i32
          %swap3A_1558 = tpu.memref_slice %run_scoped3A_47[%rem3A_283, %swap3A_1556, %swap3A_1557] : memref<2x4x1024xf32, #tpu.memory_space<vmem>> -> memref<1x4x1024xf32, #tpu.memory_space<vmem>>
          %swap3A_1559 = tpu.memref_squeeze %swap3A_1558 : memref<1x4x1024xf32, #tpu.memory_space<vmem>> -> memref<4x1024xf32, #tpu.memory_space<vmem>>
          %swap3A_1560 = arith.index_cast %swap3A_1555 : i32 to index
          %swap3A_1561 = arith.index_cast %add3A_1541 : i32 to index
          %swap3A_1562 = tpu.vector_load %swap3A_1559[%swap3A_1560, %swap3A_1561] {strides = array<i32>} : memref<4x1024xf32, #tpu.memory_space<vmem>>, vector<16xf32>,
          tpu.vector_store %swap3A_1559[%swap3A_1560, %swap3A_1561], %gather3A_1554 {strides = array<i32>} : memref<4x1024xf32, #tpu.memory_space<vmem>>, vector<16xf32>,
          %broadcast_in_dim3A_1563 = arith.constant 3 : i32
          %broadcast_in_dim3A_1564 = vector.broadcast %broadcast_in_dim3A_1563 : i32 to vector<16xi32>
          %mul3A_1565 = arith.constant 4 : i32
          %mul3A_1566 = arith.muli %add3A_394, %mul3A_1565 : i32
          %add3A_1567 = arith.constant 0 : i32
          %add3A_1568 = arith.addi %mul3A_1566, %add3A_1567 : i32
          %mul3A_1569 = arith.constant 96 : i32
          %mul3A_1570 = arith.muli %add3A_1568, %mul3A_1569 : i32
          %mul3A_1571 = arith.constant 2 : i32
          %mul3A_1572 = vector.broadcast %mul3A_1571 : i32 to vector<16xi32>
          %mul3A_1573 = arith.muli %broadcast_in_dim3A_34, %mul3A_1572 : vector<16xi32>
          %add3A_1574 = vector.broadcast %mul3A_1570 : i32 to vector<16xi32>
          %add3A_1575 = arith.addi %add3A_1574, %add3A_3 : vector<16xi32>
          %gather3A_1576 = arith.constant 0 : i32
          %gather3A_1577 = arith.constant 0 : i32
          %gather3A_1578 = tpu.memref_slice %run_scoped3A[%rem3A_279, %gather3A_1576, %gather3A_1577] : memref<2x4x6144xi32, #tpu.memory_space<vmem>> -> memref<1x4x6144xi32, #tpu.memory_space<vmem>>
          %gather3A_1579 = tpu.memref_squeeze %gather3A_1578 : memref<1x4x6144xi32, #tpu.memory_space<vmem>> -> memref<4x6144xi32, #tpu.memory_space<vmem>>
          %gather3A_1580 = tpu.vector_load_idx %gather3A_1579[%broadcast_in_dim3A_1564, %add3A_1575] : memref<4x6144xi32, #tpu.memory_space<vmem>>[vector<16xi32>, vector<16xi32>], vector<16xi32>,
          %add3A_1581 = arith.addi %mul3A_1573, %gather3A_1580 : vector<16xi32>
          %mul3A_1582 = arith.constant 2 : i32
          %mul3A_1583 = vector.broadcast %mul3A_1582 : i32 to vector<16xi32>
          %mul3A_1584 = arith.muli %add3A_1581, %mul3A_1583 : vector<16xi32>
          %add3A_1585 = vector.broadcast %mul3A_1570 : i32 to vector<16xi32>
          %add3A_1586 = arith.addi %add3A_1585, %add3A_9 : vector<16xi32>
          %gather3A_1587 = arith.constant 0 : i32
          %gather3A_1588 = arith.constant 0 : i32
          %gather3A_1589 = tpu.memref_slice %run_scoped3A[%rem3A_279, %gather3A_1587, %gather3A_1588] : memref<2x4x6144xi32, #tpu.memory_space<vmem>> -> memref<1x4x6144xi32, #tpu.memory_space<vmem>>
          %gather3A_1590 = tpu.memref_squeeze %gather3A_1589 : memref<1x4x6144xi32, #tpu.memory_space<vmem>> -> memref<4x6144xi32, #tpu.memory_space<vmem>>
          %gather3A_1591 = tpu.vector_load_idx %gather3A_1590[%broadcast_in_dim3A_1564, %add3A_1586] : memref<4x6144xi32, #tpu.memory_space<vmem>>[vector<16xi32>, vector<16xi32>], vector<16xi32>,
          %add3A_1592 = arith.addi %mul3A_1584, %gather3A_1591 : vector<16xi32>
          %mul3A_1593 = arith.constant 2 : i32
          %mul3A_1594 = vector.broadcast %mul3A_1593 : i32 to vector<16xi32>
          %mul3A_1595 = arith.muli %add3A_1592, %mul3A_1594 : vector<16xi32>
          %add3A_1596 = vector.broadcast %mul3A_1570 : i32 to vector<16xi32>
          %add3A_1597 = arith.addi %add3A_1596, %add3A_15 : vector<16xi32>
          %gather3A_1598 = arith.constant 0 : i32
          %gather3A_1599 = arith.constant 0 : i32
          %gather3A_1600 = tpu.memref_slice %run_scoped3A[%rem3A_279, %gather3A_1598, %gather3A_1599] : memref<2x4x6144xi32, #tpu.memory_space<vmem>> -> memref<1x4x6144xi32, #tpu.memory_space<vmem>>
          %gather3A_1601 = tpu.memref_squeeze %gather3A_1600 : memref<1x4x6144xi32, #tpu.memory_space<vmem>> -> memref<4x6144xi32, #tpu.memory_space<vmem>>
          %gather3A_1602 = tpu.vector_load_idx %gather3A_1601[%broadcast_in_dim3A_1564, %add3A_1597] : memref<4x6144xi32, #tpu.memory_space<vmem>>[vector<16xi32>, vector<16xi32>], vector<16xi32>,
          %add3A_1603 = arith.addi %mul3A_1595, %gather3A_1602 : vector<16xi32>
          %mul3A_1604 = arith.constant 2 : i32
          %mul3A_1605 = vector.broadcast %mul3A_1604 : i32 to vector<16xi32>
          %mul3A_1606 = arith.muli %add3A_1603, %mul3A_1605 : vector<16xi32>
          %add3A_1607 = vector.broadcast %mul3A_1570 : i32 to vector<16xi32>
          %add3A_1608 = arith.addi %add3A_1607, %add3A_21 : vector<16xi32>
          %gather3A_1609 = arith.constant 0 : i32
          %gather3A_1610 = arith.constant 0 : i32
          %gather3A_1611 = tpu.memref_slice %run_scoped3A[%rem3A_279, %gather3A_1609, %gather3A_1610] : memref<2x4x6144xi32, #tpu.memory_space<vmem>> -> memref<1x4x6144xi32, #tpu.memory_space<vmem>>
          %gather3A_1612 = tpu.memref_squeeze %gather3A_1611 : memref<1x4x6144xi32, #tpu.memory_space<vmem>> -> memref<4x6144xi32, #tpu.memory_space<vmem>>
          %gather3A_1613 = tpu.vector_load_idx %gather3A_1612[%broadcast_in_dim3A_1564, %add3A_1608] : memref<4x6144xi32, #tpu.memory_space<vmem>>[vector<16xi32>, vector<16xi32>], vector<16xi32>,
          %add3A_1614 = arith.addi %mul3A_1606, %gather3A_1613 : vector<16xi32>
          %mul3A_1615 = arith.constant 2 : i32
          %mul3A_1616 = vector.broadcast %mul3A_1615 : i32 to vector<16xi32>
          %mul3A_1617 = arith.muli %add3A_1614, %mul3A_1616 : vector<16xi32>
          %add3A_1618 = vector.broadcast %mul3A_1570 : i32 to vector<16xi32>
          %add3A_1619 = arith.addi %add3A_1618, %add3A_27 : vector<16xi32>
          %gather3A_1620 = arith.constant 0 : i32
          %gather3A_1621 = arith.constant 0 : i32
          %gather3A_1622 = tpu.memref_slice %run_scoped3A[%rem3A_279, %gather3A_1620, %gather3A_1621] : memref<2x4x6144xi32, #tpu.memory_space<vmem>> -> memref<1x4x6144xi32, #tpu.memory_space<vmem>>
          %gather3A_1623 = tpu.memref_squeeze %gather3A_1622 : memref<1x4x6144xi32, #tpu.memory_space<vmem>> -> memref<4x6144xi32, #tpu.memory_space<vmem>>
          %gather3A_1624 = tpu.vector_load_idx %gather3A_1623[%broadcast_in_dim3A_1564, %add3A_1619] : memref<4x6144xi32, #tpu.memory_space<vmem>>[vector<16xi32>, vector<16xi32>], vector<16xi32>,
          %add3A_1625 = arith.addi %mul3A_1617, %gather3A_1624 : vector<16xi32>
          %mul3A_1626 = arith.constant 2 : i32
          %mul3A_1627 = vector.broadcast %mul3A_1626 : i32 to vector<16xi32>
          %mul3A_1628 = arith.muli %add3A_1625, %mul3A_1627 : vector<16xi32>
          %add3A_1629 = vector.broadcast %mul3A_1570 : i32 to vector<16xi32>
          %add3A_1630 = arith.addi %add3A_1629, %add3A_33 : vector<16xi32>
          %gather3A_1631 = arith.constant 0 : i32
          %gather3A_1632 = arith.constant 0 : i32
          %gather3A_1633 = tpu.memref_slice %run_scoped3A[%rem3A_279, %gather3A_1631, %gather3A_1632] : memref<2x4x6144xi32, #tpu.memory_space<vmem>> -> memref<1x4x6144xi32, #tpu.memory_space<vmem>>
          %gather3A_1634 = tpu.memref_squeeze %gather3A_1633 : memref<1x4x6144xi32, #tpu.memory_space<vmem>> -> memref<4x6144xi32, #tpu.memory_space<vmem>>
          %gather3A_1635 = tpu.vector_load_idx %gather3A_1634[%broadcast_in_dim3A_1564, %add3A_1630] : memref<4x6144xi32, #tpu.memory_space<vmem>>[vector<16xi32>, vector<16xi32>], vector<16xi32>,
          %add3A_1636 = arith.addi %mul3A_1628, %gather3A_1635 : vector<16xi32>
          %mul3A_1637 = arith.constant 64 : i32
          %mul3A_1638 = arith.muli %add3A_394, %mul3A_1637 : i32
          %add3A_1639 = arith.constant 0 : i32
          %add3A_1640 = arith.addi %mul3A_1638, %add3A_1639 : i32
          %gather3A_1641 = tpu.vector_load_idx %arg6[%add3A_1636] : memref<128xf32, #tpu.memory_space<vmem>>[vector<16xi32>], vector<16xf32>,
          %swap3A_1642 = arith.constant 3 : i32
          %swap3A_1643 = arith.constant 0 : i32
          %swap3A_1644 = arith.constant 0 : i32
          %swap3A_1645 = tpu.memref_slice %run_scoped3A_45[%rem3A_281, %swap3A_1643, %swap3A_1644] : memref<2x4x1024xf32, #tpu.memory_space<vmem>> -> memref<1x4x1024xf32, #tpu.memory_space<vmem>>
          %swap3A_1646 = tpu.memref_squeeze %swap3A_1645 : memref<1x4x1024xf32, #tpu.memory_space<vmem>> -> memref<4x1024xf32, #tpu.memory_space<vmem>>
          %swap3A_1647 = arith.index_cast %swap3A_1642 : i32 to index
          %swap3A_1648 = arith.index_cast %add3A_1640 : i32 to index
          %swap3A_1649 = tpu.vector_load %swap3A_1646[%swap3A_1647, %swap3A_1648] {strides = array<i32>} : memref<4x1024xf32, #tpu.memory_space<vmem>>, vector<16xf32>,
          tpu.vector_store %swap3A_1646[%swap3A_1647, %swap3A_1648], %gather3A_1641 {strides = array<i32>} : memref<4x1024xf32, #tpu.memory_space<vmem>>, vector<16xf32>,
          %add3A_1650 = arith.constant 64 : i32
          %add3A_1651 = vector.broadcast %add3A_1650 : i32 to vector<16xi32>
          %add3A_1652 = arith.addi %add3A_1636, %add3A_1651 : vector<16xi32>
          %gather3A_1653 = tpu.vector_load_idx %arg6[%add3A_1652] : memref<128xf32, #tpu.memory_space<vmem>>[vector<16xi32>], vector<16xf32>,
          %swap3A_1654 = arith.constant 3 : i32
          %swap3A_1655 = arith.constant 0 : i32
          %swap3A_1656 = arith.constant 0 : i32
          %swap3A_1657 = tpu.memref_slice %run_scoped3A_47[%rem3A_283, %swap3A_1655, %swap3A_1656] : memref<2x4x1024xf32, #tpu.memory_space<vmem>> -> memref<1x4x1024xf32, #tpu.memory_space<vmem>>
          %swap3A_1658 = tpu.memref_squeeze %swap3A_1657 : memref<1x4x1024xf32, #tpu.memory_space<vmem>> -> memref<4x1024xf32, #tpu.memory_space<vmem>>
          %swap3A_1659 = arith.index_cast %swap3A_1654 : i32 to index
          %swap3A_1660 = arith.index_cast %add3A_1640 : i32 to index
          %swap3A_1661 = tpu.vector_load %swap3A_1658[%swap3A_1659, %swap3A_1660] {strides = array<i32>} : memref<4x1024xf32, #tpu.memory_space<vmem>>, vector<16xf32>,
          tpu.vector_store %swap3A_1658[%swap3A_1659, %swap3A_1660], %gather3A_1653 {strides = array<i32>} : memref<4x1024xf32, #tpu.memory_space<vmem>>, vector<16xf32>,
          %mul3A_1662 = arith.constant 4 : i32
          %mul3A_1663 = arith.muli %add3A_394, %mul3A_1662 : i32
          %add3A_1664 = arith.constant 1 : i32
          %add3A_1665 = arith.addi %mul3A_1663, %add3A_1664 : i32
          %mul3A_1666 = arith.constant 96 : i32
          %mul3A_1667 = arith.muli %add3A_1665, %mul3A_1666 : i32
          %mul3A_1668 = arith.constant 2 : i32
          %mul3A_1669 = vector.broadcast %mul3A_1668 : i32 to vector<16xi32>
          %mul3A_1670 = arith.muli %broadcast_in_dim3A_34, %mul3A_1669 : vector<16xi32>
          %add3A_1671 = vector.broadcast %mul3A_1667 : i32 to vector<16xi32>
          %add3A_1672 = arith.addi %add3A_1671, %add3A_3 : vector<16xi32>
          %gather3A_1673 = arith.constant 0 : i32
          %gather3A_1674 = arith.constant 0 : i32
          %gather3A_1675 = tpu.memref_slice %run_scoped3A[%rem3A_279, %gather3A_1673, %gather3A_1674] : memref<2x4x6144xi32, #tpu.memory_space<vmem>> -> memref<1x4x6144xi32, #tpu.memory_space<vmem>>
          %gather3A_1676 = tpu.memref_squeeze %gather3A_1675 : memref<1x4x6144xi32, #tpu.memory_space<vmem>> -> memref<4x6144xi32, #tpu.memory_space<vmem>>
          %gather3A_1677 = tpu.vector_load_idx %gather3A_1676[%broadcast_in_dim3A_1564, %add3A_1672] : memref<4x6144xi32, #tpu.memory_space<vmem>>[vector<16xi32>, vector<16xi32>], vector<16xi32>,
          %add3A_1678 = arith.addi %mul3A_1670, %gather3A_1677 : vector<16xi32>
          %mul3A_1679 = arith.constant 2 : i32
          %mul3A_1680 = vector.broadcast %mul3A_1679 : i32 to vector<16xi32>
          %mul3A_1681 = arith.muli %add3A_1678, %mul3A_1680 : vector<16xi32>
          %add3A_1682 = vector.broadcast %mul3A_1667 : i32 to vector<16xi32>
          %add3A_1683 = arith.addi %add3A_1682, %add3A_9 : vector<16xi32>
          %gather3A_1684 = arith.constant 0 : i32
          %gather3A_1685 = arith.constant 0 : i32
          %gather3A_1686 = tpu.memref_slice %run_scoped3A[%rem3A_279, %gather3A_1684, %gather3A_1685] : memref<2x4x6144xi32, #tpu.memory_space<vmem>> -> memref<1x4x6144xi32, #tpu.memory_space<vmem>>
          %gather3A_1687 = tpu.memref_squeeze %gather3A_1686 : memref<1x4x6144xi32, #tpu.memory_space<vmem>> -> memref<4x6144xi32, #tpu.memory_space<vmem>>
          %gather3A_1688 = tpu.vector_load_idx %gather3A_1687[%broadcast_in_dim3A_1564, %add3A_1683] : memref<4x6144xi32, #tpu.memory_space<vmem>>[vector<16xi32>, vector<16xi32>], vector<16xi32>,
          %add3A_1689 = arith.addi %mul3A_1681, %gather3A_1688 : vector<16xi32>
          %mul3A_1690 = arith.constant 2 : i32
          %mul3A_1691 = vector.broadcast %mul3A_1690 : i32 to vector<16xi32>
          %mul3A_1692 = arith.muli %add3A_1689, %mul3A_1691 : vector<16xi32>
          %add3A_1693 = vector.broadcast %mul3A_1667 : i32 to vector<16xi32>
          %add3A_1694 = arith.addi %add3A_1693, %add3A_15 : vector<16xi32>
          %gather3A_1695 = arith.constant 0 : i32
          %gather3A_1696 = arith.constant 0 : i32
          %gather3A_1697 = tpu.memref_slice %run_scoped3A[%rem3A_279, %gather3A_1695, %gather3A_1696] : memref<2x4x6144xi32, #tpu.memory_space<vmem>> -> memref<1x4x6144xi32, #tpu.memory_space<vmem>>
          %gather3A_1698 = tpu.memref_squeeze %gather3A_1697 : memref<1x4x6144xi32, #tpu.memory_space<vmem>> -> memref<4x6144xi32, #tpu.memory_space<vmem>>
          %gather3A_1699 = tpu.vector_load_idx %gather3A_1698[%broadcast_in_dim3A_1564, %add3A_1694] : memref<4x6144xi32, #tpu.memory_space<vmem>>[vector<16xi32>, vector<16xi32>], vector<16xi32>,
          %add3A_1700 = arith.addi %mul3A_1692, %gather3A_1699 : vector<16xi32>
          %mul3A_1701 = arith.constant 2 : i32
          %mul3A_1702 = vector.broadcast %mul3A_1701 : i32 to vector<16xi32>
          %mul3A_1703 = arith.muli %add3A_1700, %mul3A_1702 : vector<16xi32>
          %add3A_1704 = vector.broadcast %mul3A_1667 : i32 to vector<16xi32>
          %add3A_1705 = arith.addi %add3A_1704, %add3A_21 : vector<16xi32>
          %gather3A_1706 = arith.constant 0 : i32
          %gather3A_1707 = arith.constant 0 : i32
          %gather3A_1708 = tpu.memref_slice %run_scoped3A[%rem3A_279, %gather3A_1706, %gather3A_1707] : memref<2x4x6144xi32, #tpu.memory_space<vmem>> -> memref<1x4x6144xi32, #tpu.memory_space<vmem>>
          %gather3A_1709 = tpu.memref_squeeze %gather3A_1708 : memref<1x4x6144xi32, #tpu.memory_space<vmem>> -> memref<4x6144xi32, #tpu.memory_space<vmem>>
          %gather3A_1710 = tpu.vector_load_idx %gather3A_1709[%broadcast_in_dim3A_1564, %add3A_1705] : memref<4x6144xi32, #tpu.memory_space<vmem>>[vector<16xi32>, vector<16xi32>], vector<16xi32>,
          %add3A_1711 = arith.addi %mul3A_1703, %gather3A_1710 : vector<16xi32>
          %mul3A_1712 = arith.constant 2 : i32
          %mul3A_1713 = vector.broadcast %mul3A_1712 : i32 to vector<16xi32>
          %mul3A_1714 = arith.muli %add3A_1711, %mul3A_1713 : vector<16xi32>
          %add3A_1715 = vector.broadcast %mul3A_1667 : i32 to vector<16xi32>
          %add3A_1716 = arith.addi %add3A_1715, %add3A_27 : vector<16xi32>
          %gather3A_1717 = arith.constant 0 : i32
          %gather3A_1718 = arith.constant 0 : i32
          %gather3A_1719 = tpu.memref_slice %run_scoped3A[%rem3A_279, %gather3A_1717, %gather3A_1718] : memref<2x4x6144xi32, #tpu.memory_space<vmem>> -> memref<1x4x6144xi32, #tpu.memory_space<vmem>>
          %gather3A_1720 = tpu.memref_squeeze %gather3A_1719 : memref<1x4x6144xi32, #tpu.memory_space<vmem>> -> memref<4x6144xi32, #tpu.memory_space<vmem>>
          %gather3A_1721 = tpu.vector_load_idx %gather3A_1720[%broadcast_in_dim3A_1564, %add3A_1716] : memref<4x6144xi32, #tpu.memory_space<vmem>>[vector<16xi32>, vector<16xi32>], vector<16xi32>,
          %add3A_1722 = arith.addi %mul3A_1714, %gather3A_1721 : vector<16xi32>
          %mul3A_1723 = arith.constant 2 : i32
          %mul3A_1724 = vector.broadcast %mul3A_1723 : i32 to vector<16xi32>
          %mul3A_1725 = arith.muli %add3A_1722, %mul3A_1724 : vector<16xi32>
          %add3A_1726 = vector.broadcast %mul3A_1667 : i32 to vector<16xi32>
          %add3A_1727 = arith.addi %add3A_1726, %add3A_33 : vector<16xi32>
          %gather3A_1728 = arith.constant 0 : i32
          %gather3A_1729 = arith.constant 0 : i32
          %gather3A_1730 = tpu.memref_slice %run_scoped3A[%rem3A_279, %gather3A_1728, %gather3A_1729] : memref<2x4x6144xi32, #tpu.memory_space<vmem>> -> memref<1x4x6144xi32, #tpu.memory_space<vmem>>
          %gather3A_1731 = tpu.memref_squeeze %gather3A_1730 : memref<1x4x6144xi32, #tpu.memory_space<vmem>> -> memref<4x6144xi32, #tpu.memory_space<vmem>>
          %gather3A_1732 = tpu.vector_load_idx %gather3A_1731[%broadcast_in_dim3A_1564, %add3A_1727] : memref<4x6144xi32, #tpu.memory_space<vmem>>[vector<16xi32>, vector<16xi32>], vector<16xi32>,
          %add3A_1733 = arith.addi %mul3A_1725, %gather3A_1732 : vector<16xi32>
          %mul3A_1734 = arith.constant 64 : i32
          %mul3A_1735 = arith.muli %add3A_394, %mul3A_1734 : i32
          %add3A_1736 = arith.constant 16 : i32
          %add3A_1737 = arith.addi %mul3A_1735, %add3A_1736 : i32
          %gather3A_1738 = tpu.vector_load_idx %arg6[%add3A_1733] : memref<128xf32, #tpu.memory_space<vmem>>[vector<16xi32>], vector<16xf32>,
          %swap3A_1739 = arith.constant 3 : i32
          %swap3A_1740 = arith.constant 0 : i32
          %swap3A_1741 = arith.constant 0 : i32
          %swap3A_1742 = tpu.memref_slice %run_scoped3A_45[%rem3A_281, %swap3A_1740, %swap3A_1741] : memref<2x4x1024xf32, #tpu.memory_space<vmem>> -> memref<1x4x1024xf32, #tpu.memory_space<vmem>>
          %swap3A_1743 = tpu.memref_squeeze %swap3A_1742 : memref<1x4x1024xf32, #tpu.memory_space<vmem>> -> memref<4x1024xf32, #tpu.memory_space<vmem>>
          %swap3A_1744 = arith.index_cast %swap3A_1739 : i32 to index
          %swap3A_1745 = arith.index_cast %add3A_1737 : i32 to index
          %swap3A_1746 = tpu.vector_load %swap3A_1743[%swap3A_1744, %swap3A_1745] {strides = array<i32>} : memref<4x1024xf32, #tpu.memory_space<vmem>>, vector<16xf32>,
          tpu.vector_store %swap3A_1743[%swap3A_1744, %swap3A_1745], %gather3A_1738 {strides = array<i32>} : memref<4x1024xf32, #tpu.memory_space<vmem>>, vector<16xf32>,
          %add3A_1747 = arith.constant 64 : i32
          %add3A_1748 = vector.broadcast %add3A_1747 : i32 to vector<16xi32>
          %add3A_1749 = arith.addi %add3A_1733, %add3A_1748 : vector<16xi32>
          %gather3A_1750 = tpu.vector_load_idx %arg6[%add3A_1749] : memref<128xf32, #tpu.memory_space<vmem>>[vector<16xi32>], vector<16xf32>,
          %swap3A_1751 = arith.constant 3 : i32
          %swap3A_1752 = arith.constant 0 : i32
          %swap3A_1753 = arith.constant 0 : i32
          %swap3A_1754 = tpu.memref_slice %run_scoped3A_47[%rem3A_283, %swap3A_1752, %swap3A_1753] : memref<2x4x1024xf32, #tpu.memory_space<vmem>> -> memref<1x4x1024xf32, #tpu.memory_space<vmem>>
          %swap3A_1755 = tpu.memref_squeeze %swap3A_1754 : memref<1x4x1024xf32, #tpu.memory_space<vmem>> -> memref<4x1024xf32, #tpu.memory_space<vmem>>
          %swap3A_1756 = arith.index_cast %swap3A_1751 : i32 to index
          %swap3A_1757 = arith.index_cast %add3A_1737 : i32 to index
          %swap3A_1758 = tpu.vector_load %swap3A_1755[%swap3A_1756, %swap3A_1757] {strides = array<i32>} : memref<4x1024xf32, #tpu.memory_space<vmem>>, vector<16xf32>,
          tpu.vector_store %swap3A_1755[%swap3A_1756, %swap3A_1757], %gather3A_1750 {strides = array<i32>} : memref<4x1024xf32, #tpu.memory_space<vmem>>, vector<16xf32>,
          %mul3A_1759 = arith.constant 4 : i32
          %mul3A_1760 = arith.muli %add3A_394, %mul3A_1759 : i32
          %add3A_1761 = arith.constant 2 : i32
          %add3A_1762 = arith.addi %mul3A_1760, %add3A_1761 : i32
          %mul3A_1763 = arith.constant 96 : i32
          %mul3A_1764 = arith.muli %add3A_1762, %mul3A_1763 : i32
          %mul3A_1765 = arith.constant 2 : i32
          %mul3A_1766 = vector.broadcast %mul3A_1765 : i32 to vector<16xi32>
          %mul3A_1767 = arith.muli %broadcast_in_dim3A_34, %mul3A_1766 : vector<16xi32>
          %add3A_1768 = vector.broadcast %mul3A_1764 : i32 to vector<16xi32>
          %add3A_1769 = arith.addi %add3A_1768, %add3A_3 : vector<16xi32>
          %gather3A_1770 = arith.constant 0 : i32
          %gather3A_1771 = arith.constant 0 : i32
          %gather3A_1772 = tpu.memref_slice %run_scoped3A[%rem3A_279, %gather3A_1770, %gather3A_1771] : memref<2x4x6144xi32, #tpu.memory_space<vmem>> -> memref<1x4x6144xi32, #tpu.memory_space<vmem>>
          %gather3A_1773 = tpu.memref_squeeze %gather3A_1772 : memref<1x4x6144xi32, #tpu.memory_space<vmem>> -> memref<4x6144xi32, #tpu.memory_space<vmem>>
          %gather3A_1774 = tpu.vector_load_idx %gather3A_1773[%broadcast_in_dim3A_1564, %add3A_1769] : memref<4x6144xi32, #tpu.memory_space<vmem>>[vector<16xi32>, vector<16xi32>], vector<16xi32>,
          %add3A_1775 = arith.addi %mul3A_1767, %gather3A_1774 : vector<16xi32>
          %mul3A_1776 = arith.constant 2 : i32
          %mul3A_1777 = vector.broadcast %mul3A_1776 : i32 to vector<16xi32>
          %mul3A_1778 = arith.muli %add3A_1775, %mul3A_1777 : vector<16xi32>
          %add3A_1779 = vector.broadcast %mul3A_1764 : i32 to vector<16xi32>
          %add3A_1780 = arith.addi %add3A_1779, %add3A_9 : vector<16xi32>
          %gather3A_1781 = arith.constant 0 : i32
          %gather3A_1782 = arith.constant 0 : i32
          %gather3A_1783 = tpu.memref_slice %run_scoped3A[%rem3A_279, %gather3A_1781, %gather3A_1782] : memref<2x4x6144xi32, #tpu.memory_space<vmem>> -> memref<1x4x6144xi32, #tpu.memory_space<vmem>>
          %gather3A_1784 = tpu.memref_squeeze %gather3A_1783 : memref<1x4x6144xi32, #tpu.memory_space<vmem>> -> memref<4x6144xi32, #tpu.memory_space<vmem>>
          %gather3A_1785 = tpu.vector_load_idx %gather3A_1784[%broadcast_in_dim3A_1564, %add3A_1780] : memref<4x6144xi32, #tpu.memory_space<vmem>>[vector<16xi32>, vector<16xi32>], vector<16xi32>,
          %add3A_1786 = arith.addi %mul3A_1778, %gather3A_1785 : vector<16xi32>
          %mul3A_1787 = arith.constant 2 : i32
          %mul3A_1788 = vector.broadcast %mul3A_1787 : i32 to vector<16xi32>
          %mul3A_1789 = arith.muli %add3A_1786, %mul3A_1788 : vector<16xi32>
          %add3A_1790 = vector.broadcast %mul3A_1764 : i32 to vector<16xi32>
          %add3A_1791 = arith.addi %add3A_1790, %add3A_15 : vector<16xi32>
          %gather3A_1792 = arith.constant 0 : i32
          %gather3A_1793 = arith.constant 0 : i32
          %gather3A_1794 = tpu.memref_slice %run_scoped3A[%rem3A_279, %gather3A_1792, %gather3A_1793] : memref<2x4x6144xi32, #tpu.memory_space<vmem>> -> memref<1x4x6144xi32, #tpu.memory_space<vmem>>
          %gather3A_1795 = tpu.memref_squeeze %gather3A_1794 : memref<1x4x6144xi32, #tpu.memory_space<vmem>> -> memref<4x6144xi32, #tpu.memory_space<vmem>>
          %gather3A_1796 = tpu.vector_load_idx %gather3A_1795[%broadcast_in_dim3A_1564, %add3A_1791] : memref<4x6144xi32, #tpu.memory_space<vmem>>[vector<16xi32>, vector<16xi32>], vector<16xi32>,
          %add3A_1797 = arith.addi %mul3A_1789, %gather3A_1796 : vector<16xi32>
          %mul3A_1798 = arith.constant 2 : i32
          %mul3A_1799 = vector.broadcast %mul3A_1798 : i32 to vector<16xi32>
          %mul3A_1800 = arith.muli %add3A_1797, %mul3A_1799 : vector<16xi32>
          %add3A_1801 = vector.broadcast %mul3A_1764 : i32 to vector<16xi32>
          %add3A_1802 = arith.addi %add3A_1801, %add3A_21 : vector<16xi32>
          %gather3A_1803 = arith.constant 0 : i32
          %gather3A_1804 = arith.constant 0 : i32
          %gather3A_1805 = tpu.memref_slice %run_scoped3A[%rem3A_279, %gather3A_1803, %gather3A_1804] : memref<2x4x6144xi32, #tpu.memory_space<vmem>> -> memref<1x4x6144xi32, #tpu.memory_space<vmem>>
          %gather3A_1806 = tpu.memref_squeeze %gather3A_1805 : memref<1x4x6144xi32, #tpu.memory_space<vmem>> -> memref<4x6144xi32, #tpu.memory_space<vmem>>
          %gather3A_1807 = tpu.vector_load_idx %gather3A_1806[%broadcast_in_dim3A_1564, %add3A_1802] : memref<4x6144xi32, #tpu.memory_space<vmem>>[vector<16xi32>, vector<16xi32>], vector<16xi32>,
          %add3A_1808 = arith.addi %mul3A_1800, %gather3A_1807 : vector<16xi32>
          %mul3A_1809 = arith.constant 2 : i32
          %mul3A_1810 = vector.broadcast %mul3A_1809 : i32 to vector<16xi32>
          %mul3A_1811 = arith.muli %add3A_1808, %mul3A_1810 : vector<16xi32>
          %add3A_1812 = vector.broadcast %mul3A_1764 : i32 to vector<16xi32>
          %add3A_1813 = arith.addi %add3A_1812, %add3A_27 : vector<16xi32>
          %gather3A_1814 = arith.constant 0 : i32
          %gather3A_1815 = arith.constant 0 : i32
          %gather3A_1816 = tpu.memref_slice %run_scoped3A[%rem3A_279, %gather3A_1814, %gather3A_1815] : memref<2x4x6144xi32, #tpu.memory_space<vmem>> -> memref<1x4x6144xi32, #tpu.memory_space<vmem>>
          %gather3A_1817 = tpu.memref_squeeze %gather3A_1816 : memref<1x4x6144xi32, #tpu.memory_space<vmem>> -> memref<4x6144xi32, #tpu.memory_space<vmem>>
          %gather3A_1818 = tpu.vector_load_idx %gather3A_1817[%broadcast_in_dim3A_1564, %add3A_1813] : memref<4x6144xi32, #tpu.memory_space<vmem>>[vector<16xi32>, vector<16xi32>], vector<16xi32>,
          %add3A_1819 = arith.addi %mul3A_1811, %gather3A_1818 : vector<16xi32>
          %mul3A_1820 = arith.constant 2 : i32
          %mul3A_1821 = vector.broadcast %mul3A_1820 : i32 to vector<16xi32>
          %mul3A_1822 = arith.muli %add3A_1819, %mul3A_1821 : vector<16xi32>
          %add3A_1823 = vector.broadcast %mul3A_1764 : i32 to vector<16xi32>
          %add3A_1824 = arith.addi %add3A_1823, %add3A_33 : vector<16xi32>
          %gather3A_1825 = arith.constant 0 : i32
          %gather3A_1826 = arith.constant 0 : i32
          %gather3A_1827 = tpu.memref_slice %run_scoped3A[%rem3A_279, %gather3A_1825, %gather3A_1826] : memref<2x4x6144xi32, #tpu.memory_space<vmem>> -> memref<1x4x6144xi32, #tpu.memory_space<vmem>>
          %gather3A_1828 = tpu.memref_squeeze %gather3A_1827 : memref<1x4x6144xi32, #tpu.memory_space<vmem>> -> memref<4x6144xi32, #tpu.memory_space<vmem>>
          %gather3A_1829 = tpu.vector_load_idx %gather3A_1828[%broadcast_in_dim3A_1564, %add3A_1824] : memref<4x6144xi32, #tpu.memory_space<vmem>>[vector<16xi32>, vector<16xi32>], vector<16xi32>,
          %add3A_1830 = arith.addi %mul3A_1822, %gather3A_1829 : vector<16xi32>
          %mul3A_1831 = arith.constant 64 : i32
          %mul3A_1832 = arith.muli %add3A_394, %mul3A_1831 : i32
          %add3A_1833 = arith.constant 32 : i32
          %add3A_1834 = arith.addi %mul3A_1832, %add3A_1833 : i32
          %gather3A_1835 = tpu.vector_load_idx %arg6[%add3A_1830] : memref<128xf32, #tpu.memory_space<vmem>>[vector<16xi32>], vector<16xf32>,
          %swap3A_1836 = arith.constant 3 : i32
          %swap3A_1837 = arith.constant 0 : i32
          %swap3A_1838 = arith.constant 0 : i32
          %swap3A_1839 = tpu.memref_slice %run_scoped3A_45[%rem3A_281, %swap3A_1837, %swap3A_1838] : memref<2x4x1024xf32, #tpu.memory_space<vmem>> -> memref<1x4x1024xf32, #tpu.memory_space<vmem>>
          %swap3A_1840 = tpu.memref_squeeze %swap3A_1839 : memref<1x4x1024xf32, #tpu.memory_space<vmem>> -> memref<4x1024xf32, #tpu.memory_space<vmem>>
          %swap3A_1841 = arith.index_cast %swap3A_1836 : i32 to index
          %swap3A_1842 = arith.index_cast %add3A_1834 : i32 to index
          %swap3A_1843 = tpu.vector_load %swap3A_1840[%swap3A_1841, %swap3A_1842] {strides = array<i32>} : memref<4x1024xf32, #tpu.memory_space<vmem>>, vector<16xf32>,
          tpu.vector_store %swap3A_1840[%swap3A_1841, %swap3A_1842], %gather3A_1835 {strides = array<i32>} : memref<4x1024xf32, #tpu.memory_space<vmem>>, vector<16xf32>,
          %add3A_1844 = arith.constant 64 : i32
          %add3A_1845 = vector.broadcast %add3A_1844 : i32 to vector<16xi32>
          %add3A_1846 = arith.addi %add3A_1830, %add3A_1845 : vector<16xi32>
          %gather3A_1847 = tpu.vector_load_idx %arg6[%add3A_1846] : memref<128xf32, #tpu.memory_space<vmem>>[vector<16xi32>], vector<16xf32>,
          %swap3A_1848 = arith.constant 3 : i32
          %swap3A_1849 = arith.constant 0 : i32
          %swap3A_1850 = arith.constant 0 : i32
          %swap3A_1851 = tpu.memref_slice %run_scoped3A_47[%rem3A_283, %swap3A_1849, %swap3A_1850] : memref<2x4x1024xf32, #tpu.memory_space<vmem>> -> memref<1x4x1024xf32, #tpu.memory_space<vmem>>
          %swap3A_1852 = tpu.memref_squeeze %swap3A_1851 : memref<1x4x1024xf32, #tpu.memory_space<vmem>> -> memref<4x1024xf32, #tpu.memory_space<vmem>>
          %swap3A_1853 = arith.index_cast %swap3A_1848 : i32 to index
          %swap3A_1854 = arith.index_cast %add3A_1834 : i32 to index
          %swap3A_1855 = tpu.vector_load %swap3A_1852[%swap3A_1853, %swap3A_1854] {strides = array<i32>} : memref<4x1024xf32, #tpu.memory_space<vmem>>, vector<16xf32>,
          tpu.vector_store %swap3A_1852[%swap3A_1853, %swap3A_1854], %gather3A_1847 {strides = array<i32>} : memref<4x1024xf32, #tpu.memory_space<vmem>>, vector<16xf32>,
          %mul3A_1856 = arith.constant 4 : i32
          %mul3A_1857 = arith.muli %add3A_394, %mul3A_1856 : i32
          %add3A_1858 = arith.constant 3 : i32
          %add3A_1859 = arith.addi %mul3A_1857, %add3A_1858 : i32
          %mul3A_1860 = arith.constant 96 : i32
          %mul3A_1861 = arith.muli %add3A_1859, %mul3A_1860 : i32
          %mul3A_1862 = arith.constant 2 : i32
          %mul3A_1863 = vector.broadcast %mul3A_1862 : i32 to vector<16xi32>
          %mul3A_1864 = arith.muli %broadcast_in_dim3A_34, %mul3A_1863 : vector<16xi32>
          %add3A_1865 = vector.broadcast %mul3A_1861 : i32 to vector<16xi32>
          %add3A_1866 = arith.addi %add3A_1865, %add3A_3 : vector<16xi32>
          %gather3A_1867 = arith.constant 0 : i32
          %gather3A_1868 = arith.constant 0 : i32
          %gather3A_1869 = tpu.memref_slice %run_scoped3A[%rem3A_279, %gather3A_1867, %gather3A_1868] : memref<2x4x6144xi32, #tpu.memory_space<vmem>> -> memref<1x4x6144xi32, #tpu.memory_space<vmem>>
          %gather3A_1870 = tpu.memref_squeeze %gather3A_1869 : memref<1x4x6144xi32, #tpu.memory_space<vmem>> -> memref<4x6144xi32, #tpu.memory_space<vmem>>
          %gather3A_1871 = tpu.vector_load_idx %gather3A_1870[%broadcast_in_dim3A_1564, %add3A_1866] : memref<4x6144xi32, #tpu.memory_space<vmem>>[vector<16xi32>, vector<16xi32>], vector<16xi32>,
          %add3A_1872 = arith.addi %mul3A_1864, %gather3A_1871 : vector<16xi32>
          %mul3A_1873 = arith.constant 2 : i32
          %mul3A_1874 = vector.broadcast %mul3A_1873 : i32 to vector<16xi32>
          %mul3A_1875 = arith.muli %add3A_1872, %mul3A_1874 : vector<16xi32>
          %add3A_1876 = vector.broadcast %mul3A_1861 : i32 to vector<16xi32>
          %add3A_1877 = arith.addi %add3A_1876, %add3A_9 : vector<16xi32>
          %gather3A_1878 = arith.constant 0 : i32
          %gather3A_1879 = arith.constant 0 : i32
          %gather3A_1880 = tpu.memref_slice %run_scoped3A[%rem3A_279, %gather3A_1878, %gather3A_1879] : memref<2x4x6144xi32, #tpu.memory_space<vmem>> -> memref<1x4x6144xi32, #tpu.memory_space<vmem>>
          %gather3A_1881 = tpu.memref_squeeze %gather3A_1880 : memref<1x4x6144xi32, #tpu.memory_space<vmem>> -> memref<4x6144xi32, #tpu.memory_space<vmem>>
          %gather3A_1882 = tpu.vector_load_idx %gather3A_1881[%broadcast_in_dim3A_1564, %add3A_1877] : memref<4x6144xi32, #tpu.memory_space<vmem>>[vector<16xi32>, vector<16xi32>], vector<16xi32>,
          %add3A_1883 = arith.addi %mul3A_1875, %gather3A_1882 : vector<16xi32>
          %mul3A_1884 = arith.constant 2 : i32
          %mul3A_1885 = vector.broadcast %mul3A_1884 : i32 to vector<16xi32>
          %mul3A_1886 = arith.muli %add3A_1883, %mul3A_1885 : vector<16xi32>
          %add3A_1887 = vector.broadcast %mul3A_1861 : i32 to vector<16xi32>
          %add3A_1888 = arith.addi %add3A_1887, %add3A_15 : vector<16xi32>
          %gather3A_1889 = arith.constant 0 : i32
          %gather3A_1890 = arith.constant 0 : i32
          %gather3A_1891 = tpu.memref_slice %run_scoped3A[%rem3A_279, %gather3A_1889, %gather3A_1890] : memref<2x4x6144xi32, #tpu.memory_space<vmem>> -> memref<1x4x6144xi32, #tpu.memory_space<vmem>>
          %gather3A_1892 = tpu.memref_squeeze %gather3A_1891 : memref<1x4x6144xi32, #tpu.memory_space<vmem>> -> memref<4x6144xi32, #tpu.memory_space<vmem>>
          %gather3A_1893 = tpu.vector_load_idx %gather3A_1892[%broadcast_in_dim3A_1564, %add3A_1888] : memref<4x6144xi32, #tpu.memory_space<vmem>>[vector<16xi32>, vector<16xi32>], vector<16xi32>,
          %add3A_1894 = arith.addi %mul3A_1886, %gather3A_1893 : vector<16xi32>
          %mul3A_1895 = arith.constant 2 : i32
          %mul3A_1896 = vector.broadcast %mul3A_1895 : i32 to vector<16xi32>
          %mul3A_1897 = arith.muli %add3A_1894, %mul3A_1896 : vector<16xi32>
          %add3A_1898 = vector.broadcast %mul3A_1861 : i32 to vector<16xi32>
          %add3A_1899 = arith.addi %add3A_1898, %add3A_21 : vector<16xi32>
          %gather3A_1900 = arith.constant 0 : i32
          %gather3A_1901 = arith.constant 0 : i32
          %gather3A_1902 = tpu.memref_slice %run_scoped3A[%rem3A_279, %gather3A_1900, %gather3A_1901] : memref<2x4x6144xi32, #tpu.memory_space<vmem>> -> memref<1x4x6144xi32, #tpu.memory_space<vmem>>
          %gather3A_1903 = tpu.memref_squeeze %gather3A_1902 : memref<1x4x6144xi32, #tpu.memory_space<vmem>> -> memref<4x6144xi32, #tpu.memory_space<vmem>>
          %gather3A_1904 = tpu.vector_load_idx %gather3A_1903[%broadcast_in_dim3A_1564, %add3A_1899] : memref<4x6144xi32, #tpu.memory_space<vmem>>[vector<16xi32>, vector<16xi32>], vector<16xi32>,
          %add3A_1905 = arith.addi %mul3A_1897, %gather3A_1904 : vector<16xi32>
          %mul3A_1906 = arith.constant 2 : i32
          %mul3A_1907 = vector.broadcast %mul3A_1906 : i32 to vector<16xi32>
          %mul3A_1908 = arith.muli %add3A_1905, %mul3A_1907 : vector<16xi32>
          %add3A_1909 = vector.broadcast %mul3A_1861 : i32 to vector<16xi32>
          %add3A_1910 = arith.addi %add3A_1909, %add3A_27 : vector<16xi32>
          %gather3A_1911 = arith.constant 0 : i32
          %gather3A_1912 = arith.constant 0 : i32
          %gather3A_1913 = tpu.memref_slice %run_scoped3A[%rem3A_279, %gather3A_1911, %gather3A_1912] : memref<2x4x6144xi32, #tpu.memory_space<vmem>> -> memref<1x4x6144xi32, #tpu.memory_space<vmem>>
          %gather3A_1914 = tpu.memref_squeeze %gather3A_1913 : memref<1x4x6144xi32, #tpu.memory_space<vmem>> -> memref<4x6144xi32, #tpu.memory_space<vmem>>
          %gather3A_1915 = tpu.vector_load_idx %gather3A_1914[%broadcast_in_dim3A_1564, %add3A_1910] : memref<4x6144xi32, #tpu.memory_space<vmem>>[vector<16xi32>, vector<16xi32>], vector<16xi32>,
          %add3A_1916 = arith.addi %mul3A_1908, %gather3A_1915 : vector<16xi32>
          %mul3A_1917 = arith.constant 2 : i32
          %mul3A_1918 = vector.broadcast %mul3A_1917 : i32 to vector<16xi32>
          %mul3A_1919 = arith.muli %add3A_1916, %mul3A_1918 : vector<16xi32>
          %add3A_1920 = vector.broadcast %mul3A_1861 : i32 to vector<16xi32>
          %add3A_1921 = arith.addi %add3A_1920, %add3A_33 : vector<16xi32>
          %gather3A_1922 = arith.constant 0 : i32
          %gather3A_1923 = arith.constant 0 : i32
          %gather3A_1924 = tpu.memref_slice %run_scoped3A[%rem3A_279, %gather3A_1922, %gather3A_1923] : memref<2x4x6144xi32, #tpu.memory_space<vmem>> -> memref<1x4x6144xi32, #tpu.memory_space<vmem>>
          %gather3A_1925 = tpu.memref_squeeze %gather3A_1924 : memref<1x4x6144xi32, #tpu.memory_space<vmem>> -> memref<4x6144xi32, #tpu.memory_space<vmem>>
          %gather3A_1926 = tpu.vector_load_idx %gather3A_1925[%broadcast_in_dim3A_1564, %add3A_1921] : memref<4x6144xi32, #tpu.memory_space<vmem>>[vector<16xi32>, vector<16xi32>], vector<16xi32>,
          %add3A_1927 = arith.addi %mul3A_1919, %gather3A_1926 : vector<16xi32>
          %mul3A_1928 = arith.constant 64 : i32
          %mul3A_1929 = arith.muli %add3A_394, %mul3A_1928 : i32
          %add3A_1930 = arith.constant 48 : i32
          %add3A_1931 = arith.addi %mul3A_1929, %add3A_1930 : i32
          %gather3A_1932 = tpu.vector_load_idx %arg6[%add3A_1927] : memref<128xf32, #tpu.memory_space<vmem>>[vector<16xi32>], vector<16xf32>,
          %swap3A_1933 = arith.constant 3 : i32
          %swap3A_1934 = arith.constant 0 : i32
          %swap3A_1935 = arith.constant 0 : i32
          %swap3A_1936 = tpu.memref_slice %run_scoped3A_45[%rem3A_281, %swap3A_1934, %swap3A_1935] : memref<2x4x1024xf32, #tpu.memory_space<vmem>> -> memref<1x4x1024xf32, #tpu.memory_space<vmem>>
          %swap3A_1937 = tpu.memref_squeeze %swap3A_1936 : memref<1x4x1024xf32, #tpu.memory_space<vmem>> -> memref<4x1024xf32, #tpu.memory_space<vmem>>
          %swap3A_1938 = arith.index_cast %swap3A_1933 : i32 to index
          %swap3A_1939 = arith.index_cast %add3A_1931 : i32 to index
          %swap3A_1940 = tpu.vector_load %swap3A_1937[%swap3A_1938, %swap3A_1939] {strides = array<i32>} : memref<4x1024xf32, #tpu.memory_space<vmem>>, vector<16xf32>,
          tpu.vector_store %swap3A_1937[%swap3A_1938, %swap3A_1939], %gather3A_1932 {strides = array<i32>} : memref<4x1024xf32, #tpu.memory_space<vmem>>, vector<16xf32>,
          %add3A_1941 = arith.constant 64 : i32
          %add3A_1942 = vector.broadcast %add3A_1941 : i32 to vector<16xi32>
          %add3A_1943 = arith.addi %add3A_1927, %add3A_1942 : vector<16xi32>
          %gather3A_1944 = tpu.vector_load_idx %arg6[%add3A_1943] : memref<128xf32, #tpu.memory_space<vmem>>[vector<16xi32>], vector<16xf32>,
          %swap3A_1945 = arith.constant 3 : i32
          %swap3A_1946 = arith.constant 0 : i32
          %swap3A_1947 = arith.constant 0 : i32
          %swap3A_1948 = tpu.memref_slice %run_scoped3A_47[%rem3A_283, %swap3A_1946, %swap3A_1947] : memref<2x4x1024xf32, #tpu.memory_space<vmem>> -> memref<1x4x1024xf32, #tpu.memory_space<vmem>>
          %swap3A_1949 = tpu.memref_squeeze %swap3A_1948 : memref<1x4x1024xf32, #tpu.memory_space<vmem>> -> memref<4x1024xf32, #tpu.memory_space<vmem>>
          %swap3A_1950 = arith.index_cast %swap3A_1945 : i32 to index
          %swap3A_1951 = arith.index_cast %add3A_1931 : i32 to index
          %swap3A_1952 = tpu.vector_load %swap3A_1949[%swap3A_1950, %swap3A_1951] {strides = array<i32>} : memref<4x1024xf32, #tpu.memory_space<vmem>>, vector<16xf32>,
          tpu.vector_store %swap3A_1949[%swap3A_1950, %swap3A_1951], %gather3A_1944 {strides = array<i32>} : memref<4x1024xf32, #tpu.memory_space<vmem>>, vector<16xf32>,
        }
        %scan3A_288 = arith.constant 16 : i32
        "tpu.trace_stop"() : () -> ()
        %ne3A_289 = arith.cmpi ne, %add3A_192, %add3A_210 : i32
        %or3A_290 = arith.constant false
        %or3A_291 = arith.ori %or3A_290, %ne3A_289 : i1
        %or3A_292 = arith.constant false
        %or3A_293 = arith.ori %or3A_291, %or3A_292 : i1
        %or3A_294 = arith.ori %or3A_293, %eq3A_191 : i1
        %convert_element_type3A_295 = arith.extui %or3A_294 : i1 to i32
        %cond3A_296 = arith.constant 0 : i32
        %cond3A_297 = arith.cmpi ne, %convert_element_type3A_295, %cond3A_296 : i32
        scf.if %cond3A_297 {
        } else {
        }
        %and3A_298 = arith.constant false
        %and3A_299 = arith.andi %or3A_294, %and3A_298 : i1
        %ne3A_300 = arith.cmpi ne, %add3A_192, %add3A_210 : i32
        %or3A_301 = arith.constant false
        %or3A_302 = arith.ori %or3A_301, %ne3A_300 : i1
        %or3A_303 = arith.constant false
        %or3A_304 = arith.ori %or3A_302, %or3A_303 : i1
        %or3A_305 = arith.ori %or3A_304, %eq3A_191 : i1
        %convert_element_type3A_306 = arith.extui %or3A_305 : i1 to i32
        %cond3A_307 = arith.constant 0 : i32
        %cond3A_308 = arith.cmpi ne, %convert_element_type3A_306, %cond3A_307 : i32
        scf.if %cond3A_308 {
          "tpu.trace_start"() <{level = 10 : i32, message = "ep_copy_out"}> : () -> ()
          %rem3A_390 = arith.constant 2 : i32
          %rem3A_391 = arith.remui %scan3A_183, %rem3A_390 : i32
          %mul3A_392 = arith.constant 4 : i32
          %mul3A_393 = arith.muli %mul3A_392, %add3A_192 : i32
          %dma_start3A_394 = arith.constant 0 : i32
          %dma_start3A_395 = arith.constant 0 : i32
          %dma_start3A_396 = tpu.memref_slice %run_scoped3A_45[%rem3A_391, %dma_start3A_394, %dma_start3A_395] : memref<2x4x1024xf32, #tpu.memory_space<vmem>> -> memref<1x4x1024xf32, #tpu.memory_space<vmem>>
          %dma_start3A_397 = tpu.memref_squeeze %dma_start3A_396 : memref<1x4x1024xf32, #tpu.memory_space<vmem>> -> memref<4x1024xf32, #tpu.memory_space<vmem>>
          %dma_start3A_398 = arith.constant 0 : i32
          %dma_start3A_399 = tpu.memref_slice %arg4[%mul3A_393, %dma_start3A_398] : memref<4096x1024xf32, #tpu.memory_space<hbm>> -> memref<4x1024xf32, #tpu.memory_space<hbm>>
          %dma_start3A_400 = tpu.memref_slice %run_scoped3A_46[%rem3A_391] : memref<2x!tpu.dma_semaphore, #tpu.memory_space<semaphore_mem>> -> memref<1x!tpu.dma_semaphore, #tpu.memory_space<semaphore_mem>>
          %dma_start3A_401 = tpu.memref_squeeze %dma_start3A_400 : memref<1x!tpu.dma_semaphore, #tpu.memory_space<semaphore_mem>> -> memref<!tpu.dma_semaphore, #tpu.memory_space<semaphore_mem>>
          %dma_start3A_402 = arith.constant 0 : i32
          %dma_start3A_403 = tpu.memref_slice %arg4[%mul3A_393, %dma_start3A_402] : memref<4096x1024xf32, #tpu.memory_space<hbm>> -> memref<4x1024xf32, #tpu.memory_space<hbm>>
          %dma_start3A_404 = arith.constant 0 : i32
          %dma_start3A_405 = arith.constant 0 : i32
          %dma_start3A_406 = tpu.memref_slice %run_scoped3A_45[%rem3A_391, %dma_start3A_404, %dma_start3A_405] : memref<2x4x1024xf32, #tpu.memory_space<vmem>> -> memref<1x4x1024xf32, #tpu.memory_space<vmem>>
          %dma_start3A_407 = tpu.memref_squeeze %dma_start3A_406 : memref<1x4x1024xf32, #tpu.memory_space<vmem>> -> memref<4x1024xf32, #tpu.memory_space<vmem>>
          tpu.enqueue_dma source(%dma_start3A_407 : memref<4x1024xf32, #tpu.memory_space<vmem>>) target(%dma_start3A_403 : memref<4x1024xf32, #tpu.memory_space<hbm>>) target_semaphore(%dma_start3A_401 : memref<!tpu.dma_semaphore, #tpu.memory_space<semaphore_mem>>)
          "tpu.trace_stop"() : () -> ()
        } else {
        }
        %and3A_309 = arith.constant true
        %and3A_310 = arith.andi %or3A_305, %and3A_309 : i1
        %add3A_311 = arith.constant 1 : i32
        %add3A_312 = arith.addi %scan3A_183, %add3A_311 : i32
        %select_n3A_313 = arith.select %and3A_310, %add3A_312, %scan3A_183 : i32
        %ne3A_314 = arith.cmpi ne, %add3A_192, %add3A_210 : i32
        %or3A_315 = arith.constant false
        %or3A_316 = arith.ori %or3A_315, %ne3A_314 : i1
        %or3A_317 = arith.constant false
        %or3A_318 = arith.ori %or3A_316, %or3A_317 : i1
        %or3A_319 = arith.ori %or3A_318, %eq3A_191 : i1
        %convert_element_type3A_320 = arith.extui %or3A_319 : i1 to i32
        %cond3A_321 = arith.constant 0 : i32
        %cond3A_322 = arith.cmpi ne, %convert_element_type3A_320, %cond3A_321 : i32
        scf.if %cond3A_322 {
          "tpu.trace_start"() <{level = 10 : i32, message = "ep_copy_out"}> : () -> ()
          %rem3A_390 = arith.constant 2 : i32
          %rem3A_391 = arith.remui %scan3A_185, %rem3A_390 : i32
          %mul3A_392 = arith.constant 4 : i32
          %mul3A_393 = arith.muli %mul3A_392, %add3A_192 : i32
          %dma_start3A_394 = arith.constant 0 : i32
          %dma_start3A_395 = arith.constant 0 : i32
          %dma_start3A_396 = tpu.memref_slice %run_scoped3A_47[%rem3A_391, %dma_start3A_394, %dma_start3A_395] : memref<2x4x1024xf32, #tpu.memory_space<vmem>> -> memref<1x4x1024xf32, #tpu.memory_space<vmem>>
          %dma_start3A_397 = tpu.memref_squeeze %dma_start3A_396 : memref<1x4x1024xf32, #tpu.memory_space<vmem>> -> memref<4x1024xf32, #tpu.memory_space<vmem>>
          %dma_start3A_398 = arith.constant 0 : i32
          %dma_start3A_399 = tpu.memref_slice %arg5[%mul3A_393, %dma_start3A_398] : memref<4096x1024xf32, #tpu.memory_space<hbm>> -> memref<4x1024xf32, #tpu.memory_space<hbm>>
          %dma_start3A_400 = tpu.memref_slice %run_scoped3A_48[%rem3A_391] : memref<2x!tpu.dma_semaphore, #tpu.memory_space<semaphore_mem>> -> memref<1x!tpu.dma_semaphore, #tpu.memory_space<semaphore_mem>>
          %dma_start3A_401 = tpu.memref_squeeze %dma_start3A_400 : memref<1x!tpu.dma_semaphore, #tpu.memory_space<semaphore_mem>> -> memref<!tpu.dma_semaphore, #tpu.memory_space<semaphore_mem>>
          %dma_start3A_402 = arith.constant 0 : i32
          %dma_start3A_403 = tpu.memref_slice %arg5[%mul3A_393, %dma_start3A_402] : memref<4096x1024xf32, #tpu.memory_space<hbm>> -> memref<4x1024xf32, #tpu.memory_space<hbm>>
          %dma_start3A_404 = arith.constant 0 : i32
          %dma_start3A_405 = arith.constant 0 : i32
          %dma_start3A_406 = tpu.memref_slice %run_scoped3A_47[%rem3A_391, %dma_start3A_404, %dma_start3A_405] : memref<2x4x1024xf32, #tpu.memory_space<vmem>> -> memref<1x4x1024xf32, #tpu.memory_space<vmem>>
          %dma_start3A_407 = tpu.memref_squeeze %dma_start3A_406 : memref<1x4x1024xf32, #tpu.memory_space<vmem>> -> memref<4x1024xf32, #tpu.memory_space<vmem>>
          tpu.enqueue_dma source(%dma_start3A_407 : memref<4x1024xf32, #tpu.memory_space<vmem>>) target(%dma_start3A_403 : memref<4x1024xf32, #tpu.memory_space<hbm>>) target_semaphore(%dma_start3A_401 : memref<!tpu.dma_semaphore, #tpu.memory_space<semaphore_mem>>)
          "tpu.trace_stop"() : () -> ()
        } else {
        }
        %and3A_323 = arith.constant true
        %and3A_324 = arith.andi %or3A_319, %and3A_323 : i1
        %add3A_325 = arith.constant 1 : i32
        %add3A_326 = arith.addi %scan3A_185, %add3A_325 : i32
        %select_n3A_327 = arith.select %and3A_324, %add3A_326, %scan3A_185 : i32
        %ne3A_328 = arith.cmpi ne, %add3A_192, %add3A_201 : i32
        %or3A_329 = arith.constant false
        %or3A_330 = arith.ori %or3A_329, %ne3A_328 : i1
        %or3A_331 = arith.constant false
        %or3A_332 = arith.ori %or3A_330, %or3A_331 : i1
        %not3A_333 = arith.constant true
        %not3A_334 = arith.xori %eq3A_189, %not3A_333 : i1
        %and3A_335 = arith.andi %or3A_332, %not3A_334 : i1
        %convert_element_type3A_336 = arith.extui %and3A_335 : i1 to i32
        %cond3A_337 = arith.constant 0 : i32
        %cond3A_338 = arith.cmpi ne, %convert_element_type3A_336, %cond3A_337 : i32
        scf.if %cond3A_338 {
        } else {
        }
        %and3A_339 = arith.constant false
        %and3A_340 = arith.andi %and3A_335, %and3A_339 : i1
        %ne3A_341 = arith.cmpi ne, %add3A_192, %add3A_201 : i32
        %or3A_342 = arith.constant false
        %or3A_343 = arith.ori %or3A_342, %ne3A_341 : i1
        %or3A_344 = arith.constant false
        %or3A_345 = arith.ori %or3A_343, %or3A_344 : i1
        %not3A_346 = arith.constant true
        %not3A_347 = arith.xori %eq3A_189, %not3A_346 : i1
        %and3A_348 = arith.andi %or3A_345, %not3A_347 : i1
        %convert_element_type3A_349 = arith.extui %and3A_348 : i1 to i32
        %cond3A_350 = arith.constant 0 : i32
        %cond3A_351 = arith.cmpi ne, %convert_element_type3A_349, %cond3A_350 : i32
        scf.if %cond3A_351 {
          "tpu.trace_start"() <{level = 10 : i32, message = "ep_wait_out"}> : () -> ()
          %rem3A_390 = arith.constant 2 : i32
          %rem3A_391 = arith.remui %scan3A_184, %rem3A_390 : i32
          %mul3A_392 = arith.constant 4 : i32
          %mul3A_393 = arith.muli %mul3A_392, %add3A_201 : i32
          %dma_wait3A_394 = arith.constant 0 : i32
          %dma_wait3A_395 = arith.constant 0 : i32
          %dma_wait3A_396 = tpu.memref_slice %run_scoped3A_45[%rem3A_391, %dma_wait3A_394, %dma_wait3A_395] : memref<2x4x1024xf32, #tpu.memory_space<vmem>> -> memref<1x4x1024xf32, #tpu.memory_space<vmem>>
          %dma_wait3A_397 = tpu.memref_squeeze %dma_wait3A_396 : memref<1x4x1024xf32, #tpu.memory_space<vmem>> -> memref<4x1024xf32, #tpu.memory_space<vmem>>
          %dma_wait3A_398 = arith.constant 0 : i32
          %dma_wait3A_399 = tpu.memref_slice %arg4[%mul3A_393, %dma_wait3A_398] : memref<4096x1024xf32, #tpu.memory_space<hbm>> -> memref<4x1024xf32, #tpu.memory_space<hbm>>
          %dma_wait3A_400 = tpu.memref_slice %run_scoped3A_46[%rem3A_391] : memref<2x!tpu.dma_semaphore, #tpu.memory_space<semaphore_mem>> -> memref<1x!tpu.dma_semaphore, #tpu.memory_space<semaphore_mem>>
          %dma_wait3A_401 = tpu.memref_squeeze %dma_wait3A_400 : memref<1x!tpu.dma_semaphore, #tpu.memory_space<semaphore_mem>> -> memref<!tpu.dma_semaphore, #tpu.memory_space<semaphore_mem>>
          %dma_wait3A_402 = arith.constant 0 : i32
          %dma_wait3A_403 = tpu.memref_slice %arg4[%mul3A_393, %dma_wait3A_402] : memref<4096x1024xf32, #tpu.memory_space<hbm>> -> memref<4x1024xf32, #tpu.memory_space<hbm>>
          %dma_wait3A_404 = arith.constant 0 : i32
          %dma_wait3A_405 = arith.constant 0 : i32
          %dma_wait3A_406 = tpu.memref_slice %run_scoped3A_45[%rem3A_391, %dma_wait3A_404, %dma_wait3A_405] : memref<2x4x1024xf32, #tpu.memory_space<vmem>> -> memref<1x4x1024xf32, #tpu.memory_space<vmem>>
          %dma_wait3A_407 = tpu.memref_squeeze %dma_wait3A_406 : memref<1x4x1024xf32, #tpu.memory_space<vmem>> -> memref<4x1024xf32, #tpu.memory_space<vmem>>
          tpu.wait_dma2 semaphore(%dma_wait3A_401 : memref<!tpu.dma_semaphore, #tpu.memory_space<semaphore_mem>>) src(%dma_wait3A_407 : memref<4x1024xf32, #tpu.memory_space<vmem>>) dst(%dma_wait3A_403 : memref<4x1024xf32, #tpu.memory_space<hbm>>)
          "tpu.trace_stop"() : () -> ()
        } else {
        }
        %and3A_352 = arith.constant true
        %and3A_353 = arith.andi %and3A_348, %and3A_352 : i1
        %add3A_354 = arith.constant 1 : i32
        %add3A_355 = arith.addi %scan3A_184, %add3A_354 : i32
        %select_n3A_356 = arith.select %and3A_353, %add3A_355, %scan3A_184 : i32
        %ne3A_357 = arith.cmpi ne, %add3A_192, %add3A_201 : i32
        %or3A_358 = arith.constant false
        %or3A_359 = arith.ori %or3A_358, %ne3A_357 : i1
        %or3A_360 = arith.constant false
        %or3A_361 = arith.ori %or3A_359, %or3A_360 : i1
        %not3A_362 = arith.constant true
        %not3A_363 = arith.xori %eq3A_189, %not3A_362 : i1
        %and3A_364 = arith.andi %or3A_361, %not3A_363 : i1
        %convert_element_type3A_365 = arith.extui %and3A_364 : i1 to i32
        %cond3A_366 = arith.constant 0 : i32
        %cond3A_367 = arith.cmpi ne, %convert_element_type3A_365, %cond3A_366 : i32
        scf.if %cond3A_367 {
          "tpu.trace_start"() <{level = 10 : i32, message = "ep_wait_out"}> : () -> ()
          %rem3A_390 = arith.constant 2 : i32
          %rem3A_391 = arith.remui %scan3A_186, %rem3A_390 : i32
          %mul3A_392 = arith.constant 4 : i32
          %mul3A_393 = arith.muli %mul3A_392, %add3A_201 : i32
          %dma_wait3A_394 = arith.constant 0 : i32
          %dma_wait3A_395 = arith.constant 0 : i32
          %dma_wait3A_396 = tpu.memref_slice %run_scoped3A_47[%rem3A_391, %dma_wait3A_394, %dma_wait3A_395] : memref<2x4x1024xf32, #tpu.memory_space<vmem>> -> memref<1x4x1024xf32, #tpu.memory_space<vmem>>
          %dma_wait3A_397 = tpu.memref_squeeze %dma_wait3A_396 : memref<1x4x1024xf32, #tpu.memory_space<vmem>> -> memref<4x1024xf32, #tpu.memory_space<vmem>>
          %dma_wait3A_398 = arith.constant 0 : i32
          %dma_wait3A_399 = tpu.memref_slice %arg5[%mul3A_393, %dma_wait3A_398] : memref<4096x1024xf32, #tpu.memory_space<hbm>> -> memref<4x1024xf32, #tpu.memory_space<hbm>>
          %dma_wait3A_400 = tpu.memref_slice %run_scoped3A_48[%rem3A_391] : memref<2x!tpu.dma_semaphore, #tpu.memory_space<semaphore_mem>> -> memref<1x!tpu.dma_semaphore, #tpu.memory_space<semaphore_mem>>
          %dma_wait3A_401 = tpu.memref_squeeze %dma_wait3A_400 : memref<1x!tpu.dma_semaphore, #tpu.memory_space<semaphore_mem>> -> memref<!tpu.dma_semaphore, #tpu.memory_space<semaphore_mem>>
          %dma_wait3A_402 = arith.constant 0 : i32
          %dma_wait3A_403 = tpu.memref_slice %arg5[%mul3A_393, %dma_wait3A_402] : memref<4096x1024xf32, #tpu.memory_space<hbm>> -> memref<4x1024xf32, #tpu.memory_space<hbm>>
          %dma_wait3A_404 = arith.constant 0 : i32
          %dma_wait3A_405 = arith.constant 0 : i32
          %dma_wait3A_406 = tpu.memref_slice %run_scoped3A_47[%rem3A_391, %dma_wait3A_404, %dma_wait3A_405] : memref<2x4x1024xf32, #tpu.memory_space<vmem>> -> memref<1x4x1024xf32, #tpu.memory_space<vmem>>
          %dma_wait3A_407 = tpu.memref_squeeze %dma_wait3A_406 : memref<1x4x1024xf32, #tpu.memory_space<vmem>> -> memref<4x1024xf32, #tpu.memory_space<vmem>>
          tpu.wait_dma2 semaphore(%dma_wait3A_401 : memref<!tpu.dma_semaphore, #tpu.memory_space<semaphore_mem>>) src(%dma_wait3A_407 : memref<4x1024xf32, #tpu.memory_space<vmem>>) dst(%dma_wait3A_403 : memref<4x1024xf32, #tpu.memory_space<hbm>>)
          "tpu.trace_stop"() : () -> ()
        } else {
        }
        %and3A_368 = arith.constant true
        %and3A_369 = arith.andi %and3A_364, %and3A_368 : i1
        %add3A_370 = arith.constant 1 : i32
        %add3A_371 = arith.addi %scan3A_186, %add3A_370 : i32
        %select_n3A_372 = arith.select %and3A_369, %add3A_371, %scan3A_186 : i32
        %ne3A_373 = arith.cmpi ne, %add3A_192, %add3A_210 : i32
        %or3A_374 = arith.constant false
        %or3A_375 = arith.ori %or3A_374, %ne3A_373 : i1
        %or3A_376 = arith.constant false
        %or3A_377 = arith.ori %or3A_375, %or3A_376 : i1
        %or3A_378 = arith.ori %or3A_377, %eq3A_191 : i1
        %add3A_379 = arith.constant 1 : i32
        %add3A_380 = arith.addi %scan3A_182, %add3A_379 : i32
        %select_n3A_381 = arith.select %or3A_378, %add3A_380, %scan3A_182 : i32
        %add3A_382 = arith.constant 1 : i32
        %add3A_383 = arith.addi %scan3A_187, %add3A_382 : i32
        %select_n3A_384 = arith.constant true
        %select_n3A_385 = arith.select %select_n3A_384, %add3A_383, %scan3A_187 : i32
        %eq3A_386 = arith.constant 32 : i32
        %eq3A_387 = arith.cmpi eq, %select_n3A_385, %eq3A_386 : i32
        %select_n3A_388 = arith.constant 0 : i32
        %select_n3A_389 = arith.select %eq3A_387, %select_n3A_388, %select_n3A_385 : i32
        scf.yield %select_n3A_230, %select_n3A_381, %select_n3A_313, %select_n3A_356, %select_n3A_327, %select_n3A_372, %select_n3A_389 : i32, i32, i32, i32, i32, i32, i32
      }
      %scan3A_109 = arith.constant 32 : i32
      %sub3A = arith.constant 1 : i32
      %sub3A_110 = arith.subi %scan3A_108#6, %sub3A : i32
      %select_n3A_111 = arith.constant true
      %select_n3A_112 = arith.select %select_n3A_111, %sub3A_110, %scan3A_108#6 : i32
      %eq3A_113 = arith.constant -1 : i32
      %eq3A_114 = arith.cmpi eq, %select_n3A_112, %eq3A_113 : i32
      %select_n3A_115 = arith.constant 31 : i32
      %select_n3A_116 = arith.select %eq3A_114, %select_n3A_115, %select_n3A_112 : i32
      %add3A_117 = arith.addi %select_n3A_116, %mul3A_43 : i32
      %sub3A_118 = arith.constant 1 : i32
      %sub3A_119 = arith.subi %select_n3A_116, %sub3A_118 : i32
      %select_n3A_120 = arith.constant true
      %select_n3A_121 = arith.select %select_n3A_120, %sub3A_119, %select_n3A_116 : i32
      %eq3A_122 = arith.constant -1 : i32
      %eq3A_123 = arith.cmpi eq, %select_n3A_121, %eq3A_122 : i32
      %select_n3A_124 = arith.constant 31 : i32
      %select_n3A_125 = arith.select %eq3A_123, %select_n3A_124, %select_n3A_121 : i32
      %add3A_126 = arith.addi %select_n3A_125, %mul3A_43 : i32
      %add3A_127 = arith.constant 1 : i32
      %add3A_128 = arith.addi %select_n3A_116, %add3A_127 : i32
      %select_n3A_129 = arith.constant true
      %select_n3A_130 = arith.select %select_n3A_129, %add3A_128, %select_n3A_116 : i32
      %eq3A_131 = arith.constant 32 : i32
      %eq3A_132 = arith.cmpi eq, %select_n3A_130, %eq3A_131 : i32
      %select_n3A_133 = arith.constant 0 : i32
      %select_n3A_134 = arith.select %eq3A_132, %select_n3A_133, %select_n3A_130 : i32
      %add3A_135 = arith.addi %select_n3A_134, %mul3A_43 : i32
      %add3A_136 = arith.constant 1 : i32
      %add3A_137 = arith.addi %select_n3A_134, %add3A_136 : i32
      %select_n3A_138 = arith.constant true
      %select_n3A_139 = arith.select %select_n3A_138, %add3A_137, %select_n3A_134 : i32
      %eq3A_140 = arith.constant 32 : i32
      %eq3A_141 = arith.cmpi eq, %select_n3A_139, %eq3A_140 : i32
      %select_n3A_142 = arith.constant 0 : i32
      %select_n3A_143 = arith.select %eq3A_141, %select_n3A_142, %select_n3A_139 : i32
      %add3A_144 = arith.addi %select_n3A_143, %mul3A_43 : i32
      "tpu.trace_start"() <{level = 10 : i32, message = "ep_finalize"}> : () -> ()
      %rem3A_145 = arith.constant 2 : i32
      %rem3A_146 = arith.remui %scan3A_108#3, %rem3A_145 : i32
      %mul3A_147 = arith.constant 4 : i32
      %mul3A_148 = arith.muli %mul3A_147, %add3A_117 : i32
      %dma_wait3A = arith.constant 0 : i32
      %dma_wait3A_149 = arith.constant 0 : i32
      %dma_wait3A_150 = tpu.memref_slice %run_scoped3A_45[%rem3A_146, %dma_wait3A, %dma_wait3A_149] : memref<2x4x1024xf32, #tpu.memory_space<vmem>> -> memref<1x4x1024xf32, #tpu.memory_space<vmem>>
      %dma_wait3A_151 = tpu.memref_squeeze %dma_wait3A_150 : memref<1x4x1024xf32, #tpu.memory_space<vmem>> -> memref<4x1024xf32, #tpu.memory_space<vmem>>
      %dma_wait3A_152 = arith.constant 0 : i32
      %dma_wait3A_153 = tpu.memref_slice %arg4[%mul3A_148, %dma_wait3A_152] : memref<4096x1024xf32, #tpu.memory_space<hbm>> -> memref<4x1024xf32, #tpu.memory_space<hbm>>
      %dma_wait3A_154 = tpu.memref_slice %run_scoped3A_46[%rem3A_146] : memref<2x!tpu.dma_semaphore, #tpu.memory_space<semaphore_mem>> -> memref<1x!tpu.dma_semaphore, #tpu.memory_space<semaphore_mem>>
      %dma_wait3A_155 = tpu.memref_squeeze %dma_wait3A_154 : memref<1x!tpu.dma_semaphore, #tpu.memory_space<semaphore_mem>> -> memref<!tpu.dma_semaphore, #tpu.memory_space<semaphore_mem>>
      %dma_wait3A_156 = arith.constant 0 : i32
      %dma_wait3A_157 = tpu.memref_slice %arg4[%mul3A_148, %dma_wait3A_156] : memref<4096x1024xf32, #tpu.memory_space<hbm>> -> memref<4x1024xf32, #tpu.memory_space<hbm>>
      %dma_wait3A_158 = arith.constant 0 : i32
      %dma_wait3A_159 = arith.constant 0 : i32
      %dma_wait3A_160 = tpu.memref_slice %run_scoped3A_45[%rem3A_146, %dma_wait3A_158, %dma_wait3A_159] : memref<2x4x1024xf32, #tpu.memory_space<vmem>> -> memref<1x4x1024xf32, #tpu.memory_space<vmem>>
      %dma_wait3A_161 = tpu.memref_squeeze %dma_wait3A_160 : memref<1x4x1024xf32, #tpu.memory_space<vmem>> -> memref<4x1024xf32, #tpu.memory_space<vmem>>
      tpu.wait_dma2 semaphore(%dma_wait3A_155 : memref<!tpu.dma_semaphore, #tpu.memory_space<semaphore_mem>>) src(%dma_wait3A_161 : memref<4x1024xf32, #tpu.memory_space<vmem>>) dst(%dma_wait3A_157 : memref<4x1024xf32, #tpu.memory_space<hbm>>)
      %rem3A_162 = arith.constant 2 : i32
      %rem3A_163 = arith.remui %scan3A_108#5, %rem3A_162 : i32
      %mul3A_164 = arith.constant 4 : i32
      %mul3A_165 = arith.muli %mul3A_164, %add3A_117 : i32
      %dma_wait3A_166 = arith.constant 0 : i32
      %dma_wait3A_167 = arith.constant 0 : i32
      %dma_wait3A_168 = tpu.memref_slice %run_scoped3A_47[%rem3A_163, %dma_wait3A_166, %dma_wait3A_167] : memref<2x4x1024xf32, #tpu.memory_space<vmem>> -> memref<1x4x1024xf32, #tpu.memory_space<vmem>>
      %dma_wait3A_169 = tpu.memref_squeeze %dma_wait3A_168 : memref<1x4x1024xf32, #tpu.memory_space<vmem>> -> memref<4x1024xf32, #tpu.memory_space<vmem>>
      %dma_wait3A_170 = arith.constant 0 : i32
      %dma_wait3A_171 = tpu.memref_slice %arg5[%mul3A_165, %dma_wait3A_170] : memref<4096x1024xf32, #tpu.memory_space<hbm>> -> memref<4x1024xf32, #tpu.memory_space<hbm>>
      %dma_wait3A_172 = tpu.memref_slice %run_scoped3A_48[%rem3A_163] : memref<2x!tpu.dma_semaphore, #tpu.memory_space<semaphore_mem>> -> memref<1x!tpu.dma_semaphore, #tpu.memory_space<semaphore_mem>>
      %dma_wait3A_173 = tpu.memref_squeeze %dma_wait3A_172 : memref<1x!tpu.dma_semaphore, #tpu.memory_space<semaphore_mem>> -> memref<!tpu.dma_semaphore, #tpu.memory_space<semaphore_mem>>
      %dma_wait3A_174 = arith.constant 0 : i32
      %dma_wait3A_175 = tpu.memref_slice %arg5[%mul3A_165, %dma_wait3A_174] : memref<4096x1024xf32, #tpu.memory_space<hbm>> -> memref<4x1024xf32, #tpu.memory_space<hbm>>
      %dma_wait3A_176 = arith.constant 0 : i32
      %dma_wait3A_177 = arith.constant 0 : i32
      %dma_wait3A_178 = tpu.memref_slice %run_scoped3A_47[%rem3A_163, %dma_wait3A_176, %dma_wait3A_177] : memref<2x4x1024xf32, #tpu.memory_space<vmem>> -> memref<1x4x1024xf32, #tpu.memory_space<vmem>>
      %dma_wait3A_179 = tpu.memref_squeeze %dma_wait3A_178 : memref<1x4x1024xf32, #tpu.memory_space<vmem>> -> memref<4x1024xf32, #tpu.memory_space<vmem>>
      tpu.wait_dma2 semaphore(%dma_wait3A_173 : memref<!tpu.dma_semaphore, #tpu.memory_space<semaphore_mem>>) src(%dma_wait3A_179 : memref<4x1024xf32, #tpu.memory_space<vmem>>) dst(%dma_wait3A_175 : memref<4x1024xf32, #tpu.memory_space<hbm>>)
      "tpu.trace_stop"() : () -> ()
      tpu.yield
    }) : () -> ()
    return
  }
}

</mosaic_0001>

<sc_bundles>
// kernel: kernel.3.cloned.1.call-start
scs
__scs_entry_jumppad:
0x0: {  	(pc) =	sbr.rel $0x88, $3  }
0x1: {  	(tag) =	ssettag $0x0;
	lr =	simm.s32 $0x1  }
0x2: {  	[smem:$0x3F9F] =	sst lr;
	_ =	strace $0xD0000000  }
0x3: {  	_ = 	snop  }
0x4: {  	_ = 	snop  }
0x5: {  	_ = 	snop  }
0x6: {  	_ = 	snop  }
0x7: {  	_ = 	snop  }
__scs_overlays_trampoline_lowered:
0x8: {  	[smem:$0x3FAE] =	sst s0  }
0x9: {  	[smem:$0x3FAF] =	sst s1  }
0xa: {  	[smem:$0x3FB0] =	sst s2  }
0xb: {  	[smem:$0x3FB1] =	sst s3  }
0xc: {  	[smem:$0x3FB2] =	sst s4  }
0xd: {  	[smem:$0x3FB3] =	sst s5  }
0xe: {  	[smem:$0x3FB4] =	sst s6  }
0xf: {  	[smem:$0x3FB5] =	sst s7  }
0x10: {  	[smem:$0x3FB6] =	sst s8  }
0x11: {  	[smem:$0x3FB7] =	sst s9;
	s0 =	simm.s32 @!p0 $0x0  }
0x12: {  	s1 =	sld [smem:$0x3F9D];
	s0 =	simm.s32 @p0 $0x1  }
0x13: {  	[smem:$0x3FB8] =	sst s0;
	s0 =	simm.s32 @!p1 $0x0  }
0x14: {  	s2 =	sld [smem:$0x3F9C];
	s0 =	simm.s32 @p1 $0x1  }
0x15: {  	[smem:$0x3FB9] =	sst s0;
	s0 =	simm.s32 @!p2 $0x0  }
0x16: {  	s3 =	sld [smem:$0x3FDB];
	s0 =	simm.s32 @p2 $0x1  }
0x17: {  	s4 =	simm.s32 $0x1BF5;
	[smem:$0x3FBB] =	sst s0  }
0x18: {  	s0 =	sld [smem:$0x3F9E];
	_ =	swait.ge [sflag:s4], $0x0  }
0x19: {  	s7 =	sld [smem:$0x3F9F]  }
0x1a: {  	s8 =	sadd.s32 $0xFFFFE003, lr  }
0x1b: {  	s9 =	sadd.s32 $0xFFFFFEF7, lr;
	s5 =	simm.s32 $0xFFFFFFFF;
	p2 =	slt.u32 s8, $0xFFFFF086  }
0x1c: {  	p1 =	slt.u32 s9, $0xF7A;
	s5 =	simm.s32 @!p2 $0x0  }
0x1d: {  	s5 =	simm.s32 @p1 $0x1;
	p0 =	seq.s32 s7, s2  }
0x1e: {  	s7 =	smul.u32 @!p0 $0xF7A, s2;
	p2 =	seq.s32 @!p0 s5, $0x0  }
0x1f: {  	s9 =	smul.u32 $0xF7A, s1;
	s8 =	simm.s32 @!p0 $0x1BF5;
	p2 =	por !p2, p0  }
0x20: {  	[sflag:s8] =	ssyncset.s32 @!p0 $0xFFFFF086;
	s6 =	sadd.s32 @!p0 s3, s7;
	s7 =	simm.s32 @!p0 $0x108  }
0x21: {  	s3 =	sadd.s32 s3, s9;
	s6 =	sadd.s32 @!p0 $0x88, s6;
	s7 =	simm.s32 @p2 $0x1082  }
0x22: {  	[simem:s7], [sflag:s8] =	dma.local @!p0 [hbm:s6], $0xF7A  }
0x23: {  	s9 =	sor.u32 $0xD0000000, s2;
	s6 =	simm.s32 $0x108;
	_ =	swait.ge @!p0 [sflag:s8], $0x0  }
0x24: {  	s3 =	sadd.s32 $0x88, s3;
	s6 =	simm.s32 @!p1 $0x1082;
	[sflag:s4] =	ssyncset.s32 $0xFFFFF086  }
0x25: {  	[simem:s6], [sflag:s4] =	dma.local [hbm:s3], $0xF7A  }
0x26: {  	[smem:$0x3F9F] =	sst s1;
	(tag) =	ssettag s2;
	_ =	strace s9  }
0x27: {  	s1 =	sld [smem:$0x3FAF]  }
0x28: {  	s2 =	sld [smem:$0x3FB0]  }
0x29: {  	s4 =	sld [smem:$0x3FB2]  }
0x2a: {  	p0 =	seq.s32 s5, $0x0;
	s5 =	sld [smem:$0x3FB3]  }
0x2b: {  	s6 =	sld [smem:$0x3FB4]  }
0x2c: {  	s7 =	sld [smem:$0x3FB5]  }
0x2d: {  	s3 =	simm.s32 $0x108;
	s8 =	sld [smem:$0x3FB6]  }
0x2e: {  	s3 =	simm.s32 @!p0 $0x1082;
	s9 =	sld [smem:$0x3FB7]  }
0x2f: {  	lr =	sadd.s32 s0, s3;
	s0 =	sld [smem:$0x3FAE]  }
0x30: {  	s3 =	sld [smem:$0x3FB1]  }
0x31: {  	[smem:$0x3FBA] =	sst s10  }
0x32: {  	s10 =	sld [smem:$0x3FB8];
	_ =	sdelay $0x3  }
0x33: {  	p0 =	seq.s32 s10, $0x1;
	s10 =	sld [smem:$0x3FBA];
	_ =	sdelay $0x3  }
0x34: {  	[smem:$0x3FBA] =	sst s10  }
0x35: {  	s10 =	sld [smem:$0x3FB9];
	_ =	sdelay $0x3  }
0x36: {  	p1 =	seq.s32 s10, $0x1;
	s10 =	sld [smem:$0x3FBA];
	_ =	sdelay $0x3  }
0x37: {  	[smem:$0x3FBA] =	sst s10  }
0x38: {  	s10 =	sld [smem:$0x3FBB]  }
0x39: {  	_ = 	snop;
	(pc) =	sbr.ind lr, $3  }
0x3a: {  	_ = 	snop  }
0x3b: {  	_ = 	snop  }
0x3c: {  	p2 =	seq.s32 s10, $0x1;
	s10 =	sld [smem:$0x3FBA]  }
0x3d: {  	_ =	shalt  }
0x3e: {  	_ =	shalt  }
0x3f: {  	_ =	shalt  }
0x40: {  	_ =	shalt  }
0x41: {  	_ =	shalt  }
0x42: {  	_ =	shalt  }
0x43: {  	_ =	shalt  }
0x44: {  	_ =	shalt  }
0x45: {  	_ =	shalt  }
0x46: {  	_ =	shalt  }
0x47: {  	_ =	shalt  }
0x48: {  	_ =	shalt  }
0x49: {  	_ =	shalt  }
0x4a: {  	_ =	shalt  }
0x4b: {  	_ =	shalt  }
0x4c: {  	_ =	shalt  }
0x4d: {  	_ =	shalt  }
0x4e: {  	_ =	shalt  }
0x4f: {  	_ =	shalt  }
0x50: {  	_ =	shalt  }
0x51: {  	_ =	shalt  }
0x52: {  	_ =	shalt  }
0x53: {  	_ =	shalt  }
0x54: {  	_ =	shalt  }
0x55: {  	_ =	shalt  }
0x56: {  	_ =	shalt  }
0x57: {  	_ =	shalt  }
0x58: {  	_ =	shalt  }
0x59: {  	_ =	shalt  }
0x5a: {  	_ =	shalt  }
0x5b: {  	_ =	shalt  }
0x5c: {  	_ =	shalt  }
0x5d: {  	_ =	shalt  }
0x5e: {  	_ =	shalt  }
0x5f: {  	_ =	shalt  }
0x60: {  	_ =	shalt  }
0x61: {  	_ =	shalt  }
0x62: {  	_ =	shalt  }
0x63: {  	_ =	shalt  }
0x64: {  	_ =	shalt  }
0x65: {  	_ =	shalt  }
0x66: {  	_ =	shalt  }
0x67: {  	_ =	shalt  }
0x68: {  	_ =	shalt  }
0x69: {  	_ =	shalt  }
0x6a: {  	_ =	shalt  }
0x6b: {  	_ =	shalt  }
0x6c: {  	_ =	shalt  }
0x6d: {  	_ =	shalt  }
0x6e: {  	_ =	shalt  }
0x6f: {  	_ =	shalt  }
0x70: {  	_ =	shalt  }
0x71: {  	_ =	shalt  }
0x72: {  	_ =	shalt  }
0x73: {  	_ =	shalt  }
0x74: {  	_ =	shalt  }
0x75: {  	_ =	shalt  }
0x76: {  	_ =	shalt  }
0x77: {  	_ =	shalt  }
0x78: {  	_ =	shalt  }
0x79: {  	_ =	shalt  }
0x7a: {  	_ =	shalt  }
0x7b: {  	_ =	shalt  }
0x7c: {  	_ =	shalt  }
0x7d: {  	_ =	shalt  }
0x7e: {  	_ =	shalt  }
0x7f: {  	_ =	shalt  }
0x80: {  	_ =	shalt  }
0x81: {  	_ =	shalt  }
0x82: {  	_ =	shalt  }
0x83: {  	_ =	shalt  }
0x84: {  	_ =	shalt  }
0x85: {  	_ =	shalt  }
0x86: {  	_ =	shalt  }
0x87: {  	_ =	shalt  }
.Lfunc_end0:
.L_simem_size_0:
called_computation_lowered:
.L_overlay_start_0:
0x88: {  	s2 =	sld [smem:$0x3FD9]  }
0x89: {  	s3 =	sld [smem:$0x3FFE];
	_ =	sdelay $0x1  }
0x8a: {  	s1 =	srdreg.scid  }
0x8b: {  	s0 =	sand.u32 $0x1, s1  }
0x8c: {  	s17 =	sshll.u32 s0, $0xA;
	s2 =	sadd.s32 s3, s2  }
0x8d: {  	s2 =	sadd.s32 s2, s17  }
0x8e: {  	[smem:$0x3FC6] =	sst s2  }
0x8f: {  	_ = 	snop  }
0x90: {  	s2 =	sld [smem:$0x3FC9]  }
0x91: {  	s18 =	sld [smem:$0x3FD0];
	(tm) =	ssettm $0x1  }
0x92: {  	s4 =	sld [smem:$0x3FFB];
	_ =	sdelay $0x3  }
0x93: {  	_ =	strace s4  }
0x94: {  	s4 =	sld [smem:$0x3FFC];
	_ =	sdelay $0x3  }
0x95: {  	_ =	strace s4  }
0x96: {  	s4 =	sld [smem:$0x3FFD];
	_ =	sdelay $0x3  }
0x97: {  	_ =	strace s4  }
0x98: {  	_ =	strace $0x8FFFFFFF  }
0x99: {  	s19 =	sld [smem:$0x3FDB];
	_ =	sdelay $0x1  }
0x9a: {  	s5 =	simm.s32 $_scs_section_size  }
0x9b: {  	s6 =	simm.s32 $_size__tile_overlayer_lowered;
	s7 =	simm.s32 $_tile_overlayer_lowered  }
0x9c: {  	s22 =	simm.s32 $0x1BFF;
	s21 =	sshll.u32 s7, $0x1;
	s4 =	sadd.s32 s5, s19  }
0x9d: {  	s8 =	simm.s32 $0x0;
	s20 =	sshll.u32 s6, $0x1;
	s6 =	sadd.s32 s21, s4  }
0x9e: {  	[timem:s8], [sflag:s22] =	dma.local [hbm:s6], s20  }
0x9f: {  	_ =	swait.ge [sflag:s22], s20  }
0xa0: {  	s5 =	ssub.s32 $0x0, s20;
	[sflag:s22] =	ssyncset.done $0x0  }
0xa1: {  	[sflag:s22] =	ssyncadd.s32 s5;
	_ =	sdelay $0x1  }
0xa2: {  	s23 =	simm.s32 $0x1B8B  }
0xa3: {  	_ =	swait.ge [sflag:s23], $0x1  }
0xa4: {  	[sflag:s23] =	ssyncset.done $0x0  }
0xa5: {  	s25 =	simm.s32 $0x1B8E;
	s24 =	sld [smem:$0x3FFE];
	[sflag:s23] =	ssyncadd.s32 $0xFFFFFFFF  }
0xa6: {  	s26 =	simm.s32 $execute0_lowered;
	[smem:$0x3FD2] =	sst s25  }
0xa7: {  	s6 =	sshll.u32 s26, $0x1;
	_ =	strace $0x80000046;
	[dreg:$0x1] =	wrdreg $0xFFFFFFFF  }
0xa8: {  	s28 =	simm.s32 $_size_execute0_lowered;
	s4 =	sadd.s32 s4, s6;
	[dreg:$0x0] =	wrdreg $0x0  }
0xa9: {  	s6 =	sshll.u32 s28, $0x1;
	[dreg:$0x2] =	wrdreg s4  }
0xaa: {  	[dreg:$0x3] =	wrdreg s6  }
0xab: {  	[dreg:$0x4] =	wrdreg $0xC0  }
0xac: {  	_ =	task [dreg:s8], $0x5FFFF  }
0xad: {  	[dreg:$0x1] =	wrdreg $0xFFFFFFFF  }
0xae: {  	[dreg:$0x0] =	wrdreg $0x60  }
0xaf: {  	[dreg:$0x2] =	wrdreg s2  }
0xb0: {  	[dreg:$0x3] =	wrdreg s18  }
0xb1: {  	[dreg:$0x4] =	wrdreg s24  }
0xb2: {  	[dreg:$0x5] =	wrdreg $0x9  }
0xb3: {  	_ =	task.clear_ibuf [dreg:s8], $0x6FFFF;
	_ =	strace $0x90000046  }
0xb4: {  	s29 =	simm.s32 $0x9;
	_ =	strace $0x80000051  }
0xb5: {  	_ =	swait.ge [sflag:s29], $0x1  }
0xb6: {  	[sflag:s29] =	ssyncadd.s32 $0xFFFFFFFF  }
0xb7: {  	_ =	strace $0x90000051  }
0xb8: {  	_ =	sfence  }
0xb9: {  	s30 =	sld [smem:$0x0];
	_ =	sdelay $0x2  }
0xba: {  	s31 =	sshll.u32 s1, $0xD;
	s1 =	sshrl.u32 s1, $0x2  }
0xbb: {  	s3 =	sand.u32 $0x4000, s31;
	s1 =	sadd.s32 s1, s30  }
0xbc: {  	s0 =	sor.u32 s3, s0;
	s1 =	sshll.u32 s1, $0x11  }
0xbd: {  	s0 =	sor.u32 s1, s0  }
0xbe: {  	s0 =	sadd.s32 $0x8F2B, s0  }
0xbf: {  	[sflag:s0] =	ssyncadd.remote.s32 $0x1  }
0xc0: {  	_ =	sfence.sel $0xFFFF  }
0xc1: {  	[dreg:$0x0] =	wrdreg $0xFFFFFFFF;
	(pc) =	sbr.abs _section_cstart, $3  }
0xc2: {  	[dreg:$0x1] =	wrdreg $0xFFFFFFFF  }
0xc3: {  	_ =	task.clear_ibuf [dreg:s8], $0x2FFFF;
	_ =	strace $0x9FFFFFFF  }
0xc4: {  	(tm) =	ssettm $0x7FFFFFFF  }
0xc5: {  	_ =	shalt  }
tec
execute0_lowered:
.L_overlay_start_1:
0x0: {  	(tag) =	ssettag $0x1  }
0x1: {  	v0 =	vlaneseq.u32  }
0x2: {  	v0 =	vmul.u32 $0x6, v0  }
0x3: {  	s1 =	rddreg [dreg:$0x0]  }
0x4: {  	s0 =	rddreg [dreg:$0x2];
	s2 =	srdreg.scid;
	v1 =	vor.u32 $0x1, v0;
	v2 =	vadd.s32 $0x2, v0  }
0x5: {  	s4 =	simm.s32 $0x0;
	s5 =	stileid.u32;
	s2 =	sand.u32 $0x1, s2;
	v3 =	vadd.s32 $0x3, v0;
	v4 =	vadd.s32 $0x4, v0;
	v5 =	vadd.s32 $0x5, v0  }
0x6: {  	s10 =	simm.s32 $0x200;
	s3 =	sshll.u32 s2, $0x4;
	s2 =	ssub.s32 $0x2, s2;
	v6 =	vor.u32 $0x80, v0;
	v7 =	vor.u32 $0x81, v0;
	v8 =	vadd.s32 $0x82, v0  }
0x7: {  	s6 =	sadd.s32 $0x80800, s0;
	s3 =	sor.u32 s5, s3;
	v9 =	vadd.s32 $0x83, v0;
	v10 =	vadd.s32 $0x84, v0;
	v11 =	vadd.s32 $0x85, v0;
	s30 =	sshrl.u32 s2, $0x1  }
0x8: {  	s5 =	sadd.s32 $0x800, s0;
	v12 =	vor.u32 $0x100, v0;
	v13 =	vor.u32 $0x101, v0;
	v14 =	vadd.s32 $0x102, v0;
	s8 =	smul.u32 $0x18000, s3;
	s0 =	ssub.s32 s2, s30  }
0x9: {  	s11 =	simm.s32 $0x400;
	[smem:$0x7FF] =	sst s4;
	v15 =	vadd.s32 $0x103, v0;
	v16 =	vadd.s32 $0x104, v0;
	v17 =	vadd.s32 $0x105, v0;
	s0 =	smax.u32 s0, $0x1  }
0xa: {  	_ =	strace $0x80000047;
	v18 =	vor.u32 $0x180, v0;
	v19 =	vor.u32 $0x181, v0;
	v20 =	vadd.s32 $0x182, v0;
	s31 =	sadd.s32 s1, s8;
	[dreg:$0x5] =	wrdreg s0  }
0xb: {  	s14 =	simm.s32 $0x0;
	v21 =	vadd.s32 $0x183, v0;
	v22 =	vadd.s32 $0x184, v0;
	v23 =	vadd.s32 $0x185, v0;
	s7 =	sshll.u32 s3, $0x5;
	[dreg:$0x4] =	wrdreg s31  }
.LBB2_1:
0xc: {  	s0 =	rddreg [dreg:$0x1];
	s30 =	simm.s32 $0x1  }
0xd: {  	[tilespmem:s4], [sflag:$0x1] =	stream.linear.gather [hbm4b:s0+s4], $0x80, $0x38;
	[tilespmem:$0x10080] =	vst v63  }
0xe: {  	_ =	swait.ge [sflag:s30], $0x80  }
0xf: {  	s2 =	simm.s32 $0x80;
	[sflag:s30] =	ssyncset.done $0x0  }
0x10: {  	s16 =	simm.s32 $0x0;
	s15 =	simm.s32 $0x0;
	[sflag:s30] =	ssyncadd.s32 $0xFFFFFF80  }
0x11: {  	s17 =	simm.s32 $0x0;
	s18 =	simm.s32 $0x0;
	_ =	strace $0x80000048  }
0x12: {  	s19 =	simm.s32 $0x0;
	s20 =	simm.s32 $0x1;
	s31 =	rddreg [dreg:$0x4]  }
0x13: {  	[tilespmem:s2], [sflag:$0x1] =	stream.strided.gather [hbm4b:s31+s10], $0x6000, s11, s10, $0x200038;
	[tilespmem:$0x10080] =	vst v63  }
0x14: {  	s21 =	simm.s32 $0x0;
	s0 =	simm.s32 $0x0;
	_ =	strace $0x90000048  }
.LBB2_2:
0x15: {  	s22 =	smov.u32 s16;
	s16 =	sadd.s32 $0x1, s16  }
0x16: {  	p0 =	seq.s32 s16, $0x20  }
0x17: {  	s16 =	simm.s32 @p0 $0x0  }
0x18: {  	p1 =	sne.s32 s21, $0x1F;
	p0 =	sne.s32 s22, s16  }
0x19: {  	p0 =	por !p1, !p0  }
0x1a: {  	p0 =	por !p0, !p0  }
0x1b: {  	s2 =	sadd.s32 @p0 s7, s16  }
0x1c: {  	s25 =	sand.u32 $0x1, s18;
	s24 =	sand.u32 $0x1, s17;
	s2 =	sshrl.u32 @p0 s2, $0x1  }
0x1d: {  	s3 =	sand.u32 @p0 $0x1, s20;
	s8 =	sshll.u32 @p0 s16, $0x9;
	s2 =	smul.u32 @p0 $0xC000, s2  }
0x1e: {  	s30 =	simm.s32 $0x6080;
	s9 =	smul.u32 @p0 $0x18000, s3;
	s8 =	sand.u32 @p0 $0x200, s8  }
0x1f: {  	_ =	strace @p0 $0x80000049;
	s12 =	simm.s32 @p0 $0x400;
	s2 =	sor.u32 @p0 s8, s2  }
0x20: {  	s3 =	sadd.s32 @p0 $0x1, s3;
	s8 =	sshrl.u32 @p0 s9, $0x2;
	s2 =	sshrl.u32 @p0 s2, $0x3  }
0x21: {  	s9 =	simm.s32 @p0 $0x200;
	s8 =	sor.u32 @p0 $0x80, s8;
	s2 =	sadd.s32 @p0 s1, s2  }
0x22: {  	[tilespmem:s8], [sflag:s3] =	stream.strided.gather @p0 [hbm4b:s2+s9], $0x6000, s12, s9, $0x200038;
	[tilespmem:$0x10080] =	vst v63  }
0x23: {  	s31 =	simm.s32 $0x0;
	s12 =	sand.u32 $0x1, s19;
	_ =	strace @p0 $0x90000049  }
0x24: {  	s28 =	sadd.s32 s7, s22;
	s13 =	sadd.s32 $0x1, s12;
	_ =	strace $0x8000004A  }
0x25: {  	s23 =	sshll.u32 s25, $0xC;
	s26 =	sshll.u32 s24, $0xC;
	_ =	swait.ge [sflag:s13], $0x6000  }
0x26: {  	s29 =	sor.u32 $0xC080, s23;
	s26 =	sor.u32 $0xE080, s26;
	[sflag:s13] =	ssyncset.done $0x0  }
0x27: {  	s23 =	smov.u32 s0;
	s0 =	simm.s32 $0x120;
	[sflag:s13] =	ssyncadd.s32 $0xFFFFA000  }
0x28: {  	s3 =	simm.s32 $0x0;
	p1 =	seq.s32 s12, $0x1;
	_ =	strace $0x9000004A  }
0x29: {  	v24 =	vmov s29;
	v25 =	vmov s26;
	s30 =	simm.s32 @!p1 $0x80;
	p1 =	por $0x0, $0x0;
	_ =	strace $0x8000004B  }
.LBB2_3:
0x2a: {  	s2 =	sadd.s32 $0xFFFFFEE0, s0  }
0x2b: {  	v26 =	vmov s2  }
0x2c: {  	v26 =	vshll.u32 v26, $0x2  }
0x2d: {  	v26 =	vbroadcast v26, $0x0;
	_ =	sdelay $0x1  }
0x2e: {  	v27 =	vor.u32 v0, v26  }
0x2f: {  	v28 =	vor.u32 v1, v26  }
0x30: {  	v29 =	vor.u32 v2, v26  }
0x31: {  	v30 =	vor.u32 v3, v26  }
0x32: {  	v31 =	vor.u32 v4, v26  }
0x33: {  	v27 =	vld.idx.msk [tilespmem:v27+s30+$0x0], $0xffff  }
0x34: {  	v28 =	vld.idx.msk [tilespmem:v28+s30+$0x0], $0xffff  }
0x35: {  	v32 =	vor.u32 v5, v26;
	v29 =	vld.idx.msk [tilespmem:v29+s30+$0x0], $0xffff  }
0x36: {  	v30 =	vld.idx.msk [tilespmem:v30+s30+$0x0], $0xffff  }
0x37: {  	v31 =	vld.idx.msk [tilespmem:v31+s30+$0x0], $0xffff;
	_ =	sdelay $0x2  }
0x38: {  	v32 =	vld.idx.msk [tilespmem:v32+s30+$0x0], $0xffff;
	v27 =	vshll.u32 v27, $0x2;
	v28 =	vshll.u32 v28, $0x1  }
0x39: {  	v27 =	vadd.s32 v27, v28  }
0x3a: {  	v35 =	vshll.u32 v30, $0x2;
	v36 =	vshll.u32 v31, $0x1;
	v27 =	vadd.s32 v29, v27  }
0x3b: {  	v28 =	vadd.s32 v36, v35;
	v27 =	vshll.u32 v27, $0x3  }
0x3c: {  	v27 =	vadd.s32 v28, v27  }
0x3d: {  	v27 =	vadd.s32 v32, v27;
	_ =	sdelay $0x4  }
0x3e: {  	v37 =	vld.idx.msk [tilespmem:v27+s4+$0x0], $0xffff  }
0x3f: {  	v27 =	vadd.s32 $0x40, v27  }
0x40: {  	s8 =	sadd.s32 $0xFFFFFF40, s0  }
0x41: {  	s12 =	sand.u32 $0x40, s31;
	s9 =	sand.u32 $0xE00, s3;
	v38 =	vadd.s32 s8, v0;
	v40 =	vadd.s32 s8, v1;
	v44 =	vadd.s32 s8, v2  }
0x42: {  	s2 =	sor.u32 s12, s9;
	v47 =	vadd.s32 s8, v3;
	v49 =	vadd.s32 s8, v4;
	v39 =	vshll.u32 v38, $0x2  }
0x43: {  	v41 =	vshll.u32 v40, $0x2;
	v42 =	vand.u32 $0x7F, v40;
	v45 =	vshll.u32 v44, $0x2;
	[tilespmem:v24+s2+$0x0 ss:$0x1] =	vst.idx.msk $0xffff, v37  }
0x44: {  	v46 =	vand.u32 $0x7E, v44;
	v30 =	vand.u32 $0x7FFFFE00, v39;
	v29 =	vand.u32 $0x7E, v38;
	v33 =	vld.idx.msk [tilespmem:v27+s4+$0x0], $0xffff  }
0x45: {  	v48 =	vshll.u32 v47, $0x2;
	v43 =	vand.u32 $0x7FFFFE00, v41;
	v27 =	vor.u32 v29, v30  }
0x46: {  	v34 =	vshll.u32 v49, $0x2;
	v28 =	vor.u32 v42, v43;
	v29 =	vand.u32 $0x7FFFFE00, v45  }
0x47: {  	v31 =	vand.u32 $0x7F, v47;
	v30 =	vand.u32 $0x7FFFFE00, v48;
	v29 =	vor.u32 v46, v29  }
0x48: {  	v50 =	vand.u32 $0x7E, v49;
	v51 =	vand.u32 $0x7FFFFE00, v34;
	v30 =	vor.u32 v31, v30  }
0x49: {  	v52 =	vadd.s32 s8, v5;
	v31 =	vor.u32 v50, v51;
	[tilespmem:v25+s2+$0x0 ss:$0x1] =	vst.idx.msk $0xffff, v33  }
0x4a: {  	v53 =	vshll.u32 v52, $0x2;
	v33 =	vld.idx.msk [tilespmem:v27+s30+$0x0], $0xffff  }
0x4b: {  	v34 =	vand.u32 $0x7FFFFE00, v53;
	v32 =	vand.u32 $0x7F, v52;
	v35 =	vld.idx.msk [tilespmem:v28+s30+$0x0], $0xffff  }
0x4c: {  	v32 =	vor.u32 v32, v34;
	v36 =	vld.idx.msk [tilespmem:v29+s30+$0x0], $0xffff  }
0x4d: {  	v54 =	vld.idx.msk [tilespmem:v30+s30+$0x0], $0xffff  }
0x4e: {  	v37 =	vld.idx.msk [tilespmem:v31+s30+$0x0], $0xffff;
	_ =	sdelay $0x2  }
0x4f: {  	v38 =	vld.idx.msk [tilespmem:v32+s30+$0x0], $0xffff;
	v33 =	vshll.u32 v33, $0x2;
	v35 =	vshll.u32 v35, $0x1  }
0x50: {  	v33 =	vadd.s32 v33, v35  }
0x51: {  	v34 =	vshll.u32 v54, $0x2;
	v55 =	vshll.u32 v37, $0x1;
	v33 =	vadd.s32 v36, v33  }
0x52: {  	v34 =	vadd.s32 v55, v34;
	v33 =	vshll.u32 v33, $0x3  }
0x53: {  	v33 =	vadd.s32 v34, v33  }
0x54: {  	v33 =	vadd.s32 v38, v33;
	_ =	sdelay $0x4  }
0x55: {  	v56 =	vld.idx.msk [tilespmem:v33+s4+$0x0], $0xffff  }
0x56: {  	v33 =	vadd.s32 $0x40, v33  }
0x57: {  	s13 =	sadd.s32 $0xFFFFFFA0, s0  }
0x58: {  	v57 =	vadd.s32 s13, v0;
	v59 =	vadd.s32 s13, v1;
	v63 =	vadd.s32 s13, v2  }
0x59: {  	v58 =	vshll.u32 v57, $0x2;
	s9 =	sor.u32 $0x10, s2;
	v60 =	vshll.u32 v59, $0x2;
	v61 =	vand.u32 $0x7F, v59  }
0x5a: {  	v40 =	vshll.u32 v63, $0x2;
	v44 =	vadd.s32 s13, v4;
	v62 =	vand.u32 $0x7FFFFE00, v60;
	[tilespmem:v24+s9+$0x0 ss:$0x1] =	vst.idx.msk $0xffff, v56  }
0x5b: {  	v42 =	vadd.s32 s13, v3;
	v35 =	vand.u32 $0x7E, v57;
	v36 =	vand.u32 $0x7FFFFE00, v58;
	v39 =	vld.idx.msk [tilespmem:v33+s4+$0x0], $0xffff  }
0x5c: {  	v41 =	vand.u32 $0x7E, v63;
	v43 =	vshll.u32 v42, $0x2;
	v33 =	vor.u32 v35, v36  }
0x5d: {  	v37 =	vand.u32 $0x7F, v42;
	v34 =	vor.u32 v61, v62;
	v35 =	vand.u32 $0x7FFFFE00, v40  }
0x5e: {  	v36 =	vand.u32 $0x7FFFFE00, v43;
	v40 =	vshll.u32 v44, $0x2;
	v35 =	vor.u32 v41, v35  }
0x5f: {  	v45 =	vand.u32 $0x7E, v44;
	v36 =	vor.u32 v37, v36;
	v46 =	vand.u32 $0x7FFFFE00, v40  }
0x60: {  	v47 =	vadd.s32 s13, v5;
	v37 =	vor.u32 v45, v46;
	[tilespmem:v25+s9+$0x0 ss:$0x1] =	vst.idx.msk $0xffff, v39  }
0x61: {  	v48 =	vshll.u32 v47, $0x2;
	v39 =	vld.idx.msk [tilespmem:v33+s30+$0x0], $0xffff  }
0x62: {  	v38 =	vand.u32 $0x7F, v47;
	v40 =	vand.u32 $0x7FFFFE00, v48;
	v41 =	vld.idx.msk [tilespmem:v34+s30+$0x0], $0xffff  }
0x63: {  	v38 =	vor.u32 v38, v40;
	v42 =	vld.idx.msk [tilespmem:v35+s30+$0x0], $0xffff  }
0x64: {  	v49 =	vld.idx.msk [tilespmem:v36+s30+$0x0], $0xffff  }
0x65: {  	v43 =	vld.idx.msk [tilespmem:v37+s30+$0x0], $0xffff;
	_ =	sdelay $0x2  }
0x66: {  	v44 =	vld.idx.msk [tilespmem:v38+s30+$0x0], $0xffff;
	v39 =	vshll.u32 v39, $0x2;
	v41 =	vshll.u32 v41, $0x1  }
0x67: {  	v39 =	vadd.s32 v39, v41  }
0x68: {  	v40 =	vshll.u32 v49, $0x2;
	v50 =	vshll.u32 v43, $0x1;
	v39 =	vadd.s32 v42, v39  }
0x69: {  	v40 =	vadd.s32 v50, v40;
	v39 =	vshll.u32 v39, $0x3  }
0x6a: {  	v39 =	vadd.s32 v40, v39  }
0x6b: {  	v39 =	vadd.s32 v44, v39;
	_ =	sdelay $0x4  }
0x6c: {  	v51 =	vld.idx.msk [tilespmem:v39+s4+$0x0], $0xffff  }
0x6d: {  	v39 =	vadd.s32 $0x40, v39;
	_ =	sdelay $0x1  }
0x6e: {  	v63 =	vadd.s32 s0, v4;
	v52 =	vadd.s32 s0, v0;
	v54 =	vadd.s32 s0, v1  }
0x6f: {  	v53 =	vshll.u32 v52, $0x2;
	v55 =	vshll.u32 v54, $0x2;
	v58 =	vadd.s32 s0, v2;
	s9 =	sor.u32 $0x20, s2  }
0x70: {  	v57 =	vand.u32 $0x7FFFFE00, v55;
	v59 =	vshll.u32 v58, $0x2;
	v60 =	vand.u32 $0x7E, v58;
	[tilespmem:v24+s9+$0x0 ss:$0x1] =	vst.idx.msk $0xffff, v51  }
0x71: {  	v61 =	vadd.s32 s0, v3;
	v41 =	vand.u32 $0x7E, v52;
	v42 =	vand.u32 $0x7FFFFE00, v53;
	v45 =	vld.idx.msk [tilespmem:v39+s4+$0x0], $0xffff  }
0x72: {  	v62 =	vshll.u32 v61, $0x2;
	v56 =	vand.u32 $0x7F, v54;
	v39 =	vor.u32 v41, v42  }
0x73: {  	v46 =	vshll.u32 v63, $0x2;
	v40 =	vor.u32 v56, v57;
	v41 =	vand.u32 $0x7FFFFE00, v59  }
0x74: {  	v43 =	vand.u32 $0x7F, v61;
	v42 =	vand.u32 $0x7FFFFE00, v62;
	v41 =	vor.u32 v60, v41  }
0x75: {  	v48 =	vand.u32 $0x7E, v63;
	v49 =	vand.u32 $0x7FFFFE00, v46;
	v42 =	vor.u32 v43, v42  }
0x76: {  	v50 =	vadd.s32 s0, v5;
	v43 =	vor.u32 v48, v49;
	[tilespmem:v25+s9+$0x0 ss:$0x1] =	vst.idx.msk $0xffff, v45  }
0x77: {  	v51 =	vshll.u32 v50, $0x2;
	v45 =	vld.idx.msk [tilespmem:v39+s30+$0x0], $0xffff  }
0x78: {  	v44 =	vand.u32 $0x7F, v50;
	v46 =	vand.u32 $0x7FFFFE00, v51;
	v47 =	vld.idx.msk [tilespmem:v40+s30+$0x0], $0xffff  }
0x79: {  	v44 =	vor.u32 v44, v46;
	v48 =	vld.idx.msk [tilespmem:v41+s30+$0x0], $0xffff  }
0x7a: {  	v52 =	vld.idx.msk [tilespmem:v42+s30+$0x0], $0xffff  }
0x7b: {  	v49 =	vld.idx.msk [tilespmem:v43+s30+$0x0], $0xffff;
	_ =	sdelay $0x2  }
0x7c: {  	v50 =	vld.idx.msk [tilespmem:v44+s30+$0x0], $0xffff;
	v45 =	vshll.u32 v45, $0x2;
	v47 =	vshll.u32 v47, $0x1  }
0x7d: {  	v45 =	vadd.s32 v45, v47  }
0x7e: {  	v46 =	vshll.u32 v52, $0x2;
	v53 =	vshll.u32 v49, $0x1;
	v45 =	vadd.s32 v48, v45  }
0x7f: {  	v46 =	vadd.s32 v53, v46;
	v45 =	vshll.u32 v45, $0x3  }
0x80: {  	v45 =	vadd.s32 v46, v45  }
0x81: {  	v45 =	vadd.s32 v50, v45;
	_ =	sdelay $0x4  }
0x82: {  	v54 =	vld.idx.msk [tilespmem:v45+s4+$0x0], $0xffff  }
0x83: {  	v45 =	vadd.s32 $0x40, v45;
	_ =	sdelay $0x2  }
0x84: {  	s12 =	sor.u32 $0x30, s2  }
0x85: {  	[tilespmem:v24+s12+$0x0 ss:$0x1] =	vst.idx.msk $0xffff, v54  }
0x86: {  	v45 =	vld.idx.msk [tilespmem:v45+s4+$0x0], $0xffff  }
0x87: {  	v55 =	vor.u32 v6, v26  }
0x88: {  	v56 =	vor.u32 v7, v26  }
0x89: {  	v57 =	vor.u32 v8, v26  }
0x8a: {  	v58 =	vor.u32 v9, v26  }
0x8b: {  	v59 =	vor.u32 v10, v26;
	[tilespmem:v25+s12+$0x0 ss:$0x1] =	vst.idx.msk $0xffff, v45  }
0x8c: {  	v46 =	vld.idx.msk [tilespmem:v55+s30+$0x0], $0xffff  }
0x8d: {  	v47 =	vld.idx.msk [tilespmem:v56+s30+$0x0], $0xffff  }
0x8e: {  	v60 =	vor.u32 v11, v26;
	v48 =	vld.idx.msk [tilespmem:v57+s30+$0x0], $0xffff  }
0x8f: {  	v49 =	vld.idx.msk [tilespmem:v58+s30+$0x0], $0xffff  }
0x90: {  	v45 =	vld.idx.msk [tilespmem:v59+s30+$0x0], $0xffff;
	_ =	sdelay $0x2  }
0x91: {  	v50 =	vld.idx.msk [tilespmem:v60+s30+$0x0], $0xffff;
	v46 =	vshll.u32 v46, $0x2;
	v47 =	vshll.u32 v47, $0x1  }
0x92: {  	v46 =	vadd.s32 v46, v47  }
0x93: {  	v61 =	vshll.u32 v49, $0x2;
	v45 =	vshll.u32 v45, $0x1;
	v46 =	vadd.s32 v48, v46  }
0x94: {  	v45 =	vadd.s32 v45, v61;
	v46 =	vshll.u32 v46, $0x3  }
0x95: {  	v45 =	vadd.s32 v45, v46  }
0x96: {  	v45 =	vadd.s32 v50, v45;
	_ =	sdelay $0x4  }
0x97: {  	v62 =	vld.idx.msk [tilespmem:v45+s4+$0x0], $0xffff  }
0x98: {  	v45 =	vadd.s32 $0x40, v45;
	_ =	sdelay $0x2  }
0x99: {  	s13 =	sor.u32 $0x80, s2  }
0x9a: {  	[tilespmem:v24+s13+$0x0 ss:$0x1] =	vst.idx.msk $0xffff, v62  }
0x9b: {  	v45 =	vld.idx.msk [tilespmem:v45+s4+$0x0], $0xffff  }
0x9c: {  	v63 =	vor.u32 $0x80, v27  }
0x9d: {  	v52 =	vor.u32 $0x80, v28  }
0x9e: {  	v53 =	vor.u32 $0x80, v29  }
0x9f: {  	v54 =	vor.u32 $0x80, v30  }
0xa0: {  	v55 =	vor.u32 $0x80, v31;
	[tilespmem:v25+s13+$0x0 ss:$0x1] =	vst.idx.msk $0xffff, v45  }
0xa1: {  	v46 =	vld.idx.msk [tilespmem:v63+s30+$0x0], $0xffff  }
0xa2: {  	v47 =	vld.idx.msk [tilespmem:v52+s30+$0x0], $0xffff  }
0xa3: {  	v56 =	vor.u32 $0x80, v32;
	v48 =	vld.idx.msk [tilespmem:v53+s30+$0x0], $0xffff  }
0xa4: {  	v49 =	vld.idx.msk [tilespmem:v54+s30+$0x0], $0xffff  }
0xa5: {  	v45 =	vld.idx.msk [tilespmem:v55+s30+$0x0], $0xffff;
	_ =	sdelay $0x2  }
0xa6: {  	v50 =	vld.idx.msk [tilespmem:v56+s30+$0x0], $0xffff;
	v46 =	vshll.u32 v46, $0x2;
	v47 =	vshll.u32 v47, $0x1  }
0xa7: {  	v46 =	vadd.s32 v46, v47  }
0xa8: {  	v57 =	vshll.u32 v49, $0x2;
	v45 =	vshll.u32 v45, $0x1;
	v46 =	vadd.s32 v48, v46  }
0xa9: {  	v45 =	vadd.s32 v45, v57;
	v46 =	vshll.u32 v46, $0x3  }
0xaa: {  	v45 =	vadd.s32 v45, v46  }
0xab: {  	v45 =	vadd.s32 v50, v45;
	_ =	sdelay $0x4  }
0xac: {  	v58 =	vld.idx.msk [tilespmem:v45+s4+$0x0], $0xffff  }
0xad: {  	v45 =	vadd.s32 $0x40, v45;
	_ =	sdelay $0x2  }
0xae: {  	s9 =	sor.u32 $0x90, s2  }
0xaf: {  	[tilespmem:v24+s9+$0x0 ss:$0x1] =	vst.idx.msk $0xffff, v58  }
0xb0: {  	v45 =	vld.idx.msk [tilespmem:v45+s4+$0x0], $0xffff  }
0xb1: {  	v59 =	vor.u32 $0x80, v33  }
0xb2: {  	v60 =	vor.u32 $0x80, v34  }
0xb3: {  	v61 =	vor.u32 $0x80, v35  }
0xb4: {  	v62 =	vor.u32 $0x80, v36  }
0xb5: {  	v63 =	vor.u32 $0x80, v37;
	[tilespmem:v25+s9+$0x0 ss:$0x1] =	vst.idx.msk $0xffff, v45  }
0xb6: {  	v46 =	vld.idx.msk [tilespmem:v59+s30+$0x0], $0xffff  }
0xb7: {  	v47 =	vld.idx.msk [tilespmem:v60+s30+$0x0], $0xffff  }
0xb8: {  	v52 =	vor.u32 $0x80, v38;
	v48 =	vld.idx.msk [tilespmem:v61+s30+$0x0], $0xffff  }
0xb9: {  	v49 =	vld.idx.msk [tilespmem:v62+s30+$0x0], $0xffff  }
0xba: {  	v45 =	vld.idx.msk [tilespmem:v63+s30+$0x0], $0xffff;
	_ =	sdelay $0x2  }
0xbb: {  	v50 =	vld.idx.msk [tilespmem:v52+s30+$0x0], $0xffff;
	v46 =	vshll.u32 v46, $0x2;
	v47 =	vshll.u32 v47, $0x1  }
0xbc: {  	v46 =	vadd.s32 v46, v47  }
0xbd: {  	v53 =	vshll.u32 v49, $0x2;
	v45 =	vshll.u32 v45, $0x1;
	v46 =	vadd.s32 v48, v46  }
0xbe: {  	v45 =	vadd.s32 v45, v53;
	v46 =	vshll.u32 v46, $0x3  }
0xbf: {  	v45 =	vadd.s32 v45, v46  }
0xc0: {  	v45 =	vadd.s32 v50, v45;
	_ =	sdelay $0x4  }
0xc1: {  	v54 =	vld.idx.msk [tilespmem:v45+s4+$0x0], $0xffff  }
0xc2: {  	v45 =	vadd.s32 $0x40, v45;
	_ =	sdelay $0x2  }
0xc3: {  	s12 =	sor.u32 $0xA0, s2  }
0xc4: {  	[tilespmem:v24+s12+$0x0 ss:$0x1] =	vst.idx.msk $0xffff, v54  }
0xc5: {  	v45 =	vld.idx.msk [tilespmem:v45+s4+$0x0], $0xffff  }
0xc6: {  	v55 =	vor.u32 $0x80, v39  }
0xc7: {  	v56 =	vor.u32 $0x80, v40  }
0xc8: {  	v57 =	vor.u32 $0x80, v41  }
0xc9: {  	v58 =	vor.u32 $0x80, v42  }
0xca: {  	v59 =	vor.u32 $0x80, v43;
	[tilespmem:v25+s12+$0x0 ss:$0x1] =	vst.idx.msk $0xffff, v45  }
0xcb: {  	v46 =	vld.idx.msk [tilespmem:v55+s30+$0x0], $0xffff  }
0xcc: {  	v47 =	vld.idx.msk [tilespmem:v56+s30+$0x0], $0xffff  }
0xcd: {  	v60 =	vor.u32 $0x80, v44;
	v48 =	vld.idx.msk [tilespmem:v57+s30+$0x0], $0xffff  }
0xce: {  	v49 =	vld.idx.msk [tilespmem:v58+s30+$0x0], $0xffff  }
0xcf: {  	v45 =	vld.idx.msk [tilespmem:v59+s30+$0x0], $0xffff;
	_ =	sdelay $0x2  }
0xd0: {  	v50 =	vld.idx.msk [tilespmem:v60+s30+$0x0], $0xffff;
	v46 =	vshll.u32 v46, $0x2;
	v47 =	vshll.u32 v47, $0x1  }
0xd1: {  	v46 =	vadd.s32 v46, v47  }
0xd2: {  	v61 =	vshll.u32 v49, $0x2;
	v45 =	vshll.u32 v45, $0x1;
	v46 =	vadd.s32 v48, v46  }
0xd3: {  	v45 =	vadd.s32 v45, v61;
	v46 =	vshll.u32 v46, $0x3  }
0xd4: {  	v45 =	vadd.s32 v45, v46  }
0xd5: {  	v45 =	vadd.s32 v50, v45;
	_ =	sdelay $0x4  }
0xd6: {  	v62 =	vld.idx.msk [tilespmem:v45+s4+$0x0], $0xffff  }
0xd7: {  	v45 =	vadd.s32 $0x40, v45;
	_ =	sdelay $0x2  }
0xd8: {  	s2 =	sor.u32 $0xB0, s2  }
0xd9: {  	[tilespmem:v24+s2+$0x0 ss:$0x1] =	vst.idx.msk $0xffff, v62  }
0xda: {  	v45 =	vld.idx.msk [tilespmem:v45+s4+$0x0], $0xffff  }
0xdb: {  	v63 =	vor.u32 v12, v26  }
0xdc: {  	v52 =	vor.u32 v13, v26  }
0xdd: {  	v53 =	vor.u32 v14, v26  }
0xde: {  	v54 =	vor.u32 v15, v26  }
0xdf: {  	v55 =	vor.u32 v16, v26;
	[tilespmem:v25+s2+$0x0 ss:$0x1] =	vst.idx.msk $0xffff, v45  }
0xe0: {  	v46 =	vld.idx.msk [tilespmem:v63+s30+$0x0], $0xffff  }
0xe1: {  	v47 =	vld.idx.msk [tilespmem:v52+s30+$0x0], $0xffff  }
0xe2: {  	v56 =	vor.u32 v17, v26;
	v48 =	vld.idx.msk [tilespmem:v53+s30+$0x0], $0xffff  }
0xe3: {  	v49 =	vld.idx.msk [tilespmem:v54+s30+$0x0], $0xffff  }
0xe4: {  	v45 =	vld.idx.msk [tilespmem:v55+s30+$0x0], $0xffff;
	_ =	sdelay $0x2  }
0xe5: {  	v50 =	vld.idx.msk [tilespmem:v56+s30+$0x0], $0xffff;
	v46 =	vshll.u32 v46, $0x2;
	v47 =	vshll.u32 v47, $0x1  }
0xe6: {  	v46 =	vadd.s32 v46, v47  }
0xe7: {  	v57 =	vshll.u32 v49, $0x2;
	v45 =	vshll.u32 v45, $0x1;
	v46 =	vadd.s32 v48, v46  }
0xe8: {  	v45 =	vadd.s32 v45, v57;
	v46 =	vshll.u32 v46, $0x3  }
0xe9: {  	v45 =	vadd.s32 v45, v46  }
0xea: {  	v45 =	vadd.s32 v50, v45;
	_ =	sdelay $0x4  }
0xeb: {  	s2 =	simm.s32 $0x1;
	v58 =	vld.idx.msk [tilespmem:v45+s4+$0x0], $0xffff  }
0xec: {  	s2 =	simm.s32 @!p1 $0x0;
	v45 =	vadd.s32 $0x40, v45  }
0xed: {  	s2 =	sshll.u32 s2, $0x6  }
0xee: {  	s2 =	sadd.s32 s2, s3  }
0xef: {  	s13 =	sor.u32 $0x100, s2  }
0xf0: {  	[tilespmem:v24+s13+$0x0 ss:$0x1] =	vst.idx.msk $0xffff, v58  }
0xf1: {  	v45 =	vld.idx.msk [tilespmem:v45+s4+$0x0], $0xffff  }
0xf2: {  	v59 =	vor.u32 $0x100, v27  }
0xf3: {  	v60 =	vor.u32 $0x100, v28  }
0xf4: {  	v61 =	vor.u32 $0x100, v29  }
0xf5: {  	v62 =	vor.u32 $0x100, v30  }
0xf6: {  	v63 =	vor.u32 $0x100, v31;
	[tilespmem:v25+s13+$0x0 ss:$0x1] =	vst.idx.msk $0xffff, v45  }
0xf7: {  	v46 =	vld.idx.msk [tilespmem:v59+s30+$0x0], $0xffff  }
0xf8: {  	v47 =	vld.idx.msk [tilespmem:v60+s30+$0x0], $0xffff  }
0xf9: {  	v52 =	vor.u32 $0x100, v32;
	v48 =	vld.idx.msk [tilespmem:v61+s30+$0x0], $0xffff  }
0xfa: {  	v49 =	vld.idx.msk [tilespmem:v62+s30+$0x0], $0xffff  }
0xfb: {  	v45 =	vld.idx.msk [tilespmem:v63+s30+$0x0], $0xffff;
	_ =	sdelay $0x2  }
0xfc: {  	v50 =	vld.idx.msk [tilespmem:v52+s30+$0x0], $0xffff;
	v46 =	vshll.u32 v46, $0x2;
	v47 =	vshll.u32 v47, $0x1  }
0xfd: {  	v46 =	vadd.s32 v46, v47  }
0xfe: {  	v53 =	vshll.u32 v49, $0x2;
	v45 =	vshll.u32 v45, $0x1;
	v46 =	vadd.s32 v48, v46  }
0xff: {  	v45 =	vadd.s32 v45, v53;
	v46 =	vshll.u32 v46, $0x3  }
0x100: {  	v45 =	vadd.s32 v45, v46  }
0x101: {  	v45 =	vadd.s32 v50, v45;
	_ =	sdelay $0x4  }
0x102: {  	v54 =	vld.idx.msk [tilespmem:v45+s4+$0x0], $0xffff  }
0x103: {  	v45 =	vadd.s32 $0x40, v45;
	_ =	sdelay $0x1  }
0x104: {  	s12 =	sadd.s32 $0x10, s2  }
0x105: {  	s9 =	sor.u32 $0x100, s12  }
0x106: {  	[tilespmem:v24+s9+$0x0 ss:$0x1] =	vst.idx.msk $0xffff, v54  }
0x107: {  	v45 =	vld.idx.msk [tilespmem:v45+s4+$0x0], $0xffff  }
0x108: {  	v55 =	vor.u32 $0x100, v33  }
0x109: {  	v56 =	vor.u32 $0x100, v34  }
0x10a: {  	v57 =	vor.u32 $0x100, v35  }
0x10b: {  	v58 =	vor.u32 $0x100, v36  }
0x10c: {  	v59 =	vor.u32 $0x100, v37;
	[tilespmem:v25+s9+$0x0 ss:$0x1] =	vst.idx.msk $0xffff, v45  }
0x10d: {  	v46 =	vld.idx.msk [tilespmem:v55+s30+$0x0], $0xffff  }
0x10e: {  	v47 =	vld.idx.msk [tilespmem:v56+s30+$0x0], $0xffff  }
0x10f: {  	v60 =	vor.u32 $0x100, v38;
	v48 =	vld.idx.msk [tilespmem:v57+s30+$0x0], $0xffff  }
0x110: {  	v49 =	vld.idx.msk [tilespmem:v58+s30+$0x0], $0xffff  }
0x111: {  	v45 =	vld.idx.msk [tilespmem:v59+s30+$0x0], $0xffff;
	_ =	sdelay $0x2  }
0x112: {  	v50 =	vld.idx.msk [tilespmem:v60+s30+$0x0], $0xffff;
	v46 =	vshll.u32 v46, $0x2;
	v47 =	vshll.u32 v47, $0x1  }
0x113: {  	v46 =	vadd.s32 v46, v47  }
0x114: {  	v61 =	vshll.u32 v49, $0x2;
	v45 =	vshll.u32 v45, $0x1;
	v46 =	vadd.s32 v48, v46  }
0x115: {  	v45 =	vadd.s32 v45, v61;
	v46 =	vshll.u32 v46, $0x3  }
0x116: {  	v45 =	vadd.s32 v45, v46  }
0x117: {  	v45 =	vadd.s32 v50, v45;
	_ =	sdelay $0x4  }
0x118: {  	v62 =	vld.idx.msk [tilespmem:v45+s4+$0x0], $0xffff  }
0x119: {  	v45 =	vadd.s32 $0x40, v45;
	_ =	sdelay $0x1  }
0x11a: {  	s8 =	sadd.s32 $0x20, s2  }
0x11b: {  	s13 =	sor.u32 $0x100, s8  }
0x11c: {  	[tilespmem:v24+s13+$0x0 ss:$0x1] =	vst.idx.msk $0xffff, v62  }
0x11d: {  	v45 =	vld.idx.msk [tilespmem:v45+s4+$0x0], $0xffff  }
0x11e: {  	v63 =	vor.u32 $0x100, v39  }
0x11f: {  	v52 =	vor.u32 $0x100, v40  }
0x120: {  	v53 =	vor.u32 $0x100, v41  }
0x121: {  	v54 =	vor.u32 $0x100, v42  }
0x122: {  	v55 =	vor.u32 $0x100, v43;
	[tilespmem:v25+s13+$0x0 ss:$0x1] =	vst.idx.msk $0xffff, v45  }
0x123: {  	v46 =	vld.idx.msk [tilespmem:v63+s30+$0x0], $0xffff  }
0x124: {  	v47 =	vld.idx.msk [tilespmem:v52+s30+$0x0], $0xffff  }
0x125: {  	v56 =	vor.u32 $0x100, v44;
	v48 =	vld.idx.msk [tilespmem:v53+s30+$0x0], $0xffff  }
0x126: {  	v49 =	vld.idx.msk [tilespmem:v54+s30+$0x0], $0xffff  }
0x127: {  	v45 =	vld.idx.msk [tilespmem:v55+s30+$0x0], $0xffff;
	_ =	sdelay $0x2  }
0x128: {  	v50 =	vld.idx.msk [tilespmem:v56+s30+$0x0], $0xffff;
	v46 =	vshll.u32 v46, $0x2;
	v47 =	vshll.u32 v47, $0x1  }
0x129: {  	v46 =	vadd.s32 v46, v47  }
0x12a: {  	v57 =	vshll.u32 v49, $0x2;
	v45 =	vshll.u32 v45, $0x1;
	v46 =	vadd.s32 v48, v46  }
0x12b: {  	v45 =	vadd.s32 v45, v57;
	v46 =	vshll.u32 v46, $0x3  }
0x12c: {  	v45 =	vadd.s32 v45, v46  }
0x12d: {  	v45 =	vadd.s32 v50, v45;
	_ =	sdelay $0x4  }
0x12e: {  	v58 =	vld.idx.msk [tilespmem:v45+s4+$0x0], $0xffff  }
0x12f: {  	v45 =	vadd.s32 $0x40, v45;
	_ =	sdelay $0x1  }
0x130: {  	s9 =	sadd.s32 $0x30, s2  }
0x131: {  	s13 =	sor.u32 $0x100, s9  }
0x132: {  	[tilespmem:v24+s13+$0x0 ss:$0x1] =	vst.idx.msk $0xffff, v58  }
0x133: {  	v45 =	vld.idx.msk [tilespmem:v45+s4+$0x0], $0xffff  }
0x134: {  	v59 =	vor.u32 v18, v26  }
0x135: {  	v60 =	vor.u32 v19, v26  }
0x136: {  	v61 =	vor.u32 v20, v26  }
0x137: {  	v62 =	vor.u32 v21, v26  }
0x138: {  	v63 =	vor.u32 v22, v26;
	[tilespmem:v25+s13+$0x0 ss:$0x1] =	vst.idx.msk $0xffff, v45  }
0x139: {  	v46 =	vld.idx.msk [tilespmem:v59+s30+$0x0], $0xffff  }
0x13a: {  	v47 =	vld.idx.msk [tilespmem:v60+s30+$0x0], $0xffff  }
0x13b: {  	v26 =	vor.u32 v23, v26;
	v48 =	vld.idx.msk [tilespmem:v61+s30+$0x0], $0xffff  }
0x13c: {  	v49 =	vld.idx.msk [tilespmem:v62+s30+$0x0], $0xffff  }
0x13d: {  	v45 =	vld.idx.msk [tilespmem:v63+s30+$0x0], $0xffff;
	_ =	sdelay $0x2  }
0x13e: {  	v26 =	vld.idx.msk [tilespmem:v26+s30+$0x0], $0xffff;
	v46 =	vshll.u32 v46, $0x2;
	v47 =	vshll.u32 v47, $0x1  }
0x13f: {  	v46 =	vadd.s32 v46, v47  }
0x140: {  	v51 =	vshll.u32 v49, $0x2;
	v45 =	vshll.u32 v45, $0x1;
	v46 =	vadd.s32 v48, v46  }
0x141: {  	v45 =	vadd.s32 v45, v51;
	v46 =	vshll.u32 v46, $0x3  }
0x142: {  	v45 =	vadd.s32 v45, v46  }
0x143: {  	v26 =	vadd.s32 v26, v45;
	_ =	sdelay $0x4  }
0x144: {  	v45 =	vld.idx.msk [tilespmem:v26+s4+$0x0], $0xffff  }
0x145: {  	v26 =	vadd.s32 $0x40, v26;
	_ =	sdelay $0x2  }
0x146: {  	s2 =	sor.u32 $0x180, s2  }
0x147: {  	[tilespmem:v24+s2+$0x0 ss:$0x1] =	vst.idx.msk $0xffff, v45  }
0x148: {  	v26 =	vld.idx.msk [tilespmem:v26+s4+$0x0], $0xffff  }
0x149: {  	v27 =	vor.u32 $0x180, v27  }
0x14a: {  	v28 =	vor.u32 $0x180, v28  }
0x14b: {  	v29 =	vor.u32 $0x180, v29  }
0x14c: {  	v30 =	vor.u32 $0x180, v30  }
0x14d: {  	[tilespmem:v25+s2+$0x0 ss:$0x1] =	vst.idx.msk $0xffff, v26;
	v26 =	vor.u32 $0x180, v31  }
0x14e: {  	v27 =	vld.idx.msk [tilespmem:v27+s30+$0x0], $0xffff  }
0x14f: {  	v28 =	vld.idx.msk [tilespmem:v28+s30+$0x0], $0xffff  }
0x150: {  	v52 =	vor.u32 $0x180, v32;
	v29 =	vld.idx.msk [tilespmem:v29+s30+$0x0], $0xffff  }
0x151: {  	v30 =	vld.idx.msk [tilespmem:v30+s30+$0x0], $0xffff  }
0x152: {  	v26 =	vld.idx.msk [tilespmem:v26+s30+$0x0], $0xffff;
	_ =	sdelay $0x2  }
0x153: {  	v31 =	vld.idx.msk [tilespmem:v52+s30+$0x0], $0xffff;
	v27 =	vshll.u32 v27, $0x2;
	v28 =	vshll.u32 v28, $0x1  }
0x154: {  	v27 =	vadd.s32 v27, v28  }
0x155: {  	v53 =	vshll.u32 v30, $0x2;
	v27 =	vadd.s32 v29, v27;
	v26 =	vshll.u32 v26, $0x1  }
0x156: {  	v27 =	vshll.u32 v27, $0x3;
	v26 =	vadd.s32 v26, v53  }
0x157: {  	v26 =	vadd.s32 v26, v27  }
0x158: {  	v26 =	vadd.s32 v31, v26;
	_ =	sdelay $0x4  }
0x159: {  	v27 =	vld.idx.msk [tilespmem:v26+s4+$0x0], $0xffff  }
0x15a: {  	v26 =	vadd.s32 $0x40, v26;
	_ =	sdelay $0x2  }
0x15b: {  	s13 =	sor.u32 $0x180, s12  }
0x15c: {  	[tilespmem:v24+s13+$0x0 ss:$0x1] =	vst.idx.msk $0xffff, v27  }
0x15d: {  	v26 =	vld.idx.msk [tilespmem:v26+s4+$0x0], $0xffff  }
0x15e: {  	v27 =	vor.u32 $0x180, v33  }
0x15f: {  	v54 =	vor.u32 $0x180, v34  }
0x160: {  	v55 =	vor.u32 $0x180, v35  }
0x161: {  	v56 =	vor.u32 $0x180, v36  }
0x162: {  	[tilespmem:v25+s13+$0x0 ss:$0x1] =	vst.idx.msk $0xffff, v26;
	v26 =	vor.u32 $0x180, v37  }
0x163: {  	v27 =	vld.idx.msk [tilespmem:v27+s30+$0x0], $0xffff  }
0x164: {  	v28 =	vld.idx.msk [tilespmem:v54+s30+$0x0], $0xffff  }
0x165: {  	v57 =	vor.u32 $0x180, v38;
	v29 =	vld.idx.msk [tilespmem:v55+s30+$0x0], $0xffff  }
0x166: {  	v30 =	vld.idx.msk [tilespmem:v56+s30+$0x0], $0xffff  }
0x167: {  	v26 =	vld.idx.msk [tilespmem:v26+s30+$0x0], $0xffff;
	_ =	sdelay $0x2  }
0x168: {  	v31 =	vld.idx.msk [tilespmem:v57+s30+$0x0], $0xffff;
	v27 =	vshll.u32 v27, $0x2;
	v28 =	vshll.u32 v28, $0x1  }
0x169: {  	v27 =	vadd.s32 v27, v28  }
0x16a: {  	v58 =	vshll.u32 v30, $0x2;
	v27 =	vadd.s32 v29, v27;
	v26 =	vshll.u32 v26, $0x1  }
0x16b: {  	v27 =	vshll.u32 v27, $0x3;
	v26 =	vadd.s32 v26, v58  }
0x16c: {  	v26 =	vadd.s32 v26, v27  }
0x16d: {  	v26 =	vadd.s32 v31, v26;
	_ =	sdelay $0x4  }
0x16e: {  	v27 =	vld.idx.msk [tilespmem:v26+s4+$0x0], $0xffff  }
0x16f: {  	v26 =	vadd.s32 $0x40, v26;
	_ =	sdelay $0x2  }
0x170: {  	s12 =	sor.u32 $0x180, s8  }
0x171: {  	[tilespmem:v24+s12+$0x0 ss:$0x1] =	vst.idx.msk $0xffff, v27  }
0x172: {  	v26 =	vld.idx.msk [tilespmem:v26+s4+$0x0], $0xffff  }
0x173: {  	v27 =	vor.u32 $0x180, v39  }
0x174: {  	v59 =	vor.u32 $0x180, v40  }
0x175: {  	v60 =	vor.u32 $0x180, v41  }
0x176: {  	v61 =	vor.u32 $0x180, v42  }
0x177: {  	[tilespmem:v25+s12+$0x0 ss:$0x1] =	vst.idx.msk $0xffff, v26;
	v26 =	vor.u32 $0x180, v43  }
0x178: {  	v27 =	vld.idx.msk [tilespmem:v27+s30+$0x0], $0xffff  }
0x179: {  	v28 =	vld.idx.msk [tilespmem:v59+s30+$0x0], $0xffff  }
0x17a: {  	v62 =	vor.u32 $0x180, v44;
	v29 =	vld.idx.msk [tilespmem:v60+s30+$0x0], $0xffff  }
0x17b: {  	v30 =	vld.idx.msk [tilespmem:v61+s30+$0x0], $0xffff  }
0x17c: {  	v26 =	vld.idx.msk [tilespmem:v26+s30+$0x0], $0xffff;
	_ =	sdelay $0x2  }
0x17d: {  	v31 =	vld.idx.msk [tilespmem:v62+s30+$0x0], $0xffff;
	v27 =	vshll.u32 v27, $0x2;
	v28 =	vshll.u32 v28, $0x1  }
0x17e: {  	v27 =	vadd.s32 v27, v28  }
0x17f: {  	v63 =	vshll.u32 v30, $0x2;
	v27 =	vadd.s32 v29, v27;
	v26 =	vshll.u32 v26, $0x1  }
0x180: {  	v27 =	vshll.u32 v27, $0x3;
	v26 =	vadd.s32 v26, v63  }
0x181: {  	v26 =	vadd.s32 v26, v27  }
0x182: {  	v26 =	vadd.s32 v31, v26;
	_ =	sdelay $0x4  }
0x183: {  	v27 =	vld.idx.msk [tilespmem:v26+s4+$0x0], $0xffff  }
0x184: {  	v26 =	vadd.s32 $0x40, v26;
	_ =	sdelay $0x2  }
0x185: {  	s13 =	sor.u32 $0x180, s9  }
0x186: {  	[tilespmem:v24+s13+$0x0 ss:$0x1] =	vst.idx.msk $0xffff, v27  }
0x187: {  	p2 =	sne.s32 s3, $0xF00;
	v26 =	vld.idx.msk [tilespmem:v26+s4+$0x0], $0xffff  }
.Ltmp0:
0x188: {  	_ = 	snop;
	(pc) =	sbr.rel @p2 .LBB2_3-.Ltmp0, $3  }
0x189: {  	_ =	sdelay $0x1  }
0x18a: {  	s31 =	sadd.s32 $0x40, s31  }
0x18b: {  	s0 =	sadd.s32 $0x180, s0;
	p1 =	por !p1, !p1;
	s3 =	sadd.s32 $0x100, s3;
	[tilespmem:v25+s13+$0x0 ss:$0x1] =	vst.idx.msk $0xffff, v26  }
0x18c: {  	p1 =	seq.s32 s21, $0x1F  }
0x18d: {  	p2 =	seq.s32 @!p1 s22, s16  }
0x18e: {  	s2 =	simm.s32 $0x0;
	p1 =	por p1, !p2  }
0x18f: {  	s0 =	sshll.u32 @p1 s28, $0xC;
	s2 =	sshll.u32 @p1 s22, $0x9  }
0x190: {  	s0 =	sand.u32 @p1 $0xFFFFE000, s0;
	s2 =	sand.u32 @p1 $0x200, s2  }
0x191: {  	s0 =	sor.u32 @p1 s2, s0  }
0x192: {  	_ =	strace $0x9000004B;
	s0 =	sshrl.u32 @p1 s0, $0x3  }
0x193: {  	_ =	strace @p1 $0x8000004C;
	s2 =	sadd.s32 @p1 $0x3, s25;
	s3 =	sadd.s32 @p1 s5, s0  }
0x194: {  	[hbm4b:s3+s10] =	stream.strided.scatter @p1 [tilespmem:s29], [sflag:s2], $0x1000, s11, s10, $0x200038;
	[tilespmem:$0x10080] =	vst v63  }
0x195: {  	s18 =	sadd.s32 @p1 $0x1, s18;
	_ =	strace @p1 $0x9000004C  }
0x196: {  	s0 =	sadd.s32 @p1 s6, s0;
	s2 =	sadd.s32 @p1 $0x5, s24;
	_ =	strace @p1 $0x8000004D  }
0x197: {  	[hbm4b:s0+s10] =	stream.strided.scatter @p1 [tilespmem:s26], [sflag:s2], $0x1000, s11, s10, $0x200038;
	[tilespmem:$0x10080] =	vst v63  }
0x198: {  	s2 =	simm.s32 @p1 $0x1;
	_ =	strace @p1 $0x9000004D;
	p1 =	seq.s32 s21, $0x0  }
0x199: {  	s0 =	sand.u32 @!p1 $0x1, s23  }
0x19a: {  	_ =	strace @!p1 $0x8000004E;
	s0 =	sadd.s32 @!p1 $0x3, s0  }
0x19b: {  	_ =	swait.ge @!p1 [sflag:s0], $0x1000  }
0x19c: {  	[sflag:s0] =	ssyncset.done @!p1 $0x0  }
0x19d: {  	s21 =	sadd.s32 $0x1, s21;
	[sflag:s0] =	ssyncadd.s32 @!p1 $0xFFFFF000;
	s0 =	sand.u32 @!p1 $0x1, s15  }
0x19e: {  	_ =	strace @!p1 $0x9000004E;
	s3 =	sadd.s32 @!p1 $0x5, s0;
	s0 =	simm.s32 $0x1  }
0x19f: {  	_ =	strace @!p1 $0x8000004F;
	s0 =	simm.s32 @!p0 $0x0;
	p0 =	sne.s32 s21, $0x20  }
.Ltmp1:
0x1a0: {  	_ =	swait.ge @!p1 [sflag:s3], $0x1000;
	(pc) =	sbr.rel @p0 .LBB2_2-.Ltmp1, $4  }
0x1a1: {  	s17 =	sadd.s32 s17, s2;
	[sflag:s3] =	ssyncset.done @!p1 $0x0  }
0x1a2: {  	s19 =	sadd.s32 s19, s2;
	[sflag:s3] =	ssyncadd.s32 @!p1 $0xFFFFF000;
	s3 =	simm.s32 @!p1 $0x1  }
0x1a3: {  	s20 =	sadd.s32 s0, s20;
	s0 =	sadd.s32 @!p1 $0x1, s23;
	s3 =	simm.s32 @p1 $0x0  }
0x1a4: {  	s0 =	smov.u32 @p1 s23;
	_ =	strace @!p1 $0x9000004F;
	s15 =	sadd.s32 s15, s3  }
0x1a5: {  	s0 =	sand.u32 $0x1, s0  }
0x1a6: {  	_ =	strace $0x80000050;
	s0 =	sadd.s32 $0x3, s0  }
0x1a7: {  	_ =	swait.ge [sflag:s0], $0x1000  }
0x1a8: {  	s2 =	sand.u32 $0x1, s15;
	[sflag:s0] =	ssyncset.done $0x0  }
0x1a9: {  	s30 =	sadd.s32 $0x5, s2;
	[sflag:s0] =	ssyncadd.s32 $0xFFFFF000  }
0x1aa: {  	_ =	swait.ge [sflag:s30], $0x1000  }
0x1ab: {  	s14 =	sadd.s32 $0x1, s14;
	s31 =	rddreg [dreg:$0x5]  }
0x1ac: {  	p0 =	sne.s32 s14, s31  }
.Ltmp2:
0x1ad: {  	_ = 	snop;
	(pc) =	sbr.rel @p0 .LBB2_1-.Ltmp2, $4  }
0x1ae: {  	_ = 	snop  }
0x1af: {  	[sflag:s30] =	ssyncset.done $0x0  }
0x1b0: {  	[sflag:s30] =	ssyncadd.s32 $0xFFFFF000  }
0x1b1: {  	_ =	strace $0x90000050  }
0x1b2: {  	_ =	sfence.sel $0x180000  }
0x1b3: {  	[bflag:$0x0] =	sbarrier.arrive $0xFFFF  }
0x1b4: {  	_ =	strace $0x90000047  }
0x1b5: {  	s0 =	stileid.u32;
	[bflag:$0x2] =	sbarrier.arrive $0xFFFF  }
0x1b6: {  	p0 =	sne.s32 s0, $0x0;
	s0 =	rddreg [dreg:$0x3]  }
0x1b7: {  	s0 =	sadd.s32 @!p0 $0x100000, s0  }
0x1b8: {  	[sflag:s0] =	ssyncadd.tile.s32 @!p0 $0x1;
	_ =	shalt  }
.Lfunc_end2:
_tile_overlayer_lowered:
.L_overlay_start_2:
0x1b9: {  	(tag) =	ssettag $0x2  }
0x1ba: {  	s0 =	rddreg [dreg:$0x0];
	s2 =	stileid.u32  }
0x1bb: {  	s1 =	rddreg [dreg:$0x1];
	p0 =	sne.s32 s2, $0x0  }
0x1bc: {  	s3 =	rddreg [dreg:$0x2];
	[bflag:$0x3] =	sbarrier.arrive $0xFFFF;
	s2 =	simm.s32 @!p0 $0x1C01  }
0x1bd: {  	[timem:s3], [sflag:s2] =	dma.local @!p0 [hbm:s0], s1  }
0x1be: {  	s0 =	simm.s32 @!p0 $0x1  }
0x1bf: {  	_ =	swait.ge @!p0 [sflag:s0], s1  }
0x1c0: {  	s1 =	ssub.s32 @!p0 $0x0, s1;
	[sflag:s0] =	ssyncset.done @!p0 $0x0  }
0x1c1: {  	[sflag:s0] =	ssyncadd.s32 @!p0 s1  }
0x1c2: {  	[bflag:$0x3] =	sbarrier.arrive $0xFFFF  }
0x1c3: {  	_ =	shalt  }

</sc_bundles>
